<compile_context>
chip_gen: v7x
topology: tpu7x:2x2x1
jax: 0.10.2.dev20260603
libtpu: 0.0.44.dev20260713+nightly
codegen_flags: <defaults>
</compile_context>

<pallas_src>
import jax
import jax.numpy as jnp
from jax import lax
from jax.experimental import pallas as pl
from jax.experimental.pallas import tpu as pltpu
from jax.experimental.pallas import tpu_sc as plsc

N_NODES = 10000
D_FEAT = 128
HIDDEN = 256
N_EDGES = 320000

CHUNK = 128
NSUB = 16
NCORE = 2
NSPAN = NCORE * NSUB
CPT = 80
IBLK = 8
E_PAD = NSPAN * CPT * CHUNK
AGG_ROWS = N_NODES + 8
RMAIN = 624
RTAIL = N_NODES - NSUB * RMAIN

BM = 1000


def _run_spans(x_rows_hbm, srcm_hbm, dstm_hbm, agg, sbuf, dbuf, rows,
               gsem0, gsem1, ssem0, ssem1, isem, span_ids):
  nsp = len(span_ids)
  T = nsp * CPT
  nblk = T // IBLK

  def span_chunk(g):
    if nsp == 1:
      return span_ids[0], g
    sp = g // CPT
    return jnp.where(sp == 0, span_ids[0], span_ids[1]), g - sp * CPT

  def _stage_copies(kb):
    w, gg = span_chunk(kb * IBLK)
    o = pl.multiple_of(gg, IBLK)
    d = pl.ds(pl.multiple_of(lax.rem(kb, 2) * IBLK, IBLK), IBLK)
    return (pltpu.make_async_copy(srcm_hbm.at[w].at[pl.ds(o, IBLK)],
                                  sbuf.at[d], isem),
            pltpu.make_async_copy(dstm_hbm.at[w].at[pl.ds(o, IBLK)],
                                  dbuf.at[d], isem))

  def stage_start(kb):
    for cp in _stage_copies(kb):
      cp.start()

  def stage_wait(kb):
    for cp in _stage_copies(kb):
      cp.wait()

  def gather(g, rbuf, sem):
    return pltpu.make_async_copy(
        x_rows_hbm.at[sbuf.at[lax.rem(g, 2 * IBLK)]], rbuf, sem)

  def scatter_start(g, rbuf, sem):
    pltpu.async_copy(rbuf, agg.at[dbuf.at[lax.rem(g, 2 * IBLK)]], sem,
                     add=True)

  def scatter_wait(g, rbuf, sem):
    pltpu.make_async_copy(rbuf, agg.at[dbuf.at[lax.rem(g, 2 * IBLK)]],
                          sem).wait()

  stage_start(0)
  stage_wait(0)
  gather(0, rows.at[0], gsem0).start()

  def body(t, carry):
    g0 = 2 * t
    g1 = g0 + 1

    @pl.when(lax.rem(g0, IBLK) == 0)
    def _():
      kb = g0 // IBLK

      @pl.when(kb + 1 < nblk)
      def _():
        stage_start(kb + 1)

    gather(g0, rows.at[0], gsem0).wait()
    gather(g1, rows.at[1], gsem1).start()
    scatter_start(g0, rows.at[0], ssem0)
    scatter_wait(g0, rows.at[0], ssem0)

    gather(g1, rows.at[1], gsem1).wait()

    @pl.when(g1 + 1 < T)
    def _():
      nxt = g1 + 1

      @pl.when(lax.rem(nxt, IBLK) == 0)
      def _():
        stage_wait(nxt // IBLK)

      gather(nxt, rows.at[0], gsem0).start()

    scatter_start(g1, rows.at[1], ssem1)
    scatter_wait(g1, rows.at[1], ssem1)
    return carry

  lax.fori_loop(0, T // 2, body, 0)


def _copy_node_rows(src_get, dst_put, s):
  r0 = s * RMAIN
  dst_put(pl.ds(r0, RMAIN), src_get(pl.ds(r0, RMAIN)))

  @pl.when(s == 0)
  def _():
    dst_put(pl.ds(NSUB * RMAIN, RTAIL), src_get(pl.ds(NSUB * RMAIN, RTAIL)))


def _agg1_body(x_hbm, z_hbm, srcm_hbm, dstm_hbm, out_hbm,
               agg, sbuf, dbuf, rows, gsem0, gsem1, ssem0, ssem1, isem):
  c = lax.axis_index("c")
  s = lax.axis_index("s")

  @pl.when(c == 0)
  def _():
    _copy_node_rows(lambda d: x_hbm.at[d], lambda d, r: pltpu.sync_copy(r, agg.at[d]), s)

  @pl.when(c != 0)
  def _():
    pltpu.sync_copy(z_hbm, agg.at[pl.ds(s * RMAIN, RMAIN)])

    @pl.when(s == 0)
    def _():
      pltpu.sync_copy(z_hbm.at[pl.ds(0, RTAIL)],
                      agg.at[pl.ds(NSUB * RMAIN, RTAIL)])

  plsc.subcore_barrier()
  _run_spans(x_hbm, srcm_hbm, dstm_hbm, agg, sbuf, dbuf, rows,
             gsem0, gsem1, ssem0, ssem1, isem, [c * NSUB + s])
  plsc.subcore_barrier()
  _copy_node_rows(lambda d: agg.at[d],
                  lambda d, r: pltpu.sync_copy(r, out_hbm.at[c].at[d]), s)


def _agg23_body(xs_hbm, srcm_hbm, dstm_hbm, out_hbm,
                agg, sbuf, dbuf, rows, gsem0, gsem1, ssem0, ssem1, isem):
  c = lax.axis_index("c")
  s = lax.axis_index("s")
  xc = xs_hbm.at[c]
  _copy_node_rows(lambda d: xc.at[d], lambda d, r: pltpu.sync_copy(r, agg.at[d]), s)
  plsc.subcore_barrier()
  _run_spans(xc, srcm_hbm, dstm_hbm, agg, sbuf, dbuf, rows,
             gsem0, gsem1, ssem0, ssem1, isem, [2 * s, 2 * s + 1])
  plsc.subcore_barrier()
  _copy_node_rows(lambda d: agg.at[d],
                  lambda d, r: pltpu.sync_copy(r, out_hbm.at[c].at[d]), s)


def _make_agg(body):
  mesh = plsc.VectorSubcoreMesh(core_axis_name="c", subcore_axis_name="s")
  return pl.kernel(
      body,
      out_type=jax.ShapeDtypeStruct((NCORE, N_NODES, D_FEAT), jnp.float32),
      mesh=mesh,
      scratch_types=[
          pltpu.VMEM_SHARED((AGG_ROWS, D_FEAT), jnp.float32),
          pltpu.VMEM((2 * IBLK, CHUNK), jnp.int32),
          pltpu.VMEM((2 * IBLK, CHUNK), jnp.int32),
          pltpu.VMEM((2, CHUNK, D_FEAT), jnp.float32),
          pltpu.SemaphoreType.DMA,
          pltpu.SemaphoreType.DMA,
          pltpu.SemaphoreType.DMA,
          pltpu.SemaphoreType.DMA,
          pltpu.SemaphoreType.DMA,
      ],
  )


_agg1 = _make_agg(_agg1_body)
_agg23 = _make_agg(_agg23_body)


def _relu(v):
  return jnp.maximum(v, 0.0)


def _mlp1_body(p_ref, wa_ref, ba_ref, wb_ref, bb_ref, out_ref):
  h0 = p_ref[0] + p_ref[1]
  h1 = _relu(jnp.dot(h0, wa_ref[...], preferred_element_type=jnp.float32)
             + ba_ref[...])
  h2 = _relu(jnp.dot(h1, wb_ref[...], preferred_element_type=jnp.float32)
             + bb_ref[...])
  out_ref[0] = h2[:, :D_FEAT]
  out_ref[1] = h2[:, D_FEAT:]


def _mlp2_body(p_ref, r_ref, wa_ref, ba_ref, wb_ref, bb_ref, out_ref):
  h0 = jnp.concatenate([p_ref[0], p_ref[1]], axis=1)
  h1 = _relu(jnp.dot(h0, wa_ref[...], preferred_element_type=jnp.float32)
             + ba_ref[...])
  h2 = _relu(jnp.dot(h1, wb_ref[...], preferred_element_type=jnp.float32)
             + bb_ref[...])
  out_ref[0] = h2[:, :D_FEAT] + r_ref[0]
  out_ref[1] = h2[:, D_FEAT:] + r_ref[1]


def _mlp3_head_body(p_ref, r_ref, wa_ref, ba_ref, wb_ref, bb_ref,
                    wl1_ref, bl1_ref, wl2_ref, bl2_ref, y_ref):
  h0 = jnp.concatenate([p_ref[0], p_ref[1]], axis=1)
  h1 = _relu(jnp.dot(h0, wa_ref[...], preferred_element_type=jnp.float32)
             + ba_ref[...])
  h2 = _relu(jnp.dot(h1, wb_ref[...], preferred_element_type=jnp.float32)
             + bb_ref[...])
  x3 = h2 + jnp.concatenate([r_ref[0], r_ref[1]], axis=1)
  h = _relu(jnp.dot(x3, wl1_ref[...], preferred_element_type=jnp.float32)
            + bl1_ref[...])
  y_ref[...] = (jnp.dot(h, wl2_ref[...], preferred_element_type=jnp.float32)
                + bl2_ref[...])


def _split_spec():
  return pl.BlockSpec((NCORE, BM, D_FEAT), lambda i: (0, i, 0))


def _full_spec(shape):
  nd = len(shape)
  return pl.BlockSpec(shape, lambda i: (0,) * nd)


def _mlp1(p, wa, ba, wb, bb):
  return pl.pallas_call(
      _mlp1_body,
      grid=(N_NODES // BM,),
      in_specs=[_split_spec(), _full_spec(wa.shape), _full_spec(ba.shape),
                _full_spec(wb.shape), _full_spec(bb.shape)],
      out_specs=_split_spec(),
      out_shape=jax.ShapeDtypeStruct((NCORE, N_NODES, D_FEAT), jnp.float32),
  )(p, wa, ba, wb, bb)


def _mlp2(p, r, wa, ba, wb, bb):
  return pl.pallas_call(
      _mlp2_body,
      grid=(N_NODES // BM,),
      in_specs=[_split_spec(), _split_spec(), _full_spec(wa.shape),
                _full_spec(ba.shape), _full_spec(wb.shape),
                _full_spec(bb.shape)],
      out_specs=_split_spec(),
      out_shape=jax.ShapeDtypeStruct((NCORE, N_NODES, D_FEAT), jnp.float32),
  )(p, r, wa, ba, wb, bb)


def _mlp3_head(p, r, wa, ba, wb, bb, wl1, bl1, wl2, bl2):
  return pl.pallas_call(
      _mlp3_head_body,
      grid=(N_NODES // BM,),
      in_specs=[_split_spec(), _split_spec(), _full_spec(wa.shape),
                _full_spec(ba.shape), _full_spec(wb.shape),
                _full_spec(bb.shape), _full_spec(wl1.shape),
                _full_spec(bl1.shape), _full_spec(wl2.shape),
                _full_spec(bl2.shape)],
      out_specs=pl.BlockSpec((BM, 1), lambda i: (i, 0)),
      out_shape=jax.ShapeDtypeStruct((N_NODES, 1), jnp.float32),
  )(p, r, wa, ba, wb, bb, wl1, bl1, wl2, bl2)


def kernel(x, edge_index, W1a, b1a, W1b, b1b, W2a, b2a, W2b, b2b,
           W3a, b3a, W3b, b3b, Wl1, bl1, Wl2, bl2):
  ei = edge_index.astype(jnp.int32)
  npad = E_PAD - N_EDGES
  pad_src = jnp.zeros((npad,), jnp.int32)
  pad_dst = N_NODES + (jnp.arange(npad, dtype=jnp.int32) % 8)
  srcm = jnp.concatenate([ei[0], pad_src]).reshape(NSPAN, CPT, CHUNK)
  dstm = jnp.concatenate([ei[1], pad_dst]).reshape(NSPAN, CPT, CHUNK)
  zrows = jnp.zeros((RMAIN, D_FEAT), jnp.float32)
  b1a2, b1b2 = b1a.reshape(1, -1), b1b.reshape(1, -1)
  b2a2, b2b2 = b2a.reshape(1, -1), b2b.reshape(1, -1)
  b3a2, b3b2 = b3a.reshape(1, -1), b3b.reshape(1, -1)
  bl12, bl22 = bl1.reshape(1, -1), bl2.reshape(1, -1)

  p1 = _agg1(x, zrows, srcm, dstm)
  x1 = _mlp1(p1, W1a, b1a2, W1b, b1b2)
  p2 = _agg23(x1, srcm, dstm)
  x2 = _mlp2(p2, x1, W2a, b2a2, W2b, b2b2)
  p3 = _agg23(x2, srcm, dstm)
  y = _mlp3_head(p3, x2, W3a, b3a2, W3b, b3b2, Wl1, bl12, Wl2, bl22)
  return y

# --- scband reference (transcript-rebuilt; emitter-appended) ---
"""Pipeline reference for scband-net-90537910600157 (READ-ONLY COPY).

The authoritative reference and input builder live on the scoring server;
editing this copy changes nothing except your own understanding.
"""

import jax, jax.numpy as jnp
import numpy as np

N_NODES = 10000
D_FEAT = 128
HIDDEN = 256
N_EDGES = 320000


def _mk_linear(key, fan_in, fan_out):
    k1, k2 = jax.random.split(key)
    s = 1.0 / np.sqrt(fan_in)
    W = jax.random.uniform(k1, (fan_in, fan_out), minval=-s, maxval=s, dtype=jnp.float32)
    b = jax.random.uniform(k2, (fan_out,), minval=-s, maxval=s, dtype=jnp.float32)
    return W, b


def setup_inputs(seed: int = 0) -> dict:
    key = jax.random.key(seed)
    keys = jax.random.split(key, 12)
    x = jax.random.normal(keys[0], (N_NODES, D_FEAT), dtype=jnp.float32)
    edge_index = jax.random.randint(keys[1], (2, N_EDGES), 0, N_NODES, dtype=jnp.int64)
    # GIN block 1 MLP: Linear(128,256) -> ReLU -> Linear(256,256) -> ReLU
    W1a, b1a = _mk_linear(keys[2], D_FEAT, HIDDEN)
    W1b, b1b = _mk_linear(keys[3], HIDDEN, HIDDEN)
    # GIN block 2
    W2a, b2a = _mk_linear(keys[4], HIDDEN, HIDDEN)
    W2b, b2b = _mk_linear(keys[5], HIDDEN, HIDDEN)
    # GIN block 3
    W3a, b3a = _mk_linear(keys[6], HIDDEN, HIDDEN)
    W3b, b3b = _mk_linear(keys[7], HIDDEN, HIDDEN)
    # lin1, lin2
    Wl1, bl1 = _mk_linear(keys[8], HIDDEN, HIDDEN)
    Wl2, bl2 = _mk_linear(keys[9], HIDDEN, 1)
    return {
        'x': x, 'edge_index': edge_index,
        'W1a': W1a, 'b1a': b1a, 'W1b': W1b, 'b1b': b1b,
        'W2a': W2a, 'b2a': b2a, 'W2b': W2b, 'b2b': b2b,
        'W3a': W3a, 'b3a': b3a, 'W3b': W3b, 'b3b': b3b,
        'Wl1': Wl1, 'bl1': bl1, 'Wl2': Wl2, 'bl2': bl2,
    }


def _gin_conv(x, edge_index, Wa, ba, Wb, bb):
    # GINConv with eps=0: h = MLP((1+eps)*x + sum_{j in N(i)} x_j)
    src = edge_index[0]
    dst = edge_index[1]
    msgs = jnp.take(x, src, axis=0)
    agg = jax.ops.segment_sum(msgs, dst, num_segments=x.shape[0])
    h = x + agg
    h = jax.nn.relu(h @ Wa + ba)
    h = jax.nn.relu(h @ Wb + bb)
    return h


def reference(x, edge_index, W1a, b1a, W1b, b1b, W2a, b2a, W2b, b2b, W3a, b3a, W3b, b3b, Wl1, bl1, Wl2, bl2):
    # residual=1, jk=False, pre_linear=False
    out = _gin_conv(x, edge_index, W1a, b1a, W1b, b1b)
    x1 = out  # i==0 and residual != 2
    out = _gin_conv(x1, edge_index, W2a, b2a, W2b, b2b)
    x2 = out + x1
    out = _gin_conv(x2, edge_index, W3a, b3a, W3b, b3b)
    x3 = out + x2
    h = jax.nn.relu(x3 @ Wl1 + bl1)
    y = h @ Wl2 + bl2
    return y

if __name__ == "__main__":
    import jax
    _d = setup_inputs()
    print(jax.jit(kernel)(*tuple(_d.values())))

</pallas_src>

<mosaic_0001>
#map = affine_map<(d0, d1) -> (0, 0, 0)>
module attributes {stable_mosaic.version = 14 : i64} {
  func.func @_agg23_body(%arg0: i32, %arg1: i32, %arg2: memref<2x10000x128xf32, #tpu.memory_space<hbm>>, %arg3: memref<32x80x128xi32, #tpu.memory_space<hbm>>, %arg4: memref<32x80x128xi32, #tpu.memory_space<hbm>>, %arg5: memref<2x10000x128xf32, #tpu.memory_space<hbm>>, %arg6: memref<10008x128xf32, #tpu.memory_space<vmem_shared>>, %arg7: memref<16x128xi32, #tpu.memory_space<vmem>>, %arg8: memref<16x128xi32, #tpu.memory_space<vmem>>, %arg9: memref<2x128x128xf32, #tpu.memory_space<vmem>>, %arg10: memref<!tpu.dma_semaphore, #tpu.memory_space<semaphore_mem>>, %arg11: memref<!tpu.dma_semaphore, #tpu.memory_space<semaphore_mem>>, %arg12: memref<!tpu.dma_semaphore, #tpu.memory_space<semaphore_mem>>, %arg13: memref<!tpu.dma_semaphore, #tpu.memory_space<semaphore_mem>>, %arg14: memref<!tpu.dma_semaphore, #tpu.memory_space<semaphore_mem>>) attributes {dimension_semantics = [#tpu.dimension_semantics<core_parallel>, #tpu.dimension_semantics<subcore_parallel>], iteration_bounds = array<i64: 2, 16>, scalar_prefetch = 0 : i64, scratch_operands = 9 : i64, tpu.core_type = #tpu.core_type<sc_vector_subcore>, window_params = [{transform_indices = #map}, {transform_indices = #map}, {transform_indices = #map}, {transform_indices = #map}]} {
    %mul3A = arith.constant 624 : i32
    %mul3A_0 = arith.muli %arg1, %mul3A : i32
    "tpu.region"() ({
      %run_scoped3A = tpu.sem_alloc : memref<!tpu.dma_semaphore, #tpu.memory_space<semaphore_mem>>
      %dma_start3A_117 = arith.constant 0 : i32
      %dma_start3A_118 = tpu.memref_slice %arg6[%mul3A_0, %dma_start3A_117] : memref<10008x128xf32, #tpu.memory_space<vmem_shared>> -> memref<624x128xf32, #tpu.memory_space<vmem_shared>>
      %dma_start3A_119 = arith.constant 0 : i32
      %dma_start3A_120 = arith.constant 0 : i32
      %dma_start3A_121 = tpu.memref_slice %arg2[%arg0, %dma_start3A_119, %dma_start3A_120] : memref<2x10000x128xf32, #tpu.memory_space<hbm>> -> memref<1x10000x128xf32, #tpu.memory_space<hbm>>
      %dma_start3A_122 = tpu.memref_squeeze %dma_start3A_121 : memref<1x10000x128xf32, #tpu.memory_space<hbm>> -> memref<10000x128xf32, #tpu.memory_space<hbm>>
      %dma_start3A_123 = arith.constant 0 : i32
      %dma_start3A_124 = tpu.memref_slice %dma_start3A_122[%mul3A_0, %dma_start3A_123] : memref<10000x128xf32, #tpu.memory_space<hbm>> -> memref<624x128xf32, #tpu.memory_space<hbm>>
      tpu.enqueue_dma source(%dma_start3A_124 : memref<624x128xf32, #tpu.memory_space<hbm>>) target(%dma_start3A_118 : memref<624x128xf32, #tpu.memory_space<vmem_shared>>) target_semaphore(%run_scoped3A : memref<!tpu.dma_semaphore, #tpu.memory_space<semaphore_mem>>)
      %dma_wait3A_125 = arith.constant 0 : i32
      %dma_wait3A_126 = tpu.memref_slice %arg6[%mul3A_0, %dma_wait3A_125] : memref<10008x128xf32, #tpu.memory_space<vmem_shared>> -> memref<624x128xf32, #tpu.memory_space<vmem_shared>>
      %dma_wait3A_127 = arith.constant 0 : i32
      %dma_wait3A_128 = arith.constant 0 : i32
      %dma_wait3A_129 = tpu.memref_slice %arg2[%arg0, %dma_wait3A_127, %dma_wait3A_128] : memref<2x10000x128xf32, #tpu.memory_space<hbm>> -> memref<1x10000x128xf32, #tpu.memory_space<hbm>>
      %dma_wait3A_130 = tpu.memref_squeeze %dma_wait3A_129 : memref<1x10000x128xf32, #tpu.memory_space<hbm>> -> memref<10000x128xf32, #tpu.memory_space<hbm>>
      %dma_wait3A_131 = arith.constant 0 : i32
      %dma_wait3A_132 = tpu.memref_slice %dma_wait3A_130[%mul3A_0, %dma_wait3A_131] : memref<10000x128xf32, #tpu.memory_space<hbm>> -> memref<624x128xf32, #tpu.memory_space<hbm>>
      tpu.wait_dma2 semaphore(%run_scoped3A : memref<!tpu.dma_semaphore, #tpu.memory_space<semaphore_mem>>) src(%dma_wait3A_132 : memref<624x128xf32, #tpu.memory_space<hbm>>) dst(%dma_wait3A_126 : memref<624x128xf32, #tpu.memory_space<vmem_shared>>)
      tpu.yield
    }) : () -> ()
    %eq3A = arith.constant 0 : i32
    %eq3A_1 = arith.cmpi eq, %arg1, %eq3A : i32
    %convert_element_type3A = arith.extui %eq3A_1 : i1 to i32
    %cond3A = arith.constant 0 : i32
    %cond3A_2 = arith.cmpi ne, %convert_element_type3A, %cond3A : i32
    scf.if %cond3A_2 {
      "tpu.region"() ({
        %run_scoped3A = tpu.sem_alloc : memref<!tpu.dma_semaphore, #tpu.memory_space<semaphore_mem>>
        %dma_start3A_117 = arith.constant 9984 : i32
        %dma_start3A_118 = arith.constant 0 : i32
        %dma_start3A_119 = tpu.memref_slice %arg6[%dma_start3A_117, %dma_start3A_118] : memref<10008x128xf32, #tpu.memory_space<vmem_shared>> -> memref<16x128xf32, #tpu.memory_space<vmem_shared>>
        %dma_start3A_120 = arith.constant 0 : i32
        %dma_start3A_121 = arith.constant 0 : i32
        %dma_start3A_122 = tpu.memref_slice %arg2[%arg0, %dma_start3A_120, %dma_start3A_121] : memref<2x10000x128xf32, #tpu.memory_space<hbm>> -> memref<1x10000x128xf32, #tpu.memory_space<hbm>>
        %dma_start3A_123 = tpu.memref_squeeze %dma_start3A_122 : memref<1x10000x128xf32, #tpu.memory_space<hbm>> -> memref<10000x128xf32, #tpu.memory_space<hbm>>
        %dma_start3A_124 = arith.constant 9984 : i32
        %dma_start3A_125 = arith.constant 0 : i32
        %dma_start3A_126 = tpu.memref_slice %dma_start3A_123[%dma_start3A_124, %dma_start3A_125] : memref<10000x128xf32, #tpu.memory_space<hbm>> -> memref<16x128xf32, #tpu.memory_space<hbm>>
        tpu.enqueue_dma source(%dma_start3A_126 : memref<16x128xf32, #tpu.memory_space<hbm>>) target(%dma_start3A_119 : memref<16x128xf32, #tpu.memory_space<vmem_shared>>) target_semaphore(%run_scoped3A : memref<!tpu.dma_semaphore, #tpu.memory_space<semaphore_mem>>)
        %dma_wait3A_127 = arith.constant 9984 : i32
        %dma_wait3A_128 = arith.constant 0 : i32
        %dma_wait3A_129 = tpu.memref_slice %arg6[%dma_wait3A_127, %dma_wait3A_128] : memref<10008x128xf32, #tpu.memory_space<vmem_shared>> -> memref<16x128xf32, #tpu.memory_space<vmem_shared>>
        %dma_wait3A_130 = arith.constant 0 : i32
        %dma_wait3A_131 = arith.constant 0 : i32
        %dma_wait3A_132 = tpu.memref_slice %arg2[%arg0, %dma_wait3A_130, %dma_wait3A_131] : memref<2x10000x128xf32, #tpu.memory_space<hbm>> -> memref<1x10000x128xf32, #tpu.memory_space<hbm>>
        %dma_wait3A_133 = tpu.memref_squeeze %dma_wait3A_132 : memref<1x10000x128xf32, #tpu.memory_space<hbm>> -> memref<10000x128xf32, #tpu.memory_space<hbm>>
        %dma_wait3A_134 = arith.constant 9984 : i32
        %dma_wait3A_135 = arith.constant 0 : i32
        %dma_wait3A_136 = tpu.memref_slice %dma_wait3A_133[%dma_wait3A_134, %dma_wait3A_135] : memref<10000x128xf32, #tpu.memory_space<hbm>> -> memref<16x128xf32, #tpu.memory_space<hbm>>
        tpu.wait_dma2 semaphore(%run_scoped3A : memref<!tpu.dma_semaphore, #tpu.memory_space<semaphore_mem>>) src(%dma_wait3A_136 : memref<16x128xf32, #tpu.memory_space<hbm>>) dst(%dma_wait3A_129 : memref<16x128xf32, #tpu.memory_space<vmem_shared>>)
        tpu.yield
      }) : () -> ()
    } else {
    }
    %barrier3A = arith.constant 0 : index
    tpu.barrier barrier_id(%barrier3A)
    %mul3A_3 = arith.constant 2 : i32
    %mul3A_4 = arith.muli %mul3A_3, %arg1 : i32
    %mul3A_5 = arith.constant 2 : i32
    %mul3A_6 = arith.muli %mul3A_5, %arg1 : i32
    %add3A = arith.constant 1 : i32
    %add3A_7 = arith.addi %mul3A_6, %add3A : i32
    %jit3A = arith.constant true
    %select_n3A = arith.select %jit3A, %mul3A_4, %add3A_7 : i32
    %multiple_of3A = arith.constant 0 : i32
    %multiple_of3A_8 = tpu.assume_multiple %multiple_of3A, 8 : i32
    %rem3A = arith.constant 0 : i32
    %rem3A_9 = arith.constant 2 : i32
    %rem3A_10 = arith.remsi %rem3A, %rem3A_9 : i32
    %mul3A_11 = arith.constant 8 : i32
    %mul3A_12 = arith.muli %rem3A_10, %mul3A_11 : i32
    %multiple_of3A_13 = tpu.assume_multiple %mul3A_12, 8 : i32
    %dma_start3A = arith.constant 0 : i32
    %dma_start3A_14 = tpu.memref_slice %arg7[%multiple_of3A_13, %dma_start3A] : memref<16x128xi32, #tpu.memory_space<vmem>> -> memref<8x128xi32, #tpu.memory_space<vmem>>
    %dma_start3A_15 = arith.constant 0 : i32
    %dma_start3A_16 = arith.constant 0 : i32
    %dma_start3A_17 = tpu.memref_slice %arg3[%select_n3A, %dma_start3A_15, %dma_start3A_16] : memref<32x80x128xi32, #tpu.memory_space<hbm>> -> memref<1x80x128xi32, #tpu.memory_space<hbm>>
    %dma_start3A_18 = tpu.memref_squeeze %dma_start3A_17 : memref<1x80x128xi32, #tpu.memory_space<hbm>> -> memref<80x128xi32, #tpu.memory_space<hbm>>
    %dma_start3A_19 = arith.constant 0 : i32
    %dma_start3A_20 = tpu.memref_slice %dma_start3A_18[%multiple_of3A_8, %dma_start3A_19] : memref<80x128xi32, #tpu.memory_space<hbm>> -> memref<8x128xi32, #tpu.memory_space<hbm>>
    %dma_start3A_21 = arith.constant 0 : i32
    %dma_start3A_22 = tpu.memref_slice %arg7[%multiple_of3A_13, %dma_start3A_21] : memref<16x128xi32, #tpu.memory_space<vmem>> -> memref<8x128xi32, #tpu.memory_space<vmem>>
    %dma_start3A_23 = arith.constant 0 : i32
    %dma_start3A_24 = arith.constant 0 : i32
    %dma_start3A_25 = tpu.memref_slice %arg3[%select_n3A, %dma_start3A_23, %dma_start3A_24] : memref<32x80x128xi32, #tpu.memory_space<hbm>> -> memref<1x80x128xi32, #tpu.memory_space<hbm>>
    %dma_start3A_26 = tpu.memref_squeeze %dma_start3A_25 : memref<1x80x128xi32, #tpu.memory_space<hbm>> -> memref<80x128xi32, #tpu.memory_space<hbm>>
    %dma_start3A_27 = arith.constant 0 : i32
    %dma_start3A_28 = tpu.memref_slice %dma_start3A_26[%multiple_of3A_8, %dma_start3A_27] : memref<80x128xi32, #tpu.memory_space<hbm>> -> memref<8x128xi32, #tpu.memory_space<hbm>>
    tpu.enqueue_dma source(%dma_start3A_28 : memref<8x128xi32, #tpu.memory_space<hbm>>) target(%dma_start3A_22 : memref<8x128xi32, #tpu.memory_space<vmem>>) target_semaphore(%arg14 : memref<!tpu.dma_semaphore, #tpu.memory_space<semaphore_mem>>)
    %dma_start3A_29 = arith.constant 0 : i32
    %dma_start3A_30 = tpu.memref_slice %arg8[%multiple_of3A_13, %dma_start3A_29] : memref<16x128xi32, #tpu.memory_space<vmem>> -> memref<8x128xi32, #tpu.memory_space<vmem>>
    %dma_start3A_31 = arith.constant 0 : i32
    %dma_start3A_32 = arith.constant 0 : i32
    %dma_start3A_33 = tpu.memref_slice %arg4[%select_n3A, %dma_start3A_31, %dma_start3A_32] : memref<32x80x128xi32, #tpu.memory_space<hbm>> -> memref<1x80x128xi32, #tpu.memory_space<hbm>>
    %dma_start3A_34 = tpu.memref_squeeze %dma_start3A_33 : memref<1x80x128xi32, #tpu.memory_space<hbm>> -> memref<80x128xi32, #tpu.memory_space<hbm>>
    %dma_start3A_35 = arith.constant 0 : i32
    %dma_start3A_36 = tpu.memref_slice %dma_start3A_34[%multiple_of3A_8, %dma_start3A_35] : memref<80x128xi32, #tpu.memory_space<hbm>> -> memref<8x128xi32, #tpu.memory_space<hbm>>
    %dma_start3A_37 = arith.constant 0 : i32
    %dma_start3A_38 = tpu.memref_slice %arg8[%multiple_of3A_13, %dma_start3A_37] : memref<16x128xi32, #tpu.memory_space<vmem>> -> memref<8x128xi32, #tpu.memory_space<vmem>>
    %dma_start3A_39 = arith.constant 0 : i32
    %dma_start3A_40 = arith.constant 0 : i32
    %dma_start3A_41 = tpu.memref_slice %arg4[%select_n3A, %dma_start3A_39, %dma_start3A_40] : memref<32x80x128xi32, #tpu.memory_space<hbm>> -> memref<1x80x128xi32, #tpu.memory_space<hbm>>
    %dma_start3A_42 = tpu.memref_squeeze %dma_start3A_41 : memref<1x80x128xi32, #tpu.memory_space<hbm>> -> memref<80x128xi32, #tpu.memory_space<hbm>>
    %dma_start3A_43 = arith.constant 0 : i32
    %dma_start3A_44 = tpu.memref_slice %dma_start3A_42[%multiple_of3A_8, %dma_start3A_43] : memref<80x128xi32, #tpu.memory_space<hbm>> -> memref<8x128xi32, #tpu.memory_space<hbm>>
    tpu.enqueue_dma source(%dma_start3A_44 : memref<8x128xi32, #tpu.memory_space<hbm>>) target(%dma_start3A_38 : memref<8x128xi32, #tpu.memory_space<vmem>>) target_semaphore(%arg14 : memref<!tpu.dma_semaphore, #tpu.memory_space<semaphore_mem>>)
    %jit3A_45 = arith.constant true
    %select_n3A_46 = arith.select %jit3A_45, %mul3A_4, %add3A_7 : i32
    %multiple_of3A_47 = arith.constant 0 : i32
    %multiple_of3A_48 = tpu.assume_multiple %multiple_of3A_47, 8 : i32
    %rem3A_49 = arith.constant 0 : i32
    %rem3A_50 = arith.constant 2 : i32
    %rem3A_51 = arith.remsi %rem3A_49, %rem3A_50 : i32
    %mul3A_52 = arith.constant 8 : i32
    %mul3A_53 = arith.muli %rem3A_51, %mul3A_52 : i32
    %multiple_of3A_54 = tpu.assume_multiple %mul3A_53, 8 : i32
    %dma_wait3A = arith.constant 0 : i32
    %dma_wait3A_55 = tpu.memref_slice %arg7[%multiple_of3A_54, %dma_wait3A] : memref<16x128xi32, #tpu.memory_space<vmem>> -> memref<8x128xi32, #tpu.memory_space<vmem>>
    %dma_wait3A_56 = arith.constant 0 : i32
    %dma_wait3A_57 = arith.constant 0 : i32
    %dma_wait3A_58 = tpu.memref_slice %arg3[%select_n3A_46, %dma_wait3A_56, %dma_wait3A_57] : memref<32x80x128xi32, #tpu.memory_space<hbm>> -> memref<1x80x128xi32, #tpu.memory_space<hbm>>
    %dma_wait3A_59 = tpu.memref_squeeze %dma_wait3A_58 : memref<1x80x128xi32, #tpu.memory_space<hbm>> -> memref<80x128xi32, #tpu.memory_space<hbm>>
    %dma_wait3A_60 = arith.constant 0 : i32
    %dma_wait3A_61 = tpu.memref_slice %dma_wait3A_59[%multiple_of3A_48, %dma_wait3A_60] : memref<80x128xi32, #tpu.memory_space<hbm>> -> memref<8x128xi32, #tpu.memory_space<hbm>>
    %dma_wait3A_62 = arith.constant 0 : i32
    %dma_wait3A_63 = tpu.memref_slice %arg7[%multiple_of3A_54, %dma_wait3A_62] : memref<16x128xi32, #tpu.memory_space<vmem>> -> memref<8x128xi32, #tpu.memory_space<vmem>>
    %dma_wait3A_64 = arith.constant 0 : i32
    %dma_wait3A_65 = arith.constant 0 : i32
    %dma_wait3A_66 = tpu.memref_slice %arg3[%select_n3A_46, %dma_wait3A_64, %dma_wait3A_65] : memref<32x80x128xi32, #tpu.memory_space<hbm>> -> memref<1x80x128xi32, #tpu.memory_space<hbm>>
    %dma_wait3A_67 = tpu.memref_squeeze %dma_wait3A_66 : memref<1x80x128xi32, #tpu.memory_space<hbm>> -> memref<80x128xi32, #tpu.memory_space<hbm>>
    %dma_wait3A_68 = arith.constant 0 : i32
    %dma_wait3A_69 = tpu.memref_slice %dma_wait3A_67[%multiple_of3A_48, %dma_wait3A_68] : memref<80x128xi32, #tpu.memory_space<hbm>> -> memref<8x128xi32, #tpu.memory_space<hbm>>
    tpu.wait_dma2 semaphore(%arg14 : memref<!tpu.dma_semaphore, #tpu.memory_space<semaphore_mem>>) src(%dma_wait3A_69 : memref<8x128xi32, #tpu.memory_space<hbm>>) dst(%dma_wait3A_63 : memref<8x128xi32, #tpu.memory_space<vmem>>)
    %dma_wait3A_70 = arith.constant 0 : i32
    %dma_wait3A_71 = tpu.memref_slice %arg8[%multiple_of3A_54, %dma_wait3A_70] : memref<16x128xi32, #tpu.memory_space<vmem>> -> memref<8x128xi32, #tpu.memory_space<vmem>>
    %dma_wait3A_72 = arith.constant 0 : i32
    %dma_wait3A_73 = arith.constant 0 : i32
    %dma_wait3A_74 = tpu.memref_slice %arg4[%select_n3A_46, %dma_wait3A_72, %dma_wait3A_73] : memref<32x80x128xi32, #tpu.memory_space<hbm>> -> memref<1x80x128xi32, #tpu.memory_space<hbm>>
    %dma_wait3A_75 = tpu.memref_squeeze %dma_wait3A_74 : memref<1x80x128xi32, #tpu.memory_space<hbm>> -> memref<80x128xi32, #tpu.memory_space<hbm>>
    %dma_wait3A_76 = arith.constant 0 : i32
    %dma_wait3A_77 = tpu.memref_slice %dma_wait3A_75[%multiple_of3A_48, %dma_wait3A_76] : memref<80x128xi32, #tpu.memory_space<hbm>> -> memref<8x128xi32, #tpu.memory_space<hbm>>
    %dma_wait3A_78 = arith.constant 0 : i32
    %dma_wait3A_79 = tpu.memref_slice %arg8[%multiple_of3A_54, %dma_wait3A_78] : memref<16x128xi32, #tpu.memory_space<vmem>> -> memref<8x128xi32, #tpu.memory_space<vmem>>
    %dma_wait3A_80 = arith.constant 0 : i32
    %dma_wait3A_81 = arith.constant 0 : i32
    %dma_wait3A_82 = tpu.memref_slice %arg4[%select_n3A_46, %dma_wait3A_80, %dma_wait3A_81] : memref<32x80x128xi32, #tpu.memory_space<hbm>> -> memref<1x80x128xi32, #tpu.memory_space<hbm>>
    %dma_wait3A_83 = tpu.memref_squeeze %dma_wait3A_82 : memref<1x80x128xi32, #tpu.memory_space<hbm>> -> memref<80x128xi32, #tpu.memory_space<hbm>>
    %dma_wait3A_84 = arith.constant 0 : i32
    %dma_wait3A_85 = tpu.memref_slice %dma_wait3A_83[%multiple_of3A_48, %dma_wait3A_84] : memref<80x128xi32, #tpu.memory_space<hbm>> -> memref<8x128xi32, #tpu.memory_space<hbm>>
    tpu.wait_dma2 semaphore(%arg14 : memref<!tpu.dma_semaphore, #tpu.memory_space<semaphore_mem>>) src(%dma_wait3A_85 : memref<8x128xi32, #tpu.memory_space<hbm>>) dst(%dma_wait3A_79 : memref<8x128xi32, #tpu.memory_space<vmem>>)
    %rem3A_86 = arith.constant 0 : i32
    %rem3A_87 = arith.constant 16 : i32
    %rem3A_88 = arith.remsi %rem3A_86, %rem3A_87 : i32
    %dma_start3A_89 = arith.constant 0 : i32
    %dma_start3A_90 = arith.constant 0 : i32
    %dma_start3A_91 = arith.constant 0 : i32
    %dma_start3A_92 = tpu.memref_slice %arg9[%dma_start3A_89, %dma_start3A_90, %dma_start3A_91] : memref<2x128x128xf32, #tpu.memory_space<vmem>> -> memref<1x128x128xf32, #tpu.memory_space<vmem>>
    %dma_start3A_93 = tpu.memref_squeeze %dma_start3A_92 : memref<1x128x128xf32, #tpu.memory_space<vmem>> -> memref<128x128xf32, #tpu.memory_space<vmem>>
    %dma_start3A_94 = arith.constant 0 : i32
    %dma_start3A_95 = tpu.memref_slice %arg7[%rem3A_88, %dma_start3A_94] : memref<16x128xi32, #tpu.memory_space<vmem>> -> memref<1x128xi32, #tpu.memory_space<vmem>>
    %dma_start3A_96 = tpu.memref_squeeze %dma_start3A_95 : memref<1x128xi32, #tpu.memory_space<vmem>> -> memref<128xi32, #tpu.memory_space<vmem>>
    %dma_start3A_97 = arith.constant 0 : i32
    %dma_start3A_98 = arith.constant 0 : i32
    %dma_start3A_99 = tpu.memref_slice %arg2[%arg0, %dma_start3A_97, %dma_start3A_98] : memref<2x10000x128xf32, #tpu.memory_space<hbm>> -> memref<1x10000x128xf32, #tpu.memory_space<hbm>>
    %dma_start3A_100 = tpu.memref_squeeze %dma_start3A_99 : memref<1x10000x128xf32, #tpu.memory_space<hbm>> -> memref<10000x128xf32, #tpu.memory_space<hbm>>
    %dma_start3A_101 = arith.constant 0 : i32
    %dma_start3A_102 = arith.constant 0 : i32
    %dma_start3A_103 = tpu.memref_slice %dma_start3A_100[%dma_start3A_101, %dma_start3A_102] : memref<10000x128xf32, #tpu.memory_space<hbm>> -> memref<10000x128xf32, #tpu.memory_space<hbm>>
    tpu.enqueue_indirect_dma source(%dma_start3A_103 : memref<10000x128xf32, #tpu.memory_space<hbm>>) target(%dma_start3A_93 : memref<128x128xf32, #tpu.memory_space<vmem>>) offsets(%dma_start3A_96 : memref<128xi32, #tpu.memory_space<vmem>>) semaphore(%arg10 : memref<!tpu.dma_semaphore, #tpu.memory_space<semaphore_mem>>)
    %scan3A = arith.constant 0 : i32
    %scan3A_104 = arith.constant 0 : i32
    %scan3A_105 = arith.constant 80 : i32
    %scan3A_106 = arith.addi %scan3A_104, %scan3A_105 : i32
    %scan3A_107 = arith.constant 1 : i32
    scf.for %scan3A_117 = %scan3A_104 to %scan3A_106 step %scan3A_107  : i32 {
      %mul3A_118 = arith.constant 2 : i32
      %mul3A_119 = arith.muli %mul3A_118, %scan3A_117 : i32
      %add3A_120 = arith.constant 1 : i32
      %add3A_121 = arith.addi %mul3A_119, %add3A_120 : i32
      %rem3A_122 = arith.constant 8 : i32
      %rem3A_123 = arith.remsi %mul3A_119, %rem3A_122 : i32
      %eq3A_124 = arith.constant 0 : i32
      %eq3A_125 = arith.cmpi eq, %rem3A_123, %eq3A_124 : i32
      %convert_element_type3A_126 = arith.extui %eq3A_125 : i1 to i32
      %cond3A_127 = arith.constant 0 : i32
      %cond3A_128 = arith.cmpi ne, %convert_element_type3A_126, %cond3A_127 : i32
      scf.if %cond3A_128 {
        %jit3A_238 = arith.constant 8 : i32
        %div3A = arith.divsi %mul3A_119, %jit3A_238 : i32
        %sign3A = arith.constant 0 : i32
        %sign3A_239 = arith.cmpi sgt, %mul3A_119, %sign3A : i32
        %sign3A_240 = arith.extui %sign3A_239 : i1 to i32
        %sign3A_241 = arith.constant 0 : i32
        %sign3A_242 = arith.cmpi slt, %mul3A_119, %sign3A_241 : i32
        %sign3A_243 = arith.extui %sign3A_242 : i1 to i32
        %sign3A_244 = arith.subi %sign3A_240, %sign3A_243 : i32
        %sign3A_245 = arith.constant 0 : i32
        %sign3A_246 = arith.cmpi sgt, %jit3A_238, %sign3A_245 : i32
        %sign3A_247 = arith.extui %sign3A_246 : i1 to i32
        %sign3A_248 = arith.constant 0 : i32
        %sign3A_249 = arith.cmpi slt, %jit3A_238, %sign3A_248 : i32
        %sign3A_250 = arith.extui %sign3A_249 : i1 to i32
        %sign3A_251 = arith.subi %sign3A_247, %sign3A_250 : i32
        %ne3A = arith.cmpi ne, %sign3A_244, %sign3A_251 : i32
        %rem3A_252 = arith.remsi %mul3A_119, %jit3A_238 : i32
        %ne3A_253 = arith.constant 0 : i32
        %ne3A_254 = arith.cmpi ne, %rem3A_252, %ne3A_253 : i32
        %and3A = arith.andi %ne3A, %ne3A_254 : i1
        %sub3A = arith.constant 1 : i32
        %sub3A_255 = arith.subi %div3A, %sub3A : i32
        %select_n3A_256 = arith.select %and3A, %sub3A_255, %div3A : i32
        %add3A_257 = arith.constant 1 : i32
        %add3A_258 = arith.addi %select_n3A_256, %add3A_257 : i32
        %lt3A_259 = arith.constant 20 : i32
        %lt3A_260 = arith.cmpi slt, %add3A_258, %lt3A_259 : i32
        %convert_element_type3A_261 = arith.extui %lt3A_260 : i1 to i32
        %cond3A_262 = arith.constant 0 : i32
        %cond3A_263 = arith.cmpi ne, %convert_element_type3A_261, %cond3A_262 : i32
        scf.if %cond3A_263 {
          %add3A_264 = arith.constant 1 : i32
          %add3A_265 = arith.addi %select_n3A_256, %add3A_264 : i32
          %mul3A_266 = arith.constant 8 : i32
          %mul3A_267 = arith.muli %add3A_265, %mul3A_266 : i32
          %jit3A_268 = arith.constant 80 : i32
          %div3A_269 = arith.divsi %mul3A_267, %jit3A_268 : i32
          %sign3A_270 = arith.constant 0 : i32
          %sign3A_271 = arith.cmpi sgt, %mul3A_267, %sign3A_270 : i32
          %sign3A_272 = arith.extui %sign3A_271 : i1 to i32
          %sign3A_273 = arith.constant 0 : i32
          %sign3A_274 = arith.cmpi slt, %mul3A_267, %sign3A_273 : i32
          %sign3A_275 = arith.extui %sign3A_274 : i1 to i32
          %sign3A_276 = arith.subi %sign3A_272, %sign3A_275 : i32
          %sign3A_277 = arith.constant 0 : i32
          %sign3A_278 = arith.cmpi sgt, %jit3A_268, %sign3A_277 : i32
          %sign3A_279 = arith.extui %sign3A_278 : i1 to i32
          %sign3A_280 = arith.constant 0 : i32
          %sign3A_281 = arith.cmpi slt, %jit3A_268, %sign3A_280 : i32
          %sign3A_282 = arith.extui %sign3A_281 : i1 to i32
          %sign3A_283 = arith.subi %sign3A_279, %sign3A_282 : i32
          %ne3A_284 = arith.cmpi ne, %sign3A_276, %sign3A_283 : i32
          %rem3A_285 = arith.remsi %mul3A_267, %jit3A_268 : i32
          %ne3A_286 = arith.constant 0 : i32
          %ne3A_287 = arith.cmpi ne, %rem3A_285, %ne3A_286 : i32
          %and3A_288 = arith.andi %ne3A_284, %ne3A_287 : i1
          %sub3A_289 = arith.constant 1 : i32
          %sub3A_290 = arith.subi %div3A_269, %sub3A_289 : i32
          %select_n3A_291 = arith.select %and3A_288, %sub3A_290, %div3A_269 : i32
          %eq3A_292 = arith.constant 0 : i32
          %eq3A_293 = arith.cmpi eq, %select_n3A_291, %eq3A_292 : i32
          %select_n3A_294 = arith.select %eq3A_293, %mul3A_4, %add3A_7 : i32
          %mul3A_295 = arith.constant 80 : i32
          %mul3A_296 = arith.muli %select_n3A_291, %mul3A_295 : i32
          %sub3A_297 = arith.subi %mul3A_267, %mul3A_296 : i32
          %multiple_of3A_298 = tpu.assume_multiple %sub3A_297, 8 : i32
          %rem3A_299 = arith.constant 2 : i32
          %rem3A_300 = arith.remsi %add3A_265, %rem3A_299 : i32
          %mul3A_301 = arith.constant 8 : i32
          %mul3A_302 = arith.muli %rem3A_300, %mul3A_301 : i32
          %multiple_of3A_303 = tpu.assume_multiple %mul3A_302, 8 : i32
          %dma_start3A_304 = arith.constant 0 : i32
          %dma_start3A_305 = tpu.memref_slice %arg7[%multiple_of3A_303, %dma_start3A_304] : memref<16x128xi32, #tpu.memory_space<vmem>> -> memref<8x128xi32, #tpu.memory_space<vmem>>
          %dma_start3A_306 = arith.constant 0 : i32
          %dma_start3A_307 = arith.constant 0 : i32
          %dma_start3A_308 = tpu.memref_slice %arg3[%select_n3A_294, %dma_start3A_306, %dma_start3A_307] : memref<32x80x128xi32, #tpu.memory_space<hbm>> -> memref<1x80x128xi32, #tpu.memory_space<hbm>>
          %dma_start3A_309 = tpu.memref_squeeze %dma_start3A_308 : memref<1x80x128xi32, #tpu.memory_space<hbm>> -> memref<80x128xi32, #tpu.memory_space<hbm>>
          %dma_start3A_310 = arith.constant 0 : i32
          %dma_start3A_311 = tpu.memref_slice %dma_start3A_309[%multiple_of3A_298, %dma_start3A_310] : memref<80x128xi32, #tpu.memory_space<hbm>> -> memref<8x128xi32, #tpu.memory_space<hbm>>
          %dma_start3A_312 = arith.constant 0 : i32
          %dma_start3A_313 = tpu.memref_slice %arg7[%multiple_of3A_303, %dma_start3A_312] : memref<16x128xi32, #tpu.memory_space<vmem>> -> memref<8x128xi32, #tpu.memory_space<vmem>>
          %dma_start3A_314 = arith.constant 0 : i32
          %dma_start3A_315 = arith.constant 0 : i32
          %dma_start3A_316 = tpu.memref_slice %arg3[%select_n3A_294, %dma_start3A_314, %dma_start3A_315] : memref<32x80x128xi32, #tpu.memory_space<hbm>> -> memref<1x80x128xi32, #tpu.memory_space<hbm>>
          %dma_start3A_317 = tpu.memref_squeeze %dma_start3A_316 : memref<1x80x128xi32, #tpu.memory_space<hbm>> -> memref<80x128xi32, #tpu.memory_space<hbm>>
          %dma_start3A_318 = arith.constant 0 : i32
          %dma_start3A_319 = tpu.memref_slice %dma_start3A_317[%multiple_of3A_298, %dma_start3A_318] : memref<80x128xi32, #tpu.memory_space<hbm>> -> memref<8x128xi32, #tpu.memory_space<hbm>>
          tpu.enqueue_dma source(%dma_start3A_319 : memref<8x128xi32, #tpu.memory_space<hbm>>) target(%dma_start3A_313 : memref<8x128xi32, #tpu.memory_space<vmem>>) target_semaphore(%arg14 : memref<!tpu.dma_semaphore, #tpu.memory_space<semaphore_mem>>)
          %dma_start3A_320 = arith.constant 0 : i32
          %dma_start3A_321 = tpu.memref_slice %arg8[%multiple_of3A_303, %dma_start3A_320] : memref<16x128xi32, #tpu.memory_space<vmem>> -> memref<8x128xi32, #tpu.memory_space<vmem>>
          %dma_start3A_322 = arith.constant 0 : i32
          %dma_start3A_323 = arith.constant 0 : i32
          %dma_start3A_324 = tpu.memref_slice %arg4[%select_n3A_294, %dma_start3A_322, %dma_start3A_323] : memref<32x80x128xi32, #tpu.memory_space<hbm>> -> memref<1x80x128xi32, #tpu.memory_space<hbm>>
          %dma_start3A_325 = tpu.memref_squeeze %dma_start3A_324 : memref<1x80x128xi32, #tpu.memory_space<hbm>> -> memref<80x128xi32, #tpu.memory_space<hbm>>
          %dma_start3A_326 = arith.constant 0 : i32
          %dma_start3A_327 = tpu.memref_slice %dma_start3A_325[%multiple_of3A_298, %dma_start3A_326] : memref<80x128xi32, #tpu.memory_space<hbm>> -> memref<8x128xi32, #tpu.memory_space<hbm>>
          %dma_start3A_328 = arith.constant 0 : i32
          %dma_start3A_329 = tpu.memref_slice %arg8[%multiple_of3A_303, %dma_start3A_328] : memref<16x128xi32, #tpu.memory_space<vmem>> -> memref<8x128xi32, #tpu.memory_space<vmem>>
          %dma_start3A_330 = arith.constant 0 : i32
          %dma_start3A_331 = arith.constant 0 : i32
          %dma_start3A_332 = tpu.memref_slice %arg4[%select_n3A_294, %dma_start3A_330, %dma_start3A_331] : memref<32x80x128xi32, #tpu.memory_space<hbm>> -> memref<1x80x128xi32, #tpu.memory_space<hbm>>
          %dma_start3A_333 = tpu.memref_squeeze %dma_start3A_332 : memref<1x80x128xi32, #tpu.memory_space<hbm>> -> memref<80x128xi32, #tpu.memory_space<hbm>>
          %dma_start3A_334 = arith.constant 0 : i32
          %dma_start3A_335 = tpu.memref_slice %dma_start3A_333[%multiple_of3A_298, %dma_start3A_334] : memref<80x128xi32, #tpu.memory_space<hbm>> -> memref<8x128xi32, #tpu.memory_space<hbm>>
          tpu.enqueue_dma source(%dma_start3A_335 : memref<8x128xi32, #tpu.memory_space<hbm>>) target(%dma_start3A_329 : memref<8x128xi32, #tpu.memory_space<vmem>>) target_semaphore(%arg14 : memref<!tpu.dma_semaphore, #tpu.memory_space<semaphore_mem>>)
        } else {
        }
      } else {
      }
      %rem3A_129 = arith.constant 16 : i32
      %rem3A_130 = arith.remsi %mul3A_119, %rem3A_129 : i32
      %dma_wait3A_131 = arith.constant 0 : i32
      %dma_wait3A_132 = arith.constant 0 : i32
      %dma_wait3A_133 = arith.constant 0 : i32
      %dma_wait3A_134 = tpu.memref_slice %arg9[%dma_wait3A_131, %dma_wait3A_132, %dma_wait3A_133] : memref<2x128x128xf32, #tpu.memory_space<vmem>> -> memref<1x128x128xf32, #tpu.memory_space<vmem>>
      %dma_wait3A_135 = tpu.memref_squeeze %dma_wait3A_134 : memref<1x128x128xf32, #tpu.memory_space<vmem>> -> memref<128x128xf32, #tpu.memory_space<vmem>>
      %dma_wait3A_136 = arith.constant 0 : i32
      %dma_wait3A_137 = tpu.memref_slice %arg7[%rem3A_130, %dma_wait3A_136] : memref<16x128xi32, #tpu.memory_space<vmem>> -> memref<1x128xi32, #tpu.memory_space<vmem>>
      %dma_wait3A_138 = tpu.memref_squeeze %dma_wait3A_137 : memref<1x128xi32, #tpu.memory_space<vmem>> -> memref<128xi32, #tpu.memory_space<vmem>>
      %dma_wait3A_139 = arith.constant 0 : i32
      %dma_wait3A_140 = arith.constant 0 : i32
      %dma_wait3A_141 = tpu.memref_slice %arg2[%arg0, %dma_wait3A_139, %dma_wait3A_140] : memref<2x10000x128xf32, #tpu.memory_space<hbm>> -> memref<1x10000x128xf32, #tpu.memory_space<hbm>>
      %dma_wait3A_142 = tpu.memref_squeeze %dma_wait3A_141 : memref<1x10000x128xf32, #tpu.memory_space<hbm>> -> memref<10000x128xf32, #tpu.memory_space<hbm>>
      %dma_wait3A_143 = arith.constant 0 : i32
      %dma_wait3A_144 = arith.constant 0 : i32
      %dma_wait3A_145 = tpu.memref_slice %dma_wait3A_142[%dma_wait3A_143, %dma_wait3A_144] : memref<10000x128xf32, #tpu.memory_space<hbm>> -> memref<10000x128xf32, #tpu.memory_space<hbm>>
      tpu.wait_indirect_dma semaphore(%arg10 : memref<!tpu.dma_semaphore, #tpu.memory_space<semaphore_mem>>) src(%dma_wait3A_145 : memref<10000x128xf32, #tpu.memory_space<hbm>>) dst(%dma_wait3A_135 : memref<128x128xf32, #tpu.memory_space<vmem>>)
      %rem3A_146 = arith.constant 16 : i32
      %rem3A_147 = arith.remsi %add3A_121, %rem3A_146 : i32
      %dma_start3A_148 = arith.constant 1 : i32
      %dma_start3A_149 = arith.constant 0 : i32
      %dma_start3A_150 = arith.constant 0 : i32
      %dma_start3A_151 = tpu.memref_slice %arg9[%dma_start3A_148, %dma_start3A_149, %dma_start3A_150] : memref<2x128x128xf32, #tpu.memory_space<vmem>> -> memref<1x128x128xf32, #tpu.memory_space<vmem>>
      %dma_start3A_152 = tpu.memref_squeeze %dma_start3A_151 : memref<1x128x128xf32, #tpu.memory_space<vmem>> -> memref<128x128xf32, #tpu.memory_space<vmem>>
      %dma_start3A_153 = arith.constant 0 : i32
      %dma_start3A_154 = tpu.memref_slice %arg7[%rem3A_147, %dma_start3A_153] : memref<16x128xi32, #tpu.memory_space<vmem>> -> memref<1x128xi32, #tpu.memory_space<vmem>>
      %dma_start3A_155 = tpu.memref_squeeze %dma_start3A_154 : memref<1x128xi32, #tpu.memory_space<vmem>> -> memref<128xi32, #tpu.memory_space<vmem>>
      %dma_start3A_156 = arith.constant 0 : i32
      %dma_start3A_157 = arith.constant 0 : i32
      %dma_start3A_158 = tpu.memref_slice %arg2[%arg0, %dma_start3A_156, %dma_start3A_157] : memref<2x10000x128xf32, #tpu.memory_space<hbm>> -> memref<1x10000x128xf32, #tpu.memory_space<hbm>>
      %dma_start3A_159 = tpu.memref_squeeze %dma_start3A_158 : memref<1x10000x128xf32, #tpu.memory_space<hbm>> -> memref<10000x128xf32, #tpu.memory_space<hbm>>
      %dma_start3A_160 = arith.constant 0 : i32
      %dma_start3A_161 = arith.constant 0 : i32
      %dma_start3A_162 = tpu.memref_slice %dma_start3A_159[%dma_start3A_160, %dma_start3A_161] : memref<10000x128xf32, #tpu.memory_space<hbm>> -> memref<10000x128xf32, #tpu.memory_space<hbm>>
      tpu.enqueue_indirect_dma source(%dma_start3A_162 : memref<10000x128xf32, #tpu.memory_space<hbm>>) target(%dma_start3A_152 : memref<128x128xf32, #tpu.memory_space<vmem>>) offsets(%dma_start3A_155 : memref<128xi32, #tpu.memory_space<vmem>>) semaphore(%arg11 : memref<!tpu.dma_semaphore, #tpu.memory_space<semaphore_mem>>)
      %rem3A_163 = arith.constant 16 : i32
      %rem3A_164 = arith.remsi %mul3A_119, %rem3A_163 : i32
      %dma_start3A_165 = arith.constant 0 : i32
      %dma_start3A_166 = arith.constant 0 : i32
      %dma_start3A_167 = arith.constant 0 : i32
      %dma_start3A_168 = tpu.memref_slice %arg9[%dma_start3A_165, %dma_start3A_166, %dma_start3A_167] : memref<2x128x128xf32, #tpu.memory_space<vmem>> -> memref<1x128x128xf32, #tpu.memory_space<vmem>>
      %dma_start3A_169 = tpu.memref_squeeze %dma_start3A_168 : memref<1x128x128xf32, #tpu.memory_space<vmem>> -> memref<128x128xf32, #tpu.memory_space<vmem>>
      %dma_start3A_170 = arith.constant 0 : i32
      %dma_start3A_171 = tpu.memref_slice %arg8[%rem3A_164, %dma_start3A_170] : memref<16x128xi32, #tpu.memory_space<vmem>> -> memref<1x128xi32, #tpu.memory_space<vmem>>
      %dma_start3A_172 = tpu.memref_squeeze %dma_start3A_171 : memref<1x128xi32, #tpu.memory_space<vmem>> -> memref<128xi32, #tpu.memory_space<vmem>>
      %dma_start3A_173 = arith.constant 0 : i32
      %dma_start3A_174 = arith.constant 0 : i32
      %dma_start3A_175 = tpu.memref_slice %arg6[%dma_start3A_173, %dma_start3A_174] : memref<10008x128xf32, #tpu.memory_space<vmem_shared>> -> memref<10008x128xf32, #tpu.memory_space<vmem_shared>>
      tpu.enqueue_indirect_dma source(%dma_start3A_169 : memref<128x128xf32, #tpu.memory_space<vmem>>) target(%dma_start3A_175 : memref<10008x128xf32, #tpu.memory_space<vmem_shared>>) offsets(%dma_start3A_172 : memref<128xi32, #tpu.memory_space<vmem>>) semaphore(%arg12 : memref<!tpu.dma_semaphore, #tpu.memory_space<semaphore_mem>>) {add = true}
      %rem3A_176 = arith.constant 16 : i32
      %rem3A_177 = arith.remsi %mul3A_119, %rem3A_176 : i32
      %dma_wait3A_178 = arith.constant 0 : i32
      %dma_wait3A_179 = arith.constant 0 : i32
      %dma_wait3A_180 = arith.constant 0 : i32
      %dma_wait3A_181 = tpu.memref_slice %arg9[%dma_wait3A_178, %dma_wait3A_179, %dma_wait3A_180] : memref<2x128x128xf32, #tpu.memory_space<vmem>> -> memref<1x128x128xf32, #tpu.memory_space<vmem>>
      %dma_wait3A_182 = tpu.memref_squeeze %dma_wait3A_181 : memref<1x128x128xf32, #tpu.memory_space<vmem>> -> memref<128x128xf32, #tpu.memory_space<vmem>>
      %dma_wait3A_183 = arith.constant 0 : i32
      %dma_wait3A_184 = tpu.memref_slice %arg8[%rem3A_177, %dma_wait3A_183] : memref<16x128xi32, #tpu.memory_space<vmem>> -> memref<1x128xi32, #tpu.memory_space<vmem>>
      %dma_wait3A_185 = tpu.memref_squeeze %dma_wait3A_184 : memref<1x128xi32, #tpu.memory_space<vmem>> -> memref<128xi32, #tpu.memory_space<vmem>>
      %dma_wait3A_186 = arith.constant 0 : i32
      %dma_wait3A_187 = arith.constant 0 : i32
      %dma_wait3A_188 = tpu.memref_slice %arg6[%dma_wait3A_186, %dma_wait3A_187] : memref<10008x128xf32, #tpu.memory_space<vmem_shared>> -> memref<10008x128xf32, #tpu.memory_space<vmem_shared>>
      tpu.wait_indirect_dma semaphore(%arg12 : memref<!tpu.dma_semaphore, #tpu.memory_space<semaphore_mem>>) src(%dma_wait3A_182 : memref<128x128xf32, #tpu.memory_space<vmem>>) dst(%dma_wait3A_188 : memref<10008x128xf32, #tpu.memory_space<vmem_shared>>)
      %rem3A_189 = arith.constant 16 : i32
      %rem3A_190 = arith.remsi %add3A_121, %rem3A_189 : i32
      %dma_wait3A_191 = arith.constant 1 : i32
      %dma_wait3A_192 = arith.constant 0 : i32
      %dma_wait3A_193 = arith.constant 0 : i32
      %dma_wait3A_194 = tpu.memref_slice %arg9[%dma_wait3A_191, %dma_wait3A_192, %dma_wait3A_193] : memref<2x128x128xf32, #tpu.memory_space<vmem>> -> memref<1x128x128xf32, #tpu.memory_space<vmem>>
      %dma_wait3A_195 = tpu.memref_squeeze %dma_wait3A_194 : memref<1x128x128xf32, #tpu.memory_space<vmem>> -> memref<128x128xf32, #tpu.memory_space<vmem>>
      %dma_wait3A_196 = arith.constant 0 : i32
      %dma_wait3A_197 = tpu.memref_slice %arg7[%rem3A_190, %dma_wait3A_196] : memref<16x128xi32, #tpu.memory_space<vmem>> -> memref<1x128xi32, #tpu.memory_space<vmem>>
      %dma_wait3A_198 = tpu.memref_squeeze %dma_wait3A_197 : memref<1x128xi32, #tpu.memory_space<vmem>> -> memref<128xi32, #tpu.memory_space<vmem>>
      %dma_wait3A_199 = arith.constant 0 : i32
      %dma_wait3A_200 = arith.constant 0 : i32
      %dma_wait3A_201 = tpu.memref_slice %arg2[%arg0, %dma_wait3A_199, %dma_wait3A_200] : memref<2x10000x128xf32, #tpu.memory_space<hbm>> -> memref<1x10000x128xf32, #tpu.memory_space<hbm>>
      %dma_wait3A_202 = tpu.memref_squeeze %dma_wait3A_201 : memref<1x10000x128xf32, #tpu.memory_space<hbm>> -> memref<10000x128xf32, #tpu.memory_space<hbm>>
      %dma_wait3A_203 = arith.constant 0 : i32
      %dma_wait3A_204 = arith.constant 0 : i32
      %dma_wait3A_205 = tpu.memref_slice %dma_wait3A_202[%dma_wait3A_203, %dma_wait3A_204] : memref<10000x128xf32, #tpu.memory_space<hbm>> -> memref<10000x128xf32, #tpu.memory_space<hbm>>
      tpu.wait_indirect_dma semaphore(%arg11 : memref<!tpu.dma_semaphore, #tpu.memory_space<semaphore_mem>>) src(%dma_wait3A_205 : memref<10000x128xf32, #tpu.memory_space<hbm>>) dst(%dma_wait3A_195 : memref<128x128xf32, #tpu.memory_space<vmem>>)
      %add3A_206 = arith.constant 1 : i32
      %add3A_207 = arith.addi %add3A_121, %add3A_206 : i32
      %lt3A = arith.constant 160 : i32
      %lt3A_208 = arith.cmpi slt, %add3A_207, %lt3A : i32
      %convert_element_type3A_209 = arith.extui %lt3A_208 : i1 to i32
      %cond3A_210 = arith.constant 0 : i32
      %cond3A_211 = arith.cmpi ne, %convert_element_type3A_209, %cond3A_210 : i32
      scf.if %cond3A_211 {
        %add3A_238 = arith.constant 1 : i32
        %add3A_239 = arith.addi %add3A_121, %add3A_238 : i32
        %rem3A_240 = arith.constant 8 : i32
        %rem3A_241 = arith.remsi %add3A_239, %rem3A_240 : i32
        %eq3A_242 = arith.constant 0 : i32
        %eq3A_243 = arith.cmpi eq, %rem3A_241, %eq3A_242 : i32
        %convert_element_type3A_244 = arith.extui %eq3A_243 : i1 to i32
        %cond3A_245 = arith.constant 0 : i32
        %cond3A_246 = arith.cmpi ne, %convert_element_type3A_244, %cond3A_245 : i32
        scf.if %cond3A_246 {
          %jit3A_264 = arith.constant 8 : i32
          %div3A = arith.divsi %add3A_239, %jit3A_264 : i32
          %sign3A = arith.constant 0 : i32
          %sign3A_265 = arith.cmpi sgt, %add3A_239, %sign3A : i32
          %sign3A_266 = arith.extui %sign3A_265 : i1 to i32
          %sign3A_267 = arith.constant 0 : i32
          %sign3A_268 = arith.cmpi slt, %add3A_239, %sign3A_267 : i32
          %sign3A_269 = arith.extui %sign3A_268 : i1 to i32
          %sign3A_270 = arith.subi %sign3A_266, %sign3A_269 : i32
          %sign3A_271 = arith.constant 0 : i32
          %sign3A_272 = arith.cmpi sgt, %jit3A_264, %sign3A_271 : i32
          %sign3A_273 = arith.extui %sign3A_272 : i1 to i32
          %sign3A_274 = arith.constant 0 : i32
          %sign3A_275 = arith.cmpi slt, %jit3A_264, %sign3A_274 : i32
          %sign3A_276 = arith.extui %sign3A_275 : i1 to i32
          %sign3A_277 = arith.subi %sign3A_273, %sign3A_276 : i32
          %ne3A = arith.cmpi ne, %sign3A_270, %sign3A_277 : i32
          %rem3A_278 = arith.remsi %add3A_239, %jit3A_264 : i32
          %ne3A_279 = arith.constant 0 : i32
          %ne3A_280 = arith.cmpi ne, %rem3A_278, %ne3A_279 : i32
          %and3A = arith.andi %ne3A, %ne3A_280 : i1
          %sub3A = arith.constant 1 : i32
          %sub3A_281 = arith.subi %div3A, %sub3A : i32
          %select_n3A_282 = arith.select %and3A, %sub3A_281, %div3A : i32
          %mul3A_283 = arith.constant 8 : i32
          %mul3A_284 = arith.muli %select_n3A_282, %mul3A_283 : i32
          %jit3A_285 = arith.constant 80 : i32
          %div3A_286 = arith.divsi %mul3A_284, %jit3A_285 : i32
          %sign3A_287 = arith.constant 0 : i32
          %sign3A_288 = arith.cmpi sgt, %mul3A_284, %sign3A_287 : i32
          %sign3A_289 = arith.extui %sign3A_288 : i1 to i32
          %sign3A_290 = arith.constant 0 : i32
          %sign3A_291 = arith.cmpi slt, %mul3A_284, %sign3A_290 : i32
          %sign3A_292 = arith.extui %sign3A_291 : i1 to i32
          %sign3A_293 = arith.subi %sign3A_289, %sign3A_292 : i32
          %sign3A_294 = arith.constant 0 : i32
          %sign3A_295 = arith.cmpi sgt, %jit3A_285, %sign3A_294 : i32
          %sign3A_296 = arith.extui %sign3A_295 : i1 to i32
          %sign3A_297 = arith.constant 0 : i32
          %sign3A_298 = arith.cmpi slt, %jit3A_285, %sign3A_297 : i32
          %sign3A_299 = arith.extui %sign3A_298 : i1 to i32
          %sign3A_300 = arith.subi %sign3A_296, %sign3A_299 : i32
          %ne3A_301 = arith.cmpi ne, %sign3A_293, %sign3A_300 : i32
          %rem3A_302 = arith.remsi %mul3A_284, %jit3A_285 : i32
          %ne3A_303 = arith.constant 0 : i32
          %ne3A_304 = arith.cmpi ne, %rem3A_302, %ne3A_303 : i32
          %and3A_305 = arith.andi %ne3A_301, %ne3A_304 : i1
          %sub3A_306 = arith.constant 1 : i32
          %sub3A_307 = arith.subi %div3A_286, %sub3A_306 : i32
          %select_n3A_308 = arith.select %and3A_305, %sub3A_307, %div3A_286 : i32
          %eq3A_309 = arith.constant 0 : i32
          %eq3A_310 = arith.cmpi eq, %select_n3A_308, %eq3A_309 : i32
          %select_n3A_311 = arith.select %eq3A_310, %mul3A_4, %add3A_7 : i32
          %mul3A_312 = arith.constant 80 : i32
          %mul3A_313 = arith.muli %select_n3A_308, %mul3A_312 : i32
          %sub3A_314 = arith.subi %mul3A_284, %mul3A_313 : i32
          %multiple_of3A_315 = tpu.assume_multiple %sub3A_314, 8 : i32
          %rem3A_316 = arith.constant 2 : i32
          %rem3A_317 = arith.remsi %select_n3A_282, %rem3A_316 : i32
          %mul3A_318 = arith.constant 8 : i32
          %mul3A_319 = arith.muli %rem3A_317, %mul3A_318 : i32
          %multiple_of3A_320 = tpu.assume_multiple %mul3A_319, 8 : i32
          %dma_wait3A_321 = arith.constant 0 : i32
          %dma_wait3A_322 = tpu.memref_slice %arg7[%multiple_of3A_320, %dma_wait3A_321] : memref<16x128xi32, #tpu.memory_space<vmem>> -> memref<8x128xi32, #tpu.memory_space<vmem>>
          %dma_wait3A_323 = arith.constant 0 : i32
          %dma_wait3A_324 = arith.constant 0 : i32
          %dma_wait3A_325 = tpu.memref_slice %arg3[%select_n3A_311, %dma_wait3A_323, %dma_wait3A_324] : memref<32x80x128xi32, #tpu.memory_space<hbm>> -> memref<1x80x128xi32, #tpu.memory_space<hbm>>
          %dma_wait3A_326 = tpu.memref_squeeze %dma_wait3A_325 : memref<1x80x128xi32, #tpu.memory_space<hbm>> -> memref<80x128xi32, #tpu.memory_space<hbm>>
          %dma_wait3A_327 = arith.constant 0 : i32
          %dma_wait3A_328 = tpu.memref_slice %dma_wait3A_326[%multiple_of3A_315, %dma_wait3A_327] : memref<80x128xi32, #tpu.memory_space<hbm>> -> memref<8x128xi32, #tpu.memory_space<hbm>>
          %dma_wait3A_329 = arith.constant 0 : i32
          %dma_wait3A_330 = tpu.memref_slice %arg7[%multiple_of3A_320, %dma_wait3A_329] : memref<16x128xi32, #tpu.memory_space<vmem>> -> memref<8x128xi32, #tpu.memory_space<vmem>>
          %dma_wait3A_331 = arith.constant 0 : i32
          %dma_wait3A_332 = arith.constant 0 : i32
          %dma_wait3A_333 = tpu.memref_slice %arg3[%select_n3A_311, %dma_wait3A_331, %dma_wait3A_332] : memref<32x80x128xi32, #tpu.memory_space<hbm>> -> memref<1x80x128xi32, #tpu.memory_space<hbm>>
          %dma_wait3A_334 = tpu.memref_squeeze %dma_wait3A_333 : memref<1x80x128xi32, #tpu.memory_space<hbm>> -> memref<80x128xi32, #tpu.memory_space<hbm>>
          %dma_wait3A_335 = arith.constant 0 : i32
          %dma_wait3A_336 = tpu.memref_slice %dma_wait3A_334[%multiple_of3A_315, %dma_wait3A_335] : memref<80x128xi32, #tpu.memory_space<hbm>> -> memref<8x128xi32, #tpu.memory_space<hbm>>
          tpu.wait_dma2 semaphore(%arg14 : memref<!tpu.dma_semaphore, #tpu.memory_space<semaphore_mem>>) src(%dma_wait3A_336 : memref<8x128xi32, #tpu.memory_space<hbm>>) dst(%dma_wait3A_330 : memref<8x128xi32, #tpu.memory_space<vmem>>)
          %dma_wait3A_337 = arith.constant 0 : i32
          %dma_wait3A_338 = tpu.memref_slice %arg8[%multiple_of3A_320, %dma_wait3A_337] : memref<16x128xi32, #tpu.memory_space<vmem>> -> memref<8x128xi32, #tpu.memory_space<vmem>>
          %dma_wait3A_339 = arith.constant 0 : i32
          %dma_wait3A_340 = arith.constant 0 : i32
          %dma_wait3A_341 = tpu.memref_slice %arg4[%select_n3A_311, %dma_wait3A_339, %dma_wait3A_340] : memref<32x80x128xi32, #tpu.memory_space<hbm>> -> memref<1x80x128xi32, #tpu.memory_space<hbm>>
          %dma_wait3A_342 = tpu.memref_squeeze %dma_wait3A_341 : memref<1x80x128xi32, #tpu.memory_space<hbm>> -> memref<80x128xi32, #tpu.memory_space<hbm>>
          %dma_wait3A_343 = arith.constant 0 : i32
          %dma_wait3A_344 = tpu.memref_slice %dma_wait3A_342[%multiple_of3A_315, %dma_wait3A_343] : memref<80x128xi32, #tpu.memory_space<hbm>> -> memref<8x128xi32, #tpu.memory_space<hbm>>
          %dma_wait3A_345 = arith.constant 0 : i32
          %dma_wait3A_346 = tpu.memref_slice %arg8[%multiple_of3A_320, %dma_wait3A_345] : memref<16x128xi32, #tpu.memory_space<vmem>> -> memref<8x128xi32, #tpu.memory_space<vmem>>
          %dma_wait3A_347 = arith.constant 0 : i32
          %dma_wait3A_348 = arith.constant 0 : i32
          %dma_wait3A_349 = tpu.memref_slice %arg4[%select_n3A_311, %dma_wait3A_347, %dma_wait3A_348] : memref<32x80x128xi32, #tpu.memory_space<hbm>> -> memref<1x80x128xi32, #tpu.memory_space<hbm>>
          %dma_wait3A_350 = tpu.memref_squeeze %dma_wait3A_349 : memref<1x80x128xi32, #tpu.memory_space<hbm>> -> memref<80x128xi32, #tpu.memory_space<hbm>>
          %dma_wait3A_351 = arith.constant 0 : i32
          %dma_wait3A_352 = tpu.memref_slice %dma_wait3A_350[%multiple_of3A_315, %dma_wait3A_351] : memref<80x128xi32, #tpu.memory_space<hbm>> -> memref<8x128xi32, #tpu.memory_space<hbm>>
          tpu.wait_dma2 semaphore(%arg14 : memref<!tpu.dma_semaphore, #tpu.memory_space<semaphore_mem>>) src(%dma_wait3A_352 : memref<8x128xi32, #tpu.memory_space<hbm>>) dst(%dma_wait3A_346 : memref<8x128xi32, #tpu.memory_space<vmem>>)
        } else {
        }
        %rem3A_247 = arith.constant 16 : i32
        %rem3A_248 = arith.remsi %add3A_239, %rem3A_247 : i32
        %dma_start3A_249 = arith.constant 0 : i32
        %dma_start3A_250 = arith.constant 0 : i32
        %dma_start3A_251 = arith.constant 0 : i32
        %dma_start3A_252 = tpu.memref_slice %arg9[%dma_start3A_249, %dma_start3A_250, %dma_start3A_251] : memref<2x128x128xf32, #tpu.memory_space<vmem>> -> memref<1x128x128xf32, #tpu.memory_space<vmem>>
        %dma_start3A_253 = tpu.memref_squeeze %dma_start3A_252 : memref<1x128x128xf32, #tpu.memory_space<vmem>> -> memref<128x128xf32, #tpu.memory_space<vmem>>
        %dma_start3A_254 = arith.constant 0 : i32
        %dma_start3A_255 = tpu.memref_slice %arg7[%rem3A_248, %dma_start3A_254] : memref<16x128xi32, #tpu.memory_space<vmem>> -> memref<1x128xi32, #tpu.memory_space<vmem>>
        %dma_start3A_256 = tpu.memref_squeeze %dma_start3A_255 : memref<1x128xi32, #tpu.memory_space<vmem>> -> memref<128xi32, #tpu.memory_space<vmem>>
        %dma_start3A_257 = arith.constant 0 : i32
        %dma_start3A_258 = arith.constant 0 : i32
        %dma_start3A_259 = tpu.memref_slice %arg2[%arg0, %dma_start3A_257, %dma_start3A_258] : memref<2x10000x128xf32, #tpu.memory_space<hbm>> -> memref<1x10000x128xf32, #tpu.memory_space<hbm>>
        %dma_start3A_260 = tpu.memref_squeeze %dma_start3A_259 : memref<1x10000x128xf32, #tpu.memory_space<hbm>> -> memref<10000x128xf32, #tpu.memory_space<hbm>>
        %dma_start3A_261 = arith.constant 0 : i32
        %dma_start3A_262 = arith.constant 0 : i32
        %dma_start3A_263 = tpu.memref_slice %dma_start3A_260[%dma_start3A_261, %dma_start3A_262] : memref<10000x128xf32, #tpu.memory_space<hbm>> -> memref<10000x128xf32, #tpu.memory_space<hbm>>
        tpu.enqueue_indirect_dma source(%dma_start3A_263 : memref<10000x128xf32, #tpu.memory_space<hbm>>) target(%dma_start3A_253 : memref<128x128xf32, #tpu.memory_space<vmem>>) offsets(%dma_start3A_256 : memref<128xi32, #tpu.memory_space<vmem>>) semaphore(%arg10 : memref<!tpu.dma_semaphore, #tpu.memory_space<semaphore_mem>>)
      } else {
      }
      %rem3A_212 = arith.constant 16 : i32
      %rem3A_213 = arith.remsi %add3A_121, %rem3A_212 : i32
      %dma_start3A_214 = arith.constant 1 : i32
      %dma_start3A_215 = arith.constant 0 : i32
      %dma_start3A_216 = arith.constant 0 : i32
      %dma_start3A_217 = tpu.memref_slice %arg9[%dma_start3A_214, %dma_start3A_215, %dma_start3A_216] : memref<2x128x128xf32, #tpu.memory_space<vmem>> -> memref<1x128x128xf32, #tpu.memory_space<vmem>>
      %dma_start3A_218 = tpu.memref_squeeze %dma_start3A_217 : memref<1x128x128xf32, #tpu.memory_space<vmem>> -> memref<128x128xf32, #tpu.memory_space<vmem>>
      %dma_start3A_219 = arith.constant 0 : i32
      %dma_start3A_220 = tpu.memref_slice %arg8[%rem3A_213, %dma_start3A_219] : memref<16x128xi32, #tpu.memory_space<vmem>> -> memref<1x128xi32, #tpu.memory_space<vmem>>
      %dma_start3A_221 = tpu.memref_squeeze %dma_start3A_220 : memref<1x128xi32, #tpu.memory_space<vmem>> -> memref<128xi32, #tpu.memory_space<vmem>>
      %dma_start3A_222 = arith.constant 0 : i32
      %dma_start3A_223 = arith.constant 0 : i32
      %dma_start3A_224 = tpu.memref_slice %arg6[%dma_start3A_222, %dma_start3A_223] : memref<10008x128xf32, #tpu.memory_space<vmem_shared>> -> memref<10008x128xf32, #tpu.memory_space<vmem_shared>>
      tpu.enqueue_indirect_dma source(%dma_start3A_218 : memref<128x128xf32, #tpu.memory_space<vmem>>) target(%dma_start3A_224 : memref<10008x128xf32, #tpu.memory_space<vmem_shared>>) offsets(%dma_start3A_221 : memref<128xi32, #tpu.memory_space<vmem>>) semaphore(%arg13 : memref<!tpu.dma_semaphore, #tpu.memory_space<semaphore_mem>>) {add = true}
      %rem3A_225 = arith.constant 16 : i32
      %rem3A_226 = arith.remsi %add3A_121, %rem3A_225 : i32
      %dma_wait3A_227 = arith.constant 1 : i32
      %dma_wait3A_228 = arith.constant 0 : i32
      %dma_wait3A_229 = arith.constant 0 : i32
      %dma_wait3A_230 = tpu.memref_slice %arg9[%dma_wait3A_227, %dma_wait3A_228, %dma_wait3A_229] : memref<2x128x128xf32, #tpu.memory_space<vmem>> -> memref<1x128x128xf32, #tpu.memory_space<vmem>>
      %dma_wait3A_231 = tpu.memref_squeeze %dma_wait3A_230 : memref<1x128x128xf32, #tpu.memory_space<vmem>> -> memref<128x128xf32, #tpu.memory_space<vmem>>
      %dma_wait3A_232 = arith.constant 0 : i32
      %dma_wait3A_233 = tpu.memref_slice %arg8[%rem3A_226, %dma_wait3A_232] : memref<16x128xi32, #tpu.memory_space<vmem>> -> memref<1x128xi32, #tpu.memory_space<vmem>>
      %dma_wait3A_234 = tpu.memref_squeeze %dma_wait3A_233 : memref<1x128xi32, #tpu.memory_space<vmem>> -> memref<128xi32, #tpu.memory_space<vmem>>
      %dma_wait3A_235 = arith.constant 0 : i32
      %dma_wait3A_236 = arith.constant 0 : i32
      %dma_wait3A_237 = tpu.memref_slice %arg6[%dma_wait3A_235, %dma_wait3A_236] : memref<10008x128xf32, #tpu.memory_space<vmem_shared>> -> memref<10008x128xf32, #tpu.memory_space<vmem_shared>>
      tpu.wait_indirect_dma semaphore(%arg13 : memref<!tpu.dma_semaphore, #tpu.memory_space<semaphore_mem>>) src(%dma_wait3A_231 : memref<128x128xf32, #tpu.memory_space<vmem>>) dst(%dma_wait3A_237 : memref<10008x128xf32, #tpu.memory_space<vmem_shared>>)
    }
    %scan3A_108 = arith.constant 80 : i32
    %barrier3A_109 = arith.constant 0 : index
    tpu.barrier barrier_id(%barrier3A_109)
    %mul3A_110 = arith.constant 624 : i32
    %mul3A_111 = arith.muli %arg1, %mul3A_110 : i32
    "tpu.region"() ({
      %run_scoped3A = tpu.sem_alloc : memref<!tpu.dma_semaphore, #tpu.memory_space<semaphore_mem>>
      %dma_start3A_117 = arith.constant 0 : i32
      %dma_start3A_118 = arith.constant 0 : i32
      %dma_start3A_119 = tpu.memref_slice %arg5[%arg0, %dma_start3A_117, %dma_start3A_118] : memref<2x10000x128xf32, #tpu.memory_space<hbm>> -> memref<1x10000x128xf32, #tpu.memory_space<hbm>>
      %dma_start3A_120 = tpu.memref_squeeze %dma_start3A_119 : memref<1x10000x128xf32, #tpu.memory_space<hbm>> -> memref<10000x128xf32, #tpu.memory_space<hbm>>
      %dma_start3A_121 = arith.constant 0 : i32
      %dma_start3A_122 = tpu.memref_slice %dma_start3A_120[%mul3A_111, %dma_start3A_121] : memref<10000x128xf32, #tpu.memory_space<hbm>> -> memref<624x128xf32, #tpu.memory_space<hbm>>
      %dma_start3A_123 = arith.constant 0 : i32
      %dma_start3A_124 = tpu.memref_slice %arg6[%mul3A_111, %dma_start3A_123] : memref<10008x128xf32, #tpu.memory_space<vmem_shared>> -> memref<624x128xf32, #tpu.memory_space<vmem_shared>>
      tpu.enqueue_dma source(%dma_start3A_124 : memref<624x128xf32, #tpu.memory_space<vmem_shared>>) target(%dma_start3A_122 : memref<624x128xf32, #tpu.memory_space<hbm>>) target_semaphore(%run_scoped3A : memref<!tpu.dma_semaphore, #tpu.memory_space<semaphore_mem>>)
      %dma_wait3A_125 = arith.constant 0 : i32
      %dma_wait3A_126 = arith.constant 0 : i32
      %dma_wait3A_127 = tpu.memref_slice %arg5[%arg0, %dma_wait3A_125, %dma_wait3A_126] : memref<2x10000x128xf32, #tpu.memory_space<hbm>> -> memref<1x10000x128xf32, #tpu.memory_space<hbm>>
      %dma_wait3A_128 = tpu.memref_squeeze %dma_wait3A_127 : memref<1x10000x128xf32, #tpu.memory_space<hbm>> -> memref<10000x128xf32, #tpu.memory_space<hbm>>
      %dma_wait3A_129 = arith.constant 0 : i32
      %dma_wait3A_130 = tpu.memref_slice %dma_wait3A_128[%mul3A_111, %dma_wait3A_129] : memref<10000x128xf32, #tpu.memory_space<hbm>> -> memref<624x128xf32, #tpu.memory_space<hbm>>
      %dma_wait3A_131 = arith.constant 0 : i32
      %dma_wait3A_132 = tpu.memref_slice %arg6[%mul3A_111, %dma_wait3A_131] : memref<10008x128xf32, #tpu.memory_space<vmem_shared>> -> memref<624x128xf32, #tpu.memory_space<vmem_shared>>
      tpu.wait_dma2 semaphore(%run_scoped3A : memref<!tpu.dma_semaphore, #tpu.memory_space<semaphore_mem>>) src(%dma_wait3A_132 : memref<624x128xf32, #tpu.memory_space<vmem_shared>>) dst(%dma_wait3A_130 : memref<624x128xf32, #tpu.memory_space<hbm>>)
      tpu.yield
    }) : () -> ()
    %eq3A_112 = arith.constant 0 : i32
    %eq3A_113 = arith.cmpi eq, %arg1, %eq3A_112 : i32
    %convert_element_type3A_114 = arith.extui %eq3A_113 : i1 to i32
    %cond3A_115 = arith.constant 0 : i32
    %cond3A_116 = arith.cmpi ne, %convert_element_type3A_114, %cond3A_115 : i32
    scf.if %cond3A_116 {
      "tpu.region"() ({
        %run_scoped3A = tpu.sem_alloc : memref<!tpu.dma_semaphore, #tpu.memory_space<semaphore_mem>>
        %dma_start3A_117 = arith.constant 0 : i32
        %dma_start3A_118 = arith.constant 0 : i32
        %dma_start3A_119 = tpu.memref_slice %arg5[%arg0, %dma_start3A_117, %dma_start3A_118] : memref<2x10000x128xf32, #tpu.memory_space<hbm>> -> memref<1x10000x128xf32, #tpu.memory_space<hbm>>
        %dma_start3A_120 = tpu.memref_squeeze %dma_start3A_119 : memref<1x10000x128xf32, #tpu.memory_space<hbm>> -> memref<10000x128xf32, #tpu.memory_space<hbm>>
        %dma_start3A_121 = arith.constant 9984 : i32
        %dma_start3A_122 = arith.constant 0 : i32
        %dma_start3A_123 = tpu.memref_slice %dma_start3A_120[%dma_start3A_121, %dma_start3A_122] : memref<10000x128xf32, #tpu.memory_space<hbm>> -> memref<16x128xf32, #tpu.memory_space<hbm>>
        %dma_start3A_124 = arith.constant 9984 : i32
        %dma_start3A_125 = arith.constant 0 : i32
        %dma_start3A_126 = tpu.memref_slice %arg6[%dma_start3A_124, %dma_start3A_125] : memref<10008x128xf32, #tpu.memory_space<vmem_shared>> -> memref<16x128xf32, #tpu.memory_space<vmem_shared>>
        tpu.enqueue_dma source(%dma_start3A_126 : memref<16x128xf32, #tpu.memory_space<vmem_shared>>) target(%dma_start3A_123 : memref<16x128xf32, #tpu.memory_space<hbm>>) target_semaphore(%run_scoped3A : memref<!tpu.dma_semaphore, #tpu.memory_space<semaphore_mem>>)
        %dma_wait3A_127 = arith.constant 0 : i32
        %dma_wait3A_128 = arith.constant 0 : i32
        %dma_wait3A_129 = tpu.memref_slice %arg5[%arg0, %dma_wait3A_127, %dma_wait3A_128] : memref<2x10000x128xf32, #tpu.memory_space<hbm>> -> memref<1x10000x128xf32, #tpu.memory_space<hbm>>
        %dma_wait3A_130 = tpu.memref_squeeze %dma_wait3A_129 : memref<1x10000x128xf32, #tpu.memory_space<hbm>> -> memref<10000x128xf32, #tpu.memory_space<hbm>>
        %dma_wait3A_131 = arith.constant 9984 : i32
        %dma_wait3A_132 = arith.constant 0 : i32
        %dma_wait3A_133 = tpu.memref_slice %dma_wait3A_130[%dma_wait3A_131, %dma_wait3A_132] : memref<10000x128xf32, #tpu.memory_space<hbm>> -> memref<16x128xf32, #tpu.memory_space<hbm>>
        %dma_wait3A_134 = arith.constant 9984 : i32
        %dma_wait3A_135 = arith.constant 0 : i32
        %dma_wait3A_136 = tpu.memref_slice %arg6[%dma_wait3A_134, %dma_wait3A_135] : memref<10008x128xf32, #tpu.memory_space<vmem_shared>> -> memref<16x128xf32, #tpu.memory_space<vmem_shared>>
        tpu.wait_dma2 semaphore(%run_scoped3A : memref<!tpu.dma_semaphore, #tpu.memory_space<semaphore_mem>>) src(%dma_wait3A_136 : memref<16x128xf32, #tpu.memory_space<vmem_shared>>) dst(%dma_wait3A_133 : memref<16x128xf32, #tpu.memory_space<hbm>>)
        tpu.yield
      }) : () -> ()
    } else {
    }
    return
  }
}

#map = affine_map<(d0, d1) -> (0, 0)>
#map1 = affine_map<(d0, d1) -> (0, 0, 0)>
module attributes {stable_mosaic.version = 14 : i64} {
  func.func @_agg1_body(%arg0: i32, %arg1: i32, %arg2: memref<10000x128xf32, #tpu.memory_space<hbm>>, %arg3: memref<624x128xf32, #tpu.memory_space<hbm>>, %arg4: memref<32x80x128xi32, #tpu.memory_space<hbm>>, %arg5: memref<32x80x128xi32, #tpu.memory_space<hbm>>, %arg6: memref<2x10000x128xf32, #tpu.memory_space<hbm>>, %arg7: memref<10008x128xf32, #tpu.memory_space<vmem_shared>>, %arg8: memref<16x128xi32, #tpu.memory_space<vmem>>, %arg9: memref<16x128xi32, #tpu.memory_space<vmem>>, %arg10: memref<2x128x128xf32, #tpu.memory_space<vmem>>, %arg11: memref<!tpu.dma_semaphore, #tpu.memory_space<semaphore_mem>>, %arg12: memref<!tpu.dma_semaphore, #tpu.memory_space<semaphore_mem>>, %arg13: memref<!tpu.dma_semaphore, #tpu.memory_space<semaphore_mem>>, %arg14: memref<!tpu.dma_semaphore, #tpu.memory_space<semaphore_mem>>, %arg15: memref<!tpu.dma_semaphore, #tpu.memory_space<semaphore_mem>>) attributes {dimension_semantics = [#tpu.dimension_semantics<core_parallel>, #tpu.dimension_semantics<subcore_parallel>], iteration_bounds = array<i64: 2, 16>, scalar_prefetch = 0 : i64, scratch_operands = 9 : i64, tpu.core_type = #tpu.core_type<sc_vector_subcore>, window_params = [{transform_indices = #map}, {transform_indices = #map}, {transform_indices = #map1}, {transform_indices = #map1}, {transform_indices = #map1}]} {
    %eq3A = arith.constant 0 : i32
    %eq3A_0 = arith.cmpi eq, %arg0, %eq3A : i32
    %convert_element_type3A = arith.extui %eq3A_0 : i1 to i32
    %cond3A = arith.constant 0 : i32
    %cond3A_1 = arith.cmpi ne, %convert_element_type3A, %cond3A : i32
    scf.if %cond3A_1 {
      %mul3A_110 = arith.constant 624 : i32
      %mul3A_111 = arith.muli %arg1, %mul3A_110 : i32
      "tpu.region"() ({
        %run_scoped3A = tpu.sem_alloc : memref<!tpu.dma_semaphore, #tpu.memory_space<semaphore_mem>>
        %dma_start3A_117 = arith.constant 0 : i32
        %dma_start3A_118 = tpu.memref_slice %arg7[%mul3A_111, %dma_start3A_117] : memref<10008x128xf32, #tpu.memory_space<vmem_shared>> -> memref<624x128xf32, #tpu.memory_space<vmem_shared>>
        %dma_start3A_119 = arith.constant 0 : i32
        %dma_start3A_120 = tpu.memref_slice %arg2[%mul3A_111, %dma_start3A_119] : memref<10000x128xf32, #tpu.memory_space<hbm>> -> memref<624x128xf32, #tpu.memory_space<hbm>>
        tpu.enqueue_dma source(%dma_start3A_120 : memref<624x128xf32, #tpu.memory_space<hbm>>) target(%dma_start3A_118 : memref<624x128xf32, #tpu.memory_space<vmem_shared>>) target_semaphore(%run_scoped3A : memref<!tpu.dma_semaphore, #tpu.memory_space<semaphore_mem>>)
        %dma_wait3A_121 = arith.constant 0 : i32
        %dma_wait3A_122 = tpu.memref_slice %arg7[%mul3A_111, %dma_wait3A_121] : memref<10008x128xf32, #tpu.memory_space<vmem_shared>> -> memref<624x128xf32, #tpu.memory_space<vmem_shared>>
        %dma_wait3A_123 = arith.constant 0 : i32
        %dma_wait3A_124 = tpu.memref_slice %arg2[%mul3A_111, %dma_wait3A_123] : memref<10000x128xf32, #tpu.memory_space<hbm>> -> memref<624x128xf32, #tpu.memory_space<hbm>>
        tpu.wait_dma2 semaphore(%run_scoped3A : memref<!tpu.dma_semaphore, #tpu.memory_space<semaphore_mem>>) src(%dma_wait3A_124 : memref<624x128xf32, #tpu.memory_space<hbm>>) dst(%dma_wait3A_122 : memref<624x128xf32, #tpu.memory_space<vmem_shared>>)
        tpu.yield
      }) : () -> ()
      %eq3A_112 = arith.constant 0 : i32
      %eq3A_113 = arith.cmpi eq, %arg1, %eq3A_112 : i32
      %convert_element_type3A_114 = arith.extui %eq3A_113 : i1 to i32
      %cond3A_115 = arith.constant 0 : i32
      %cond3A_116 = arith.cmpi ne, %convert_element_type3A_114, %cond3A_115 : i32
      scf.if %cond3A_116 {
        "tpu.region"() ({
          %run_scoped3A = tpu.sem_alloc : memref<!tpu.dma_semaphore, #tpu.memory_space<semaphore_mem>>
          %dma_start3A_117 = arith.constant 9984 : i32
          %dma_start3A_118 = arith.constant 0 : i32
          %dma_start3A_119 = tpu.memref_slice %arg7[%dma_start3A_117, %dma_start3A_118] : memref<10008x128xf32, #tpu.memory_space<vmem_shared>> -> memref<16x128xf32, #tpu.memory_space<vmem_shared>>
          %dma_start3A_120 = arith.constant 9984 : i32
          %dma_start3A_121 = arith.constant 0 : i32
          %dma_start3A_122 = tpu.memref_slice %arg2[%dma_start3A_120, %dma_start3A_121] : memref<10000x128xf32, #tpu.memory_space<hbm>> -> memref<16x128xf32, #tpu.memory_space<hbm>>
          tpu.enqueue_dma source(%dma_start3A_122 : memref<16x128xf32, #tpu.memory_space<hbm>>) target(%dma_start3A_119 : memref<16x128xf32, #tpu.memory_space<vmem_shared>>) target_semaphore(%run_scoped3A : memref<!tpu.dma_semaphore, #tpu.memory_space<semaphore_mem>>)
          %dma_wait3A_123 = arith.constant 9984 : i32
          %dma_wait3A_124 = arith.constant 0 : i32
          %dma_wait3A_125 = tpu.memref_slice %arg7[%dma_wait3A_123, %dma_wait3A_124] : memref<10008x128xf32, #tpu.memory_space<vmem_shared>> -> memref<16x128xf32, #tpu.memory_space<vmem_shared>>
          %dma_wait3A_126 = arith.constant 9984 : i32
          %dma_wait3A_127 = arith.constant 0 : i32
          %dma_wait3A_128 = tpu.memref_slice %arg2[%dma_wait3A_126, %dma_wait3A_127] : memref<10000x128xf32, #tpu.memory_space<hbm>> -> memref<16x128xf32, #tpu.memory_space<hbm>>
          tpu.wait_dma2 semaphore(%run_scoped3A : memref<!tpu.dma_semaphore, #tpu.memory_space<semaphore_mem>>) src(%dma_wait3A_128 : memref<16x128xf32, #tpu.memory_space<hbm>>) dst(%dma_wait3A_125 : memref<16x128xf32, #tpu.memory_space<vmem_shared>>)
          tpu.yield
        }) : () -> ()
      } else {
      }
    } else {
    }
    %ne3A = arith.constant 0 : i32
    %ne3A_2 = arith.cmpi ne, %arg0, %ne3A : i32
    %convert_element_type3A_3 = arith.extui %ne3A_2 : i1 to i32
    %cond3A_4 = arith.constant 0 : i32
    %cond3A_5 = arith.cmpi ne, %convert_element_type3A_3, %cond3A_4 : i32
    scf.if %cond3A_5 {
      %mul3A_110 = arith.constant 624 : i32
      %mul3A_111 = arith.muli %arg1, %mul3A_110 : i32
      "tpu.region"() ({
        %run_scoped3A = tpu.sem_alloc : memref<!tpu.dma_semaphore, #tpu.memory_space<semaphore_mem>>
        %dma_start3A_117 = arith.constant 0 : i32
        %dma_start3A_118 = tpu.memref_slice %arg7[%mul3A_111, %dma_start3A_117] : memref<10008x128xf32, #tpu.memory_space<vmem_shared>> -> memref<624x128xf32, #tpu.memory_space<vmem_shared>>
        tpu.enqueue_dma source(%arg3 : memref<624x128xf32, #tpu.memory_space<hbm>>) target(%dma_start3A_118 : memref<624x128xf32, #tpu.memory_space<vmem_shared>>) target_semaphore(%run_scoped3A : memref<!tpu.dma_semaphore, #tpu.memory_space<semaphore_mem>>)
        %dma_wait3A_119 = arith.constant 0 : i32
        %dma_wait3A_120 = tpu.memref_slice %arg7[%mul3A_111, %dma_wait3A_119] : memref<10008x128xf32, #tpu.memory_space<vmem_shared>> -> memref<624x128xf32, #tpu.memory_space<vmem_shared>>
        tpu.wait_dma2 semaphore(%run_scoped3A : memref<!tpu.dma_semaphore, #tpu.memory_space<semaphore_mem>>) src(%arg3 : memref<624x128xf32, #tpu.memory_space<hbm>>) dst(%dma_wait3A_120 : memref<624x128xf32, #tpu.memory_space<vmem_shared>>)
        tpu.yield
      }) : () -> ()
      %eq3A_112 = arith.constant 0 : i32
      %eq3A_113 = arith.cmpi eq, %arg1, %eq3A_112 : i32
      %convert_element_type3A_114 = arith.extui %eq3A_113 : i1 to i32
      %cond3A_115 = arith.constant 0 : i32
      %cond3A_116 = arith.cmpi ne, %convert_element_type3A_114, %cond3A_115 : i32
      scf.if %cond3A_116 {
        "tpu.region"() ({
          %run_scoped3A = tpu.sem_alloc : memref<!tpu.dma_semaphore, #tpu.memory_space<semaphore_mem>>
          %dma_start3A_117 = arith.constant 9984 : i32
          %dma_start3A_118 = arith.constant 0 : i32
          %dma_start3A_119 = tpu.memref_slice %arg7[%dma_start3A_117, %dma_start3A_118] : memref<10008x128xf32, #tpu.memory_space<vmem_shared>> -> memref<16x128xf32, #tpu.memory_space<vmem_shared>>
          %dma_start3A_120 = arith.constant 0 : i32
          %dma_start3A_121 = arith.constant 0 : i32
          %dma_start3A_122 = tpu.memref_slice %arg3[%dma_start3A_120, %dma_start3A_121] : memref<624x128xf32, #tpu.memory_space<hbm>> -> memref<16x128xf32, #tpu.memory_space<hbm>>
          tpu.enqueue_dma source(%dma_start3A_122 : memref<16x128xf32, #tpu.memory_space<hbm>>) target(%dma_start3A_119 : memref<16x128xf32, #tpu.memory_space<vmem_shared>>) target_semaphore(%run_scoped3A : memref<!tpu.dma_semaphore, #tpu.memory_space<semaphore_mem>>)
          %dma_wait3A_123 = arith.constant 9984 : i32
          %dma_wait3A_124 = arith.constant 0 : i32
          %dma_wait3A_125 = tpu.memref_slice %arg7[%dma_wait3A_123, %dma_wait3A_124] : memref<10008x128xf32, #tpu.memory_space<vmem_shared>> -> memref<16x128xf32, #tpu.memory_space<vmem_shared>>
          %dma_wait3A_126 = arith.constant 0 : i32
          %dma_wait3A_127 = arith.constant 0 : i32
          %dma_wait3A_128 = tpu.memref_slice %arg3[%dma_wait3A_126, %dma_wait3A_127] : memref<624x128xf32, #tpu.memory_space<hbm>> -> memref<16x128xf32, #tpu.memory_space<hbm>>
          tpu.wait_dma2 semaphore(%run_scoped3A : memref<!tpu.dma_semaphore, #tpu.memory_space<semaphore_mem>>) src(%dma_wait3A_128 : memref<16x128xf32, #tpu.memory_space<hbm>>) dst(%dma_wait3A_125 : memref<16x128xf32, #tpu.memory_space<vmem_shared>>)
          tpu.yield
        }) : () -> ()
      } else {
      }
    } else {
    }
    %barrier3A = arith.constant 0 : index
    tpu.barrier barrier_id(%barrier3A)
    %mul3A = arith.constant 16 : i32
    %mul3A_6 = arith.muli %arg0, %mul3A : i32
    %add3A = arith.addi %mul3A_6, %arg1 : i32
    %multiple_of3A = arith.constant 0 : i32
    %multiple_of3A_7 = tpu.assume_multiple %multiple_of3A, 8 : i32
    %rem3A = arith.constant 0 : i32
    %rem3A_8 = arith.constant 2 : i32
    %rem3A_9 = arith.remsi %rem3A, %rem3A_8 : i32
    %mul3A_10 = arith.constant 8 : i32
    %mul3A_11 = arith.muli %rem3A_9, %mul3A_10 : i32
    %multiple_of3A_12 = tpu.assume_multiple %mul3A_11, 8 : i32
    %dma_start3A = arith.constant 0 : i32
    %dma_start3A_13 = tpu.memref_slice %arg8[%multiple_of3A_12, %dma_start3A] : memref<16x128xi32, #tpu.memory_space<vmem>> -> memref<8x128xi32, #tpu.memory_space<vmem>>
    %dma_start3A_14 = arith.constant 0 : i32
    %dma_start3A_15 = arith.constant 0 : i32
    %dma_start3A_16 = tpu.memref_slice %arg4[%add3A, %dma_start3A_14, %dma_start3A_15] : memref<32x80x128xi32, #tpu.memory_space<hbm>> -> memref<1x80x128xi32, #tpu.memory_space<hbm>>
    %dma_start3A_17 = tpu.memref_squeeze %dma_start3A_16 : memref<1x80x128xi32, #tpu.memory_space<hbm>> -> memref<80x128xi32, #tpu.memory_space<hbm>>
    %dma_start3A_18 = arith.constant 0 : i32
    %dma_start3A_19 = tpu.memref_slice %dma_start3A_17[%multiple_of3A_7, %dma_start3A_18] : memref<80x128xi32, #tpu.memory_space<hbm>> -> memref<8x128xi32, #tpu.memory_space<hbm>>
    %dma_start3A_20 = arith.constant 0 : i32
    %dma_start3A_21 = tpu.memref_slice %arg8[%multiple_of3A_12, %dma_start3A_20] : memref<16x128xi32, #tpu.memory_space<vmem>> -> memref<8x128xi32, #tpu.memory_space<vmem>>
    %dma_start3A_22 = arith.constant 0 : i32
    %dma_start3A_23 = arith.constant 0 : i32
    %dma_start3A_24 = tpu.memref_slice %arg4[%add3A, %dma_start3A_22, %dma_start3A_23] : memref<32x80x128xi32, #tpu.memory_space<hbm>> -> memref<1x80x128xi32, #tpu.memory_space<hbm>>
    %dma_start3A_25 = tpu.memref_squeeze %dma_start3A_24 : memref<1x80x128xi32, #tpu.memory_space<hbm>> -> memref<80x128xi32, #tpu.memory_space<hbm>>
    %dma_start3A_26 = arith.constant 0 : i32
    %dma_start3A_27 = tpu.memref_slice %dma_start3A_25[%multiple_of3A_7, %dma_start3A_26] : memref<80x128xi32, #tpu.memory_space<hbm>> -> memref<8x128xi32, #tpu.memory_space<hbm>>
    tpu.enqueue_dma source(%dma_start3A_27 : memref<8x128xi32, #tpu.memory_space<hbm>>) target(%dma_start3A_21 : memref<8x128xi32, #tpu.memory_space<vmem>>) target_semaphore(%arg15 : memref<!tpu.dma_semaphore, #tpu.memory_space<semaphore_mem>>)
    %dma_start3A_28 = arith.constant 0 : i32
    %dma_start3A_29 = tpu.memref_slice %arg9[%multiple_of3A_12, %dma_start3A_28] : memref<16x128xi32, #tpu.memory_space<vmem>> -> memref<8x128xi32, #tpu.memory_space<vmem>>
    %dma_start3A_30 = arith.constant 0 : i32
    %dma_start3A_31 = arith.constant 0 : i32
    %dma_start3A_32 = tpu.memref_slice %arg5[%add3A, %dma_start3A_30, %dma_start3A_31] : memref<32x80x128xi32, #tpu.memory_space<hbm>> -> memref<1x80x128xi32, #tpu.memory_space<hbm>>
    %dma_start3A_33 = tpu.memref_squeeze %dma_start3A_32 : memref<1x80x128xi32, #tpu.memory_space<hbm>> -> memref<80x128xi32, #tpu.memory_space<hbm>>
    %dma_start3A_34 = arith.constant 0 : i32
    %dma_start3A_35 = tpu.memref_slice %dma_start3A_33[%multiple_of3A_7, %dma_start3A_34] : memref<80x128xi32, #tpu.memory_space<hbm>> -> memref<8x128xi32, #tpu.memory_space<hbm>>
    %dma_start3A_36 = arith.constant 0 : i32
    %dma_start3A_37 = tpu.memref_slice %arg9[%multiple_of3A_12, %dma_start3A_36] : memref<16x128xi32, #tpu.memory_space<vmem>> -> memref<8x128xi32, #tpu.memory_space<vmem>>
    %dma_start3A_38 = arith.constant 0 : i32
    %dma_start3A_39 = arith.constant 0 : i32
    %dma_start3A_40 = tpu.memref_slice %arg5[%add3A, %dma_start3A_38, %dma_start3A_39] : memref<32x80x128xi32, #tpu.memory_space<hbm>> -> memref<1x80x128xi32, #tpu.memory_space<hbm>>
    %dma_start3A_41 = tpu.memref_squeeze %dma_start3A_40 : memref<1x80x128xi32, #tpu.memory_space<hbm>> -> memref<80x128xi32, #tpu.memory_space<hbm>>
    %dma_start3A_42 = arith.constant 0 : i32
    %dma_start3A_43 = tpu.memref_slice %dma_start3A_41[%multiple_of3A_7, %dma_start3A_42] : memref<80x128xi32, #tpu.memory_space<hbm>> -> memref<8x128xi32, #tpu.memory_space<hbm>>
    tpu.enqueue_dma source(%dma_start3A_43 : memref<8x128xi32, #tpu.memory_space<hbm>>) target(%dma_start3A_37 : memref<8x128xi32, #tpu.memory_space<vmem>>) target_semaphore(%arg15 : memref<!tpu.dma_semaphore, #tpu.memory_space<semaphore_mem>>)
    %multiple_of3A_44 = arith.constant 0 : i32
    %multiple_of3A_45 = tpu.assume_multiple %multiple_of3A_44, 8 : i32
    %rem3A_46 = arith.constant 0 : i32
    %rem3A_47 = arith.constant 2 : i32
    %rem3A_48 = arith.remsi %rem3A_46, %rem3A_47 : i32
    %mul3A_49 = arith.constant 8 : i32
    %mul3A_50 = arith.muli %rem3A_48, %mul3A_49 : i32
    %multiple_of3A_51 = tpu.assume_multiple %mul3A_50, 8 : i32
    %dma_wait3A = arith.constant 0 : i32
    %dma_wait3A_52 = tpu.memref_slice %arg8[%multiple_of3A_51, %dma_wait3A] : memref<16x128xi32, #tpu.memory_space<vmem>> -> memref<8x128xi32, #tpu.memory_space<vmem>>
    %dma_wait3A_53 = arith.constant 0 : i32
    %dma_wait3A_54 = arith.constant 0 : i32
    %dma_wait3A_55 = tpu.memref_slice %arg4[%add3A, %dma_wait3A_53, %dma_wait3A_54] : memref<32x80x128xi32, #tpu.memory_space<hbm>> -> memref<1x80x128xi32, #tpu.memory_space<hbm>>
    %dma_wait3A_56 = tpu.memref_squeeze %dma_wait3A_55 : memref<1x80x128xi32, #tpu.memory_space<hbm>> -> memref<80x128xi32, #tpu.memory_space<hbm>>
    %dma_wait3A_57 = arith.constant 0 : i32
    %dma_wait3A_58 = tpu.memref_slice %dma_wait3A_56[%multiple_of3A_45, %dma_wait3A_57] : memref<80x128xi32, #tpu.memory_space<hbm>> -> memref<8x128xi32, #tpu.memory_space<hbm>>
    %dma_wait3A_59 = arith.constant 0 : i32
    %dma_wait3A_60 = tpu.memref_slice %arg8[%multiple_of3A_51, %dma_wait3A_59] : memref<16x128xi32, #tpu.memory_space<vmem>> -> memref<8x128xi32, #tpu.memory_space<vmem>>
    %dma_wait3A_61 = arith.constant 0 : i32
    %dma_wait3A_62 = arith.constant 0 : i32
    %dma_wait3A_63 = tpu.memref_slice %arg4[%add3A, %dma_wait3A_61, %dma_wait3A_62] : memref<32x80x128xi32, #tpu.memory_space<hbm>> -> memref<1x80x128xi32, #tpu.memory_space<hbm>>
    %dma_wait3A_64 = tpu.memref_squeeze %dma_wait3A_63 : memref<1x80x128xi32, #tpu.memory_space<hbm>> -> memref<80x128xi32, #tpu.memory_space<hbm>>
    %dma_wait3A_65 = arith.constant 0 : i32
    %dma_wait3A_66 = tpu.memref_slice %dma_wait3A_64[%multiple_of3A_45, %dma_wait3A_65] : memref<80x128xi32, #tpu.memory_space<hbm>> -> memref<8x128xi32, #tpu.memory_space<hbm>>
    tpu.wait_dma2 semaphore(%arg15 : memref<!tpu.dma_semaphore, #tpu.memory_space<semaphore_mem>>) src(%dma_wait3A_66 : memref<8x128xi32, #tpu.memory_space<hbm>>) dst(%dma_wait3A_60 : memref<8x128xi32, #tpu.memory_space<vmem>>)
    %dma_wait3A_67 = arith.constant 0 : i32
    %dma_wait3A_68 = tpu.memref_slice %arg9[%multiple_of3A_51, %dma_wait3A_67] : memref<16x128xi32, #tpu.memory_space<vmem>> -> memref<8x128xi32, #tpu.memory_space<vmem>>
    %dma_wait3A_69 = arith.constant 0 : i32
    %dma_wait3A_70 = arith.constant 0 : i32
    %dma_wait3A_71 = tpu.memref_slice %arg5[%add3A, %dma_wait3A_69, %dma_wait3A_70] : memref<32x80x128xi32, #tpu.memory_space<hbm>> -> memref<1x80x128xi32, #tpu.memory_space<hbm>>
    %dma_wait3A_72 = tpu.memref_squeeze %dma_wait3A_71 : memref<1x80x128xi32, #tpu.memory_space<hbm>> -> memref<80x128xi32, #tpu.memory_space<hbm>>
    %dma_wait3A_73 = arith.constant 0 : i32
    %dma_wait3A_74 = tpu.memref_slice %dma_wait3A_72[%multiple_of3A_45, %dma_wait3A_73] : memref<80x128xi32, #tpu.memory_space<hbm>> -> memref<8x128xi32, #tpu.memory_space<hbm>>
    %dma_wait3A_75 = arith.constant 0 : i32
    %dma_wait3A_76 = tpu.memref_slice %arg9[%multiple_of3A_51, %dma_wait3A_75] : memref<16x128xi32, #tpu.memory_space<vmem>> -> memref<8x128xi32, #tpu.memory_space<vmem>>
    %dma_wait3A_77 = arith.constant 0 : i32
    %dma_wait3A_78 = arith.constant 0 : i32
    %dma_wait3A_79 = tpu.memref_slice %arg5[%add3A, %dma_wait3A_77, %dma_wait3A_78] : memref<32x80x128xi32, #tpu.memory_space<hbm>> -> memref<1x80x128xi32, #tpu.memory_space<hbm>>
    %dma_wait3A_80 = tpu.memref_squeeze %dma_wait3A_79 : memref<1x80x128xi32, #tpu.memory_space<hbm>> -> memref<80x128xi32, #tpu.memory_space<hbm>>
    %dma_wait3A_81 = arith.constant 0 : i32
    %dma_wait3A_82 = tpu.memref_slice %dma_wait3A_80[%multiple_of3A_45, %dma_wait3A_81] : memref<80x128xi32, #tpu.memory_space<hbm>> -> memref<8x128xi32, #tpu.memory_space<hbm>>
    tpu.wait_dma2 semaphore(%arg15 : memref<!tpu.dma_semaphore, #tpu.memory_space<semaphore_mem>>) src(%dma_wait3A_82 : memref<8x128xi32, #tpu.memory_space<hbm>>) dst(%dma_wait3A_76 : memref<8x128xi32, #tpu.memory_space<vmem>>)
    %rem3A_83 = arith.constant 0 : i32
    %rem3A_84 = arith.constant 16 : i32
    %rem3A_85 = arith.remsi %rem3A_83, %rem3A_84 : i32
    %dma_start3A_86 = arith.constant 0 : i32
    %dma_start3A_87 = arith.constant 0 : i32
    %dma_start3A_88 = arith.constant 0 : i32
    %dma_start3A_89 = tpu.memref_slice %arg10[%dma_start3A_86, %dma_start3A_87, %dma_start3A_88] : memref<2x128x128xf32, #tpu.memory_space<vmem>> -> memref<1x128x128xf32, #tpu.memory_space<vmem>>
    %dma_start3A_90 = tpu.memref_squeeze %dma_start3A_89 : memref<1x128x128xf32, #tpu.memory_space<vmem>> -> memref<128x128xf32, #tpu.memory_space<vmem>>
    %dma_start3A_91 = arith.constant 0 : i32
    %dma_start3A_92 = tpu.memref_slice %arg8[%rem3A_85, %dma_start3A_91] : memref<16x128xi32, #tpu.memory_space<vmem>> -> memref<1x128xi32, #tpu.memory_space<vmem>>
    %dma_start3A_93 = tpu.memref_squeeze %dma_start3A_92 : memref<1x128xi32, #tpu.memory_space<vmem>> -> memref<128xi32, #tpu.memory_space<vmem>>
    %dma_start3A_94 = arith.constant 0 : i32
    %dma_start3A_95 = arith.constant 0 : i32
    %dma_start3A_96 = tpu.memref_slice %arg2[%dma_start3A_94, %dma_start3A_95] : memref<10000x128xf32, #tpu.memory_space<hbm>> -> memref<10000x128xf32, #tpu.memory_space<hbm>>
    tpu.enqueue_indirect_dma source(%dma_start3A_96 : memref<10000x128xf32, #tpu.memory_space<hbm>>) target(%dma_start3A_90 : memref<128x128xf32, #tpu.memory_space<vmem>>) offsets(%dma_start3A_93 : memref<128xi32, #tpu.memory_space<vmem>>) semaphore(%arg11 : memref<!tpu.dma_semaphore, #tpu.memory_space<semaphore_mem>>)
    %scan3A = arith.constant 0 : i32
    %scan3A_97 = arith.constant 0 : i32
    %scan3A_98 = arith.constant 40 : i32
    %scan3A_99 = arith.addi %scan3A_97, %scan3A_98 : i32
    %scan3A_100 = arith.constant 1 : i32
    scf.for %scan3A_110 = %scan3A_97 to %scan3A_99 step %scan3A_100  : i32 {
      %mul3A_111 = arith.constant 2 : i32
      %mul3A_112 = arith.muli %mul3A_111, %scan3A_110 : i32
      %add3A_113 = arith.constant 1 : i32
      %add3A_114 = arith.addi %mul3A_112, %add3A_113 : i32
      %rem3A_115 = arith.constant 8 : i32
      %rem3A_116 = arith.remsi %mul3A_112, %rem3A_115 : i32
      %eq3A_117 = arith.constant 0 : i32
      %eq3A_118 = arith.cmpi eq, %rem3A_116, %eq3A_117 : i32
      %convert_element_type3A_119 = arith.extui %eq3A_118 : i1 to i32
      %cond3A_120 = arith.constant 0 : i32
      %cond3A_121 = arith.cmpi ne, %convert_element_type3A_119, %cond3A_120 : i32
      scf.if %cond3A_121 {
        %jit3A = arith.constant 8 : i32
        %div3A = arith.divsi %mul3A_112, %jit3A : i32
        %sign3A = arith.constant 0 : i32
        %sign3A_219 = arith.cmpi sgt, %mul3A_112, %sign3A : i32
        %sign3A_220 = arith.extui %sign3A_219 : i1 to i32
        %sign3A_221 = arith.constant 0 : i32
        %sign3A_222 = arith.cmpi slt, %mul3A_112, %sign3A_221 : i32
        %sign3A_223 = arith.extui %sign3A_222 : i1 to i32
        %sign3A_224 = arith.subi %sign3A_220, %sign3A_223 : i32
        %sign3A_225 = arith.constant 0 : i32
        %sign3A_226 = arith.cmpi sgt, %jit3A, %sign3A_225 : i32
        %sign3A_227 = arith.extui %sign3A_226 : i1 to i32
        %sign3A_228 = arith.constant 0 : i32
        %sign3A_229 = arith.cmpi slt, %jit3A, %sign3A_228 : i32
        %sign3A_230 = arith.extui %sign3A_229 : i1 to i32
        %sign3A_231 = arith.subi %sign3A_227, %sign3A_230 : i32
        %ne3A_232 = arith.cmpi ne, %sign3A_224, %sign3A_231 : i32
        %rem3A_233 = arith.remsi %mul3A_112, %jit3A : i32
        %ne3A_234 = arith.constant 0 : i32
        %ne3A_235 = arith.cmpi ne, %rem3A_233, %ne3A_234 : i32
        %and3A = arith.andi %ne3A_232, %ne3A_235 : i1
        %sub3A = arith.constant 1 : i32
        %sub3A_236 = arith.subi %div3A, %sub3A : i32
        %select_n3A = arith.select %and3A, %sub3A_236, %div3A : i32
        %add3A_237 = arith.constant 1 : i32
        %add3A_238 = arith.addi %select_n3A, %add3A_237 : i32
        %lt3A_239 = arith.constant 10 : i32
        %lt3A_240 = arith.cmpi slt, %add3A_238, %lt3A_239 : i32
        %convert_element_type3A_241 = arith.extui %lt3A_240 : i1 to i32
        %cond3A_242 = arith.constant 0 : i32
        %cond3A_243 = arith.cmpi ne, %convert_element_type3A_241, %cond3A_242 : i32
        scf.if %cond3A_243 {
          %add3A_244 = arith.constant 1 : i32
          %add3A_245 = arith.addi %select_n3A, %add3A_244 : i32
          %mul3A_246 = arith.constant 8 : i32
          %mul3A_247 = arith.muli %add3A_245, %mul3A_246 : i32
          %multiple_of3A_248 = tpu.assume_multiple %mul3A_247, 8 : i32
          %rem3A_249 = arith.constant 2 : i32
          %rem3A_250 = arith.remsi %add3A_245, %rem3A_249 : i32
          %mul3A_251 = arith.constant 8 : i32
          %mul3A_252 = arith.muli %rem3A_250, %mul3A_251 : i32
          %multiple_of3A_253 = tpu.assume_multiple %mul3A_252, 8 : i32
          %dma_start3A_254 = arith.constant 0 : i32
          %dma_start3A_255 = tpu.memref_slice %arg8[%multiple_of3A_253, %dma_start3A_254] : memref<16x128xi32, #tpu.memory_space<vmem>> -> memref<8x128xi32, #tpu.memory_space<vmem>>
          %dma_start3A_256 = arith.constant 0 : i32
          %dma_start3A_257 = arith.constant 0 : i32
          %dma_start3A_258 = tpu.memref_slice %arg4[%add3A, %dma_start3A_256, %dma_start3A_257] : memref<32x80x128xi32, #tpu.memory_space<hbm>> -> memref<1x80x128xi32, #tpu.memory_space<hbm>>
          %dma_start3A_259 = tpu.memref_squeeze %dma_start3A_258 : memref<1x80x128xi32, #tpu.memory_space<hbm>> -> memref<80x128xi32, #tpu.memory_space<hbm>>
          %dma_start3A_260 = arith.constant 0 : i32
          %dma_start3A_261 = tpu.memref_slice %dma_start3A_259[%multiple_of3A_248, %dma_start3A_260] : memref<80x128xi32, #tpu.memory_space<hbm>> -> memref<8x128xi32, #tpu.memory_space<hbm>>
          %dma_start3A_262 = arith.constant 0 : i32
          %dma_start3A_263 = tpu.memref_slice %arg8[%multiple_of3A_253, %dma_start3A_262] : memref<16x128xi32, #tpu.memory_space<vmem>> -> memref<8x128xi32, #tpu.memory_space<vmem>>
          %dma_start3A_264 = arith.constant 0 : i32
          %dma_start3A_265 = arith.constant 0 : i32
          %dma_start3A_266 = tpu.memref_slice %arg4[%add3A, %dma_start3A_264, %dma_start3A_265] : memref<32x80x128xi32, #tpu.memory_space<hbm>> -> memref<1x80x128xi32, #tpu.memory_space<hbm>>
          %dma_start3A_267 = tpu.memref_squeeze %dma_start3A_266 : memref<1x80x128xi32, #tpu.memory_space<hbm>> -> memref<80x128xi32, #tpu.memory_space<hbm>>
          %dma_start3A_268 = arith.constant 0 : i32
          %dma_start3A_269 = tpu.memref_slice %dma_start3A_267[%multiple_of3A_248, %dma_start3A_268] : memref<80x128xi32, #tpu.memory_space<hbm>> -> memref<8x128xi32, #tpu.memory_space<hbm>>
          tpu.enqueue_dma source(%dma_start3A_269 : memref<8x128xi32, #tpu.memory_space<hbm>>) target(%dma_start3A_263 : memref<8x128xi32, #tpu.memory_space<vmem>>) target_semaphore(%arg15 : memref<!tpu.dma_semaphore, #tpu.memory_space<semaphore_mem>>)
          %dma_start3A_270 = arith.constant 0 : i32
          %dma_start3A_271 = tpu.memref_slice %arg9[%multiple_of3A_253, %dma_start3A_270] : memref<16x128xi32, #tpu.memory_space<vmem>> -> memref<8x128xi32, #tpu.memory_space<vmem>>
          %dma_start3A_272 = arith.constant 0 : i32
          %dma_start3A_273 = arith.constant 0 : i32
          %dma_start3A_274 = tpu.memref_slice %arg5[%add3A, %dma_start3A_272, %dma_start3A_273] : memref<32x80x128xi32, #tpu.memory_space<hbm>> -> memref<1x80x128xi32, #tpu.memory_space<hbm>>
          %dma_start3A_275 = tpu.memref_squeeze %dma_start3A_274 : memref<1x80x128xi32, #tpu.memory_space<hbm>> -> memref<80x128xi32, #tpu.memory_space<hbm>>
          %dma_start3A_276 = arith.constant 0 : i32
          %dma_start3A_277 = tpu.memref_slice %dma_start3A_275[%multiple_of3A_248, %dma_start3A_276] : memref<80x128xi32, #tpu.memory_space<hbm>> -> memref<8x128xi32, #tpu.memory_space<hbm>>
          %dma_start3A_278 = arith.constant 0 : i32
          %dma_start3A_279 = tpu.memref_slice %arg9[%multiple_of3A_253, %dma_start3A_278] : memref<16x128xi32, #tpu.memory_space<vmem>> -> memref<8x128xi32, #tpu.memory_space<vmem>>
          %dma_start3A_280 = arith.constant 0 : i32
          %dma_start3A_281 = arith.constant 0 : i32
          %dma_start3A_282 = tpu.memref_slice %arg5[%add3A, %dma_start3A_280, %dma_start3A_281] : memref<32x80x128xi32, #tpu.memory_space<hbm>> -> memref<1x80x128xi32, #tpu.memory_space<hbm>>
          %dma_start3A_283 = tpu.memref_squeeze %dma_start3A_282 : memref<1x80x128xi32, #tpu.memory_space<hbm>> -> memref<80x128xi32, #tpu.memory_space<hbm>>
          %dma_start3A_284 = arith.constant 0 : i32
          %dma_start3A_285 = tpu.memref_slice %dma_start3A_283[%multiple_of3A_248, %dma_start3A_284] : memref<80x128xi32, #tpu.memory_space<hbm>> -> memref<8x128xi32, #tpu.memory_space<hbm>>
          tpu.enqueue_dma source(%dma_start3A_285 : memref<8x128xi32, #tpu.memory_space<hbm>>) target(%dma_start3A_279 : memref<8x128xi32, #tpu.memory_space<vmem>>) target_semaphore(%arg15 : memref<!tpu.dma_semaphore, #tpu.memory_space<semaphore_mem>>)
        } else {
        }
      } else {
      }
      %rem3A_122 = arith.constant 16 : i32
      %rem3A_123 = arith.remsi %mul3A_112, %rem3A_122 : i32
      %dma_wait3A_124 = arith.constant 0 : i32
      %dma_wait3A_125 = arith.constant 0 : i32
      %dma_wait3A_126 = arith.constant 0 : i32
      %dma_wait3A_127 = tpu.memref_slice %arg10[%dma_wait3A_124, %dma_wait3A_125, %dma_wait3A_126] : memref<2x128x128xf32, #tpu.memory_space<vmem>> -> memref<1x128x128xf32, #tpu.memory_space<vmem>>
      %dma_wait3A_128 = tpu.memref_squeeze %dma_wait3A_127 : memref<1x128x128xf32, #tpu.memory_space<vmem>> -> memref<128x128xf32, #tpu.memory_space<vmem>>
      %dma_wait3A_129 = arith.constant 0 : i32
      %dma_wait3A_130 = tpu.memref_slice %arg8[%rem3A_123, %dma_wait3A_129] : memref<16x128xi32, #tpu.memory_space<vmem>> -> memref<1x128xi32, #tpu.memory_space<vmem>>
      %dma_wait3A_131 = tpu.memref_squeeze %dma_wait3A_130 : memref<1x128xi32, #tpu.memory_space<vmem>> -> memref<128xi32, #tpu.memory_space<vmem>>
      %dma_wait3A_132 = arith.constant 0 : i32
      %dma_wait3A_133 = arith.constant 0 : i32
      %dma_wait3A_134 = tpu.memref_slice %arg2[%dma_wait3A_132, %dma_wait3A_133] : memref<10000x128xf32, #tpu.memory_space<hbm>> -> memref<10000x128xf32, #tpu.memory_space<hbm>>
      tpu.wait_indirect_dma semaphore(%arg11 : memref<!tpu.dma_semaphore, #tpu.memory_space<semaphore_mem>>) src(%dma_wait3A_134 : memref<10000x128xf32, #tpu.memory_space<hbm>>) dst(%dma_wait3A_128 : memref<128x128xf32, #tpu.memory_space<vmem>>)
      %rem3A_135 = arith.constant 16 : i32
      %rem3A_136 = arith.remsi %add3A_114, %rem3A_135 : i32
      %dma_start3A_137 = arith.constant 1 : i32
      %dma_start3A_138 = arith.constant 0 : i32
      %dma_start3A_139 = arith.constant 0 : i32
      %dma_start3A_140 = tpu.memref_slice %arg10[%dma_start3A_137, %dma_start3A_138, %dma_start3A_139] : memref<2x128x128xf32, #tpu.memory_space<vmem>> -> memref<1x128x128xf32, #tpu.memory_space<vmem>>
      %dma_start3A_141 = tpu.memref_squeeze %dma_start3A_140 : memref<1x128x128xf32, #tpu.memory_space<vmem>> -> memref<128x128xf32, #tpu.memory_space<vmem>>
      %dma_start3A_142 = arith.constant 0 : i32
      %dma_start3A_143 = tpu.memref_slice %arg8[%rem3A_136, %dma_start3A_142] : memref<16x128xi32, #tpu.memory_space<vmem>> -> memref<1x128xi32, #tpu.memory_space<vmem>>
      %dma_start3A_144 = tpu.memref_squeeze %dma_start3A_143 : memref<1x128xi32, #tpu.memory_space<vmem>> -> memref<128xi32, #tpu.memory_space<vmem>>
      %dma_start3A_145 = arith.constant 0 : i32
      %dma_start3A_146 = arith.constant 0 : i32
      %dma_start3A_147 = tpu.memref_slice %arg2[%dma_start3A_145, %dma_start3A_146] : memref<10000x128xf32, #tpu.memory_space<hbm>> -> memref<10000x128xf32, #tpu.memory_space<hbm>>
      tpu.enqueue_indirect_dma source(%dma_start3A_147 : memref<10000x128xf32, #tpu.memory_space<hbm>>) target(%dma_start3A_141 : memref<128x128xf32, #tpu.memory_space<vmem>>) offsets(%dma_start3A_144 : memref<128xi32, #tpu.memory_space<vmem>>) semaphore(%arg12 : memref<!tpu.dma_semaphore, #tpu.memory_space<semaphore_mem>>)
      %rem3A_148 = arith.constant 16 : i32
      %rem3A_149 = arith.remsi %mul3A_112, %rem3A_148 : i32
      %dma_start3A_150 = arith.constant 0 : i32
      %dma_start3A_151 = arith.constant 0 : i32
      %dma_start3A_152 = arith.constant 0 : i32
      %dma_start3A_153 = tpu.memref_slice %arg10[%dma_start3A_150, %dma_start3A_151, %dma_start3A_152] : memref<2x128x128xf32, #tpu.memory_space<vmem>> -> memref<1x128x128xf32, #tpu.memory_space<vmem>>
      %dma_start3A_154 = tpu.memref_squeeze %dma_start3A_153 : memref<1x128x128xf32, #tpu.memory_space<vmem>> -> memref<128x128xf32, #tpu.memory_space<vmem>>
      %dma_start3A_155 = arith.constant 0 : i32
      %dma_start3A_156 = tpu.memref_slice %arg9[%rem3A_149, %dma_start3A_155] : memref<16x128xi32, #tpu.memory_space<vmem>> -> memref<1x128xi32, #tpu.memory_space<vmem>>
      %dma_start3A_157 = tpu.memref_squeeze %dma_start3A_156 : memref<1x128xi32, #tpu.memory_space<vmem>> -> memref<128xi32, #tpu.memory_space<vmem>>
      %dma_start3A_158 = arith.constant 0 : i32
      %dma_start3A_159 = arith.constant 0 : i32
      %dma_start3A_160 = tpu.memref_slice %arg7[%dma_start3A_158, %dma_start3A_159] : memref<10008x128xf32, #tpu.memory_space<vmem_shared>> -> memref<10008x128xf32, #tpu.memory_space<vmem_shared>>
      tpu.enqueue_indirect_dma source(%dma_start3A_154 : memref<128x128xf32, #tpu.memory_space<vmem>>) target(%dma_start3A_160 : memref<10008x128xf32, #tpu.memory_space<vmem_shared>>) offsets(%dma_start3A_157 : memref<128xi32, #tpu.memory_space<vmem>>) semaphore(%arg13 : memref<!tpu.dma_semaphore, #tpu.memory_space<semaphore_mem>>) {add = true}
      %rem3A_161 = arith.constant 16 : i32
      %rem3A_162 = arith.remsi %mul3A_112, %rem3A_161 : i32
      %dma_wait3A_163 = arith.constant 0 : i32
      %dma_wait3A_164 = arith.constant 0 : i32
      %dma_wait3A_165 = arith.constant 0 : i32
      %dma_wait3A_166 = tpu.memref_slice %arg10[%dma_wait3A_163, %dma_wait3A_164, %dma_wait3A_165] : memref<2x128x128xf32, #tpu.memory_space<vmem>> -> memref<1x128x128xf32, #tpu.memory_space<vmem>>
      %dma_wait3A_167 = tpu.memref_squeeze %dma_wait3A_166 : memref<1x128x128xf32, #tpu.memory_space<vmem>> -> memref<128x128xf32, #tpu.memory_space<vmem>>
      %dma_wait3A_168 = arith.constant 0 : i32
      %dma_wait3A_169 = tpu.memref_slice %arg9[%rem3A_162, %dma_wait3A_168] : memref<16x128xi32, #tpu.memory_space<vmem>> -> memref<1x128xi32, #tpu.memory_space<vmem>>
      %dma_wait3A_170 = tpu.memref_squeeze %dma_wait3A_169 : memref<1x128xi32, #tpu.memory_space<vmem>> -> memref<128xi32, #tpu.memory_space<vmem>>
      %dma_wait3A_171 = arith.constant 0 : i32
      %dma_wait3A_172 = arith.constant 0 : i32
      %dma_wait3A_173 = tpu.memref_slice %arg7[%dma_wait3A_171, %dma_wait3A_172] : memref<10008x128xf32, #tpu.memory_space<vmem_shared>> -> memref<10008x128xf32, #tpu.memory_space<vmem_shared>>
      tpu.wait_indirect_dma semaphore(%arg13 : memref<!tpu.dma_semaphore, #tpu.memory_space<semaphore_mem>>) src(%dma_wait3A_167 : memref<128x128xf32, #tpu.memory_space<vmem>>) dst(%dma_wait3A_173 : memref<10008x128xf32, #tpu.memory_space<vmem_shared>>)
      %rem3A_174 = arith.constant 16 : i32
      %rem3A_175 = arith.remsi %add3A_114, %rem3A_174 : i32
      %dma_wait3A_176 = arith.constant 1 : i32
      %dma_wait3A_177 = arith.constant 0 : i32
      %dma_wait3A_178 = arith.constant 0 : i32
      %dma_wait3A_179 = tpu.memref_slice %arg10[%dma_wait3A_176, %dma_wait3A_177, %dma_wait3A_178] : memref<2x128x128xf32, #tpu.memory_space<vmem>> -> memref<1x128x128xf32, #tpu.memory_space<vmem>>
      %dma_wait3A_180 = tpu.memref_squeeze %dma_wait3A_179 : memref<1x128x128xf32, #tpu.memory_space<vmem>> -> memref<128x128xf32, #tpu.memory_space<vmem>>
      %dma_wait3A_181 = arith.constant 0 : i32
      %dma_wait3A_182 = tpu.memref_slice %arg8[%rem3A_175, %dma_wait3A_181] : memref<16x128xi32, #tpu.memory_space<vmem>> -> memref<1x128xi32, #tpu.memory_space<vmem>>
      %dma_wait3A_183 = tpu.memref_squeeze %dma_wait3A_182 : memref<1x128xi32, #tpu.memory_space<vmem>> -> memref<128xi32, #tpu.memory_space<vmem>>
      %dma_wait3A_184 = arith.constant 0 : i32
      %dma_wait3A_185 = arith.constant 0 : i32
      %dma_wait3A_186 = tpu.memref_slice %arg2[%dma_wait3A_184, %dma_wait3A_185] : memref<10000x128xf32, #tpu.memory_space<hbm>> -> memref<10000x128xf32, #tpu.memory_space<hbm>>
      tpu.wait_indirect_dma semaphore(%arg12 : memref<!tpu.dma_semaphore, #tpu.memory_space<semaphore_mem>>) src(%dma_wait3A_186 : memref<10000x128xf32, #tpu.memory_space<hbm>>) dst(%dma_wait3A_180 : memref<128x128xf32, #tpu.memory_space<vmem>>)
      %add3A_187 = arith.constant 1 : i32
      %add3A_188 = arith.addi %add3A_114, %add3A_187 : i32
      %lt3A = arith.constant 80 : i32
      %lt3A_189 = arith.cmpi slt, %add3A_188, %lt3A : i32
      %convert_element_type3A_190 = arith.extui %lt3A_189 : i1 to i32
      %cond3A_191 = arith.constant 0 : i32
      %cond3A_192 = arith.cmpi ne, %convert_element_type3A_190, %cond3A_191 : i32
      scf.if %cond3A_192 {
        %add3A_219 = arith.constant 1 : i32
        %add3A_220 = arith.addi %add3A_114, %add3A_219 : i32
        %rem3A_221 = arith.constant 8 : i32
        %rem3A_222 = arith.remsi %add3A_220, %rem3A_221 : i32
        %eq3A_223 = arith.constant 0 : i32
        %eq3A_224 = arith.cmpi eq, %rem3A_222, %eq3A_223 : i32
        %convert_element_type3A_225 = arith.extui %eq3A_224 : i1 to i32
        %cond3A_226 = arith.constant 0 : i32
        %cond3A_227 = arith.cmpi ne, %convert_element_type3A_225, %cond3A_226 : i32
        scf.if %cond3A_227 {
          %jit3A = arith.constant 8 : i32
          %div3A = arith.divsi %add3A_220, %jit3A : i32
          %sign3A = arith.constant 0 : i32
          %sign3A_241 = arith.cmpi sgt, %add3A_220, %sign3A : i32
          %sign3A_242 = arith.extui %sign3A_241 : i1 to i32
          %sign3A_243 = arith.constant 0 : i32
          %sign3A_244 = arith.cmpi slt, %add3A_220, %sign3A_243 : i32
          %sign3A_245 = arith.extui %sign3A_244 : i1 to i32
          %sign3A_246 = arith.subi %sign3A_242, %sign3A_245 : i32
          %sign3A_247 = arith.constant 0 : i32
          %sign3A_248 = arith.cmpi sgt, %jit3A, %sign3A_247 : i32
          %sign3A_249 = arith.extui %sign3A_248 : i1 to i32
          %sign3A_250 = arith.constant 0 : i32
          %sign3A_251 = arith.cmpi slt, %jit3A, %sign3A_250 : i32
          %sign3A_252 = arith.extui %sign3A_251 : i1 to i32
          %sign3A_253 = arith.subi %sign3A_249, %sign3A_252 : i32
          %ne3A_254 = arith.cmpi ne, %sign3A_246, %sign3A_253 : i32
          %rem3A_255 = arith.remsi %add3A_220, %jit3A : i32
          %ne3A_256 = arith.constant 0 : i32
          %ne3A_257 = arith.cmpi ne, %rem3A_255, %ne3A_256 : i32
          %and3A = arith.andi %ne3A_254, %ne3A_257 : i1
          %sub3A = arith.constant 1 : i32
          %sub3A_258 = arith.subi %div3A, %sub3A : i32
          %select_n3A = arith.select %and3A, %sub3A_258, %div3A : i32
          %mul3A_259 = arith.constant 8 : i32
          %mul3A_260 = arith.muli %select_n3A, %mul3A_259 : i32
          %multiple_of3A_261 = tpu.assume_multiple %mul3A_260, 8 : i32
          %rem3A_262 = arith.constant 2 : i32
          %rem3A_263 = arith.remsi %select_n3A, %rem3A_262 : i32
          %mul3A_264 = arith.constant 8 : i32
          %mul3A_265 = arith.muli %rem3A_263, %mul3A_264 : i32
          %multiple_of3A_266 = tpu.assume_multiple %mul3A_265, 8 : i32
          %dma_wait3A_267 = arith.constant 0 : i32
          %dma_wait3A_268 = tpu.memref_slice %arg8[%multiple_of3A_266, %dma_wait3A_267] : memref<16x128xi32, #tpu.memory_space<vmem>> -> memref<8x128xi32, #tpu.memory_space<vmem>>
          %dma_wait3A_269 = arith.constant 0 : i32
          %dma_wait3A_270 = arith.constant 0 : i32
          %dma_wait3A_271 = tpu.memref_slice %arg4[%add3A, %dma_wait3A_269, %dma_wait3A_270] : memref<32x80x128xi32, #tpu.memory_space<hbm>> -> memref<1x80x128xi32, #tpu.memory_space<hbm>>
          %dma_wait3A_272 = tpu.memref_squeeze %dma_wait3A_271 : memref<1x80x128xi32, #tpu.memory_space<hbm>> -> memref<80x128xi32, #tpu.memory_space<hbm>>
          %dma_wait3A_273 = arith.constant 0 : i32
          %dma_wait3A_274 = tpu.memref_slice %dma_wait3A_272[%multiple_of3A_261, %dma_wait3A_273] : memref<80x128xi32, #tpu.memory_space<hbm>> -> memref<8x128xi32, #tpu.memory_space<hbm>>
          %dma_wait3A_275 = arith.constant 0 : i32
          %dma_wait3A_276 = tpu.memref_slice %arg8[%multiple_of3A_266, %dma_wait3A_275] : memref<16x128xi32, #tpu.memory_space<vmem>> -> memref<8x128xi32, #tpu.memory_space<vmem>>
          %dma_wait3A_277 = arith.constant 0 : i32
          %dma_wait3A_278 = arith.constant 0 : i32
          %dma_wait3A_279 = tpu.memref_slice %arg4[%add3A, %dma_wait3A_277, %dma_wait3A_278] : memref<32x80x128xi32, #tpu.memory_space<hbm>> -> memref<1x80x128xi32, #tpu.memory_space<hbm>>
          %dma_wait3A_280 = tpu.memref_squeeze %dma_wait3A_279 : memref<1x80x128xi32, #tpu.memory_space<hbm>> -> memref<80x128xi32, #tpu.memory_space<hbm>>
          %dma_wait3A_281 = arith.constant 0 : i32
          %dma_wait3A_282 = tpu.memref_slice %dma_wait3A_280[%multiple_of3A_261, %dma_wait3A_281] : memref<80x128xi32, #tpu.memory_space<hbm>> -> memref<8x128xi32, #tpu.memory_space<hbm>>
          tpu.wait_dma2 semaphore(%arg15 : memref<!tpu.dma_semaphore, #tpu.memory_space<semaphore_mem>>) src(%dma_wait3A_282 : memref<8x128xi32, #tpu.memory_space<hbm>>) dst(%dma_wait3A_276 : memref<8x128xi32, #tpu.memory_space<vmem>>)
          %dma_wait3A_283 = arith.constant 0 : i32
          %dma_wait3A_284 = tpu.memref_slice %arg9[%multiple_of3A_266, %dma_wait3A_283] : memref<16x128xi32, #tpu.memory_space<vmem>> -> memref<8x128xi32, #tpu.memory_space<vmem>>
          %dma_wait3A_285 = arith.constant 0 : i32
          %dma_wait3A_286 = arith.constant 0 : i32
          %dma_wait3A_287 = tpu.memref_slice %arg5[%add3A, %dma_wait3A_285, %dma_wait3A_286] : memref<32x80x128xi32, #tpu.memory_space<hbm>> -> memref<1x80x128xi32, #tpu.memory_space<hbm>>
          %dma_wait3A_288 = tpu.memref_squeeze %dma_wait3A_287 : memref<1x80x128xi32, #tpu.memory_space<hbm>> -> memref<80x128xi32, #tpu.memory_space<hbm>>
          %dma_wait3A_289 = arith.constant 0 : i32
          %dma_wait3A_290 = tpu.memref_slice %dma_wait3A_288[%multiple_of3A_261, %dma_wait3A_289] : memref<80x128xi32, #tpu.memory_space<hbm>> -> memref<8x128xi32, #tpu.memory_space<hbm>>
          %dma_wait3A_291 = arith.constant 0 : i32
          %dma_wait3A_292 = tpu.memref_slice %arg9[%multiple_of3A_266, %dma_wait3A_291] : memref<16x128xi32, #tpu.memory_space<vmem>> -> memref<8x128xi32, #tpu.memory_space<vmem>>
          %dma_wait3A_293 = arith.constant 0 : i32
          %dma_wait3A_294 = arith.constant 0 : i32
          %dma_wait3A_295 = tpu.memref_slice %arg5[%add3A, %dma_wait3A_293, %dma_wait3A_294] : memref<32x80x128xi32, #tpu.memory_space<hbm>> -> memref<1x80x128xi32, #tpu.memory_space<hbm>>
          %dma_wait3A_296 = tpu.memref_squeeze %dma_wait3A_295 : memref<1x80x128xi32, #tpu.memory_space<hbm>> -> memref<80x128xi32, #tpu.memory_space<hbm>>
          %dma_wait3A_297 = arith.constant 0 : i32
          %dma_wait3A_298 = tpu.memref_slice %dma_wait3A_296[%multiple_of3A_261, %dma_wait3A_297] : memref<80x128xi32, #tpu.memory_space<hbm>> -> memref<8x128xi32, #tpu.memory_space<hbm>>
          tpu.wait_dma2 semaphore(%arg15 : memref<!tpu.dma_semaphore, #tpu.memory_space<semaphore_mem>>) src(%dma_wait3A_298 : memref<8x128xi32, #tpu.memory_space<hbm>>) dst(%dma_wait3A_292 : memref<8x128xi32, #tpu.memory_space<vmem>>)
        } else {
        }
        %rem3A_228 = arith.constant 16 : i32
        %rem3A_229 = arith.remsi %add3A_220, %rem3A_228 : i32
        %dma_start3A_230 = arith.constant 0 : i32
        %dma_start3A_231 = arith.constant 0 : i32
        %dma_start3A_232 = arith.constant 0 : i32
        %dma_start3A_233 = tpu.memref_slice %arg10[%dma_start3A_230, %dma_start3A_231, %dma_start3A_232] : memref<2x128x128xf32, #tpu.memory_space<vmem>> -> memref<1x128x128xf32, #tpu.memory_space<vmem>>
        %dma_start3A_234 = tpu.memref_squeeze %dma_start3A_233 : memref<1x128x128xf32, #tpu.memory_space<vmem>> -> memref<128x128xf32, #tpu.memory_space<vmem>>
        %dma_start3A_235 = arith.constant 0 : i32
        %dma_start3A_236 = tpu.memref_slice %arg8[%rem3A_229, %dma_start3A_235] : memref<16x128xi32, #tpu.memory_space<vmem>> -> memref<1x128xi32, #tpu.memory_space<vmem>>
        %dma_start3A_237 = tpu.memref_squeeze %dma_start3A_236 : memref<1x128xi32, #tpu.memory_space<vmem>> -> memref<128xi32, #tpu.memory_space<vmem>>
        %dma_start3A_238 = arith.constant 0 : i32
        %dma_start3A_239 = arith.constant 0 : i32
        %dma_start3A_240 = tpu.memref_slice %arg2[%dma_start3A_238, %dma_start3A_239] : memref<10000x128xf32, #tpu.memory_space<hbm>> -> memref<10000x128xf32, #tpu.memory_space<hbm>>
        tpu.enqueue_indirect_dma source(%dma_start3A_240 : memref<10000x128xf32, #tpu.memory_space<hbm>>) target(%dma_start3A_234 : memref<128x128xf32, #tpu.memory_space<vmem>>) offsets(%dma_start3A_237 : memref<128xi32, #tpu.memory_space<vmem>>) semaphore(%arg11 : memref<!tpu.dma_semaphore, #tpu.memory_space<semaphore_mem>>)
      } else {
      }
      %rem3A_193 = arith.constant 16 : i32
      %rem3A_194 = arith.remsi %add3A_114, %rem3A_193 : i32
      %dma_start3A_195 = arith.constant 1 : i32
      %dma_start3A_196 = arith.constant 0 : i32
      %dma_start3A_197 = arith.constant 0 : i32
      %dma_start3A_198 = tpu.memref_slice %arg10[%dma_start3A_195, %dma_start3A_196, %dma_start3A_197] : memref<2x128x128xf32, #tpu.memory_space<vmem>> -> memref<1x128x128xf32, #tpu.memory_space<vmem>>
      %dma_start3A_199 = tpu.memref_squeeze %dma_start3A_198 : memref<1x128x128xf32, #tpu.memory_space<vmem>> -> memref<128x128xf32, #tpu.memory_space<vmem>>
      %dma_start3A_200 = arith.constant 0 : i32
      %dma_start3A_201 = tpu.memref_slice %arg9[%rem3A_194, %dma_start3A_200] : memref<16x128xi32, #tpu.memory_space<vmem>> -> memref<1x128xi32, #tpu.memory_space<vmem>>
      %dma_start3A_202 = tpu.memref_squeeze %dma_start3A_201 : memref<1x128xi32, #tpu.memory_space<vmem>> -> memref<128xi32, #tpu.memory_space<vmem>>
      %dma_start3A_203 = arith.constant 0 : i32
      %dma_start3A_204 = arith.constant 0 : i32
      %dma_start3A_205 = tpu.memref_slice %arg7[%dma_start3A_203, %dma_start3A_204] : memref<10008x128xf32, #tpu.memory_space<vmem_shared>> -> memref<10008x128xf32, #tpu.memory_space<vmem_shared>>
      tpu.enqueue_indirect_dma source(%dma_start3A_199 : memref<128x128xf32, #tpu.memory_space<vmem>>) target(%dma_start3A_205 : memref<10008x128xf32, #tpu.memory_space<vmem_shared>>) offsets(%dma_start3A_202 : memref<128xi32, #tpu.memory_space<vmem>>) semaphore(%arg14 : memref<!tpu.dma_semaphore, #tpu.memory_space<semaphore_mem>>) {add = true}
      %rem3A_206 = arith.constant 16 : i32
      %rem3A_207 = arith.remsi %add3A_114, %rem3A_206 : i32
      %dma_wait3A_208 = arith.constant 1 : i32
      %dma_wait3A_209 = arith.constant 0 : i32
      %dma_wait3A_210 = arith.constant 0 : i32
      %dma_wait3A_211 = tpu.memref_slice %arg10[%dma_wait3A_208, %dma_wait3A_209, %dma_wait3A_210] : memref<2x128x128xf32, #tpu.memory_space<vmem>> -> memref<1x128x128xf32, #tpu.memory_space<vmem>>
      %dma_wait3A_212 = tpu.memref_squeeze %dma_wait3A_211 : memref<1x128x128xf32, #tpu.memory_space<vmem>> -> memref<128x128xf32, #tpu.memory_space<vmem>>
      %dma_wait3A_213 = arith.constant 0 : i32
      %dma_wait3A_214 = tpu.memref_slice %arg9[%rem3A_207, %dma_wait3A_213] : memref<16x128xi32, #tpu.memory_space<vmem>> -> memref<1x128xi32, #tpu.memory_space<vmem>>
      %dma_wait3A_215 = tpu.memref_squeeze %dma_wait3A_214 : memref<1x128xi32, #tpu.memory_space<vmem>> -> memref<128xi32, #tpu.memory_space<vmem>>
      %dma_wait3A_216 = arith.constant 0 : i32
      %dma_wait3A_217 = arith.constant 0 : i32
      %dma_wait3A_218 = tpu.memref_slice %arg7[%dma_wait3A_216, %dma_wait3A_217] : memref<10008x128xf32, #tpu.memory_space<vmem_shared>> -> memref<10008x128xf32, #tpu.memory_space<vmem_shared>>
      tpu.wait_indirect_dma semaphore(%arg14 : memref<!tpu.dma_semaphore, #tpu.memory_space<semaphore_mem>>) src(%dma_wait3A_212 : memref<128x128xf32, #tpu.memory_space<vmem>>) dst(%dma_wait3A_218 : memref<10008x128xf32, #tpu.memory_space<vmem_shared>>)
    }
    %scan3A_101 = arith.constant 40 : i32
    %barrier3A_102 = arith.constant 0 : index
    tpu.barrier barrier_id(%barrier3A_102)
    %mul3A_103 = arith.constant 624 : i32
    %mul3A_104 = arith.muli %arg1, %mul3A_103 : i32
    "tpu.region"() ({
      %run_scoped3A = tpu.sem_alloc : memref<!tpu.dma_semaphore, #tpu.memory_space<semaphore_mem>>
      %dma_start3A_110 = arith.constant 0 : i32
      %dma_start3A_111 = arith.constant 0 : i32
      %dma_start3A_112 = tpu.memref_slice %arg6[%arg0, %dma_start3A_110, %dma_start3A_111] : memref<2x10000x128xf32, #tpu.memory_space<hbm>> -> memref<1x10000x128xf32, #tpu.memory_space<hbm>>
      %dma_start3A_113 = tpu.memref_squeeze %dma_start3A_112 : memref<1x10000x128xf32, #tpu.memory_space<hbm>> -> memref<10000x128xf32, #tpu.memory_space<hbm>>
      %dma_start3A_114 = arith.constant 0 : i32
      %dma_start3A_115 = tpu.memref_slice %dma_start3A_113[%mul3A_104, %dma_start3A_114] : memref<10000x128xf32, #tpu.memory_space<hbm>> -> memref<624x128xf32, #tpu.memory_space<hbm>>
      %dma_start3A_116 = arith.constant 0 : i32
      %dma_start3A_117 = tpu.memref_slice %arg7[%mul3A_104, %dma_start3A_116] : memref<10008x128xf32, #tpu.memory_space<vmem_shared>> -> memref<624x128xf32, #tpu.memory_space<vmem_shared>>
      tpu.enqueue_dma source(%dma_start3A_117 : memref<624x128xf32, #tpu.memory_space<vmem_shared>>) target(%dma_start3A_115 : memref<624x128xf32, #tpu.memory_space<hbm>>) target_semaphore(%run_scoped3A : memref<!tpu.dma_semaphore, #tpu.memory_space<semaphore_mem>>)
      %dma_wait3A_118 = arith.constant 0 : i32
      %dma_wait3A_119 = arith.constant 0 : i32
      %dma_wait3A_120 = tpu.memref_slice %arg6[%arg0, %dma_wait3A_118, %dma_wait3A_119] : memref<2x10000x128xf32, #tpu.memory_space<hbm>> -> memref<1x10000x128xf32, #tpu.memory_space<hbm>>
      %dma_wait3A_121 = tpu.memref_squeeze %dma_wait3A_120 : memref<1x10000x128xf32, #tpu.memory_space<hbm>> -> memref<10000x128xf32, #tpu.memory_space<hbm>>
      %dma_wait3A_122 = arith.constant 0 : i32
      %dma_wait3A_123 = tpu.memref_slice %dma_wait3A_121[%mul3A_104, %dma_wait3A_122] : memref<10000x128xf32, #tpu.memory_space<hbm>> -> memref<624x128xf32, #tpu.memory_space<hbm>>
      %dma_wait3A_124 = arith.constant 0 : i32
      %dma_wait3A_125 = tpu.memref_slice %arg7[%mul3A_104, %dma_wait3A_124] : memref<10008x128xf32, #tpu.memory_space<vmem_shared>> -> memref<624x128xf32, #tpu.memory_space<vmem_shared>>
      tpu.wait_dma2 semaphore(%run_scoped3A : memref<!tpu.dma_semaphore, #tpu.memory_space<semaphore_mem>>) src(%dma_wait3A_125 : memref<624x128xf32, #tpu.memory_space<vmem_shared>>) dst(%dma_wait3A_123 : memref<624x128xf32, #tpu.memory_space<hbm>>)
      tpu.yield
    }) : () -> ()
    %eq3A_105 = arith.constant 0 : i32
    %eq3A_106 = arith.cmpi eq, %arg1, %eq3A_105 : i32
    %convert_element_type3A_107 = arith.extui %eq3A_106 : i1 to i32
    %cond3A_108 = arith.constant 0 : i32
    %cond3A_109 = arith.cmpi ne, %convert_element_type3A_107, %cond3A_108 : i32
    scf.if %cond3A_109 {
      "tpu.region"() ({
        %run_scoped3A = tpu.sem_alloc : memref<!tpu.dma_semaphore, #tpu.memory_space<semaphore_mem>>
        %dma_start3A_110 = arith.constant 0 : i32
        %dma_start3A_111 = arith.constant 0 : i32
        %dma_start3A_112 = tpu.memref_slice %arg6[%arg0, %dma_start3A_110, %dma_start3A_111] : memref<2x10000x128xf32, #tpu.memory_space<hbm>> -> memref<1x10000x128xf32, #tpu.memory_space<hbm>>
        %dma_start3A_113 = tpu.memref_squeeze %dma_start3A_112 : memref<1x10000x128xf32, #tpu.memory_space<hbm>> -> memref<10000x128xf32, #tpu.memory_space<hbm>>
        %dma_start3A_114 = arith.constant 9984 : i32
        %dma_start3A_115 = arith.constant 0 : i32
        %dma_start3A_116 = tpu.memref_slice %dma_start3A_113[%dma_start3A_114, %dma_start3A_115] : memref<10000x128xf32, #tpu.memory_space<hbm>> -> memref<16x128xf32, #tpu.memory_space<hbm>>
        %dma_start3A_117 = arith.constant 9984 : i32
        %dma_start3A_118 = arith.constant 0 : i32
        %dma_start3A_119 = tpu.memref_slice %arg7[%dma_start3A_117, %dma_start3A_118] : memref<10008x128xf32, #tpu.memory_space<vmem_shared>> -> memref<16x128xf32, #tpu.memory_space<vmem_shared>>
        tpu.enqueue_dma source(%dma_start3A_119 : memref<16x128xf32, #tpu.memory_space<vmem_shared>>) target(%dma_start3A_116 : memref<16x128xf32, #tpu.memory_space<hbm>>) target_semaphore(%run_scoped3A : memref<!tpu.dma_semaphore, #tpu.memory_space<semaphore_mem>>)
        %dma_wait3A_120 = arith.constant 0 : i32
        %dma_wait3A_121 = arith.constant 0 : i32
        %dma_wait3A_122 = tpu.memref_slice %arg6[%arg0, %dma_wait3A_120, %dma_wait3A_121] : memref<2x10000x128xf32, #tpu.memory_space<hbm>> -> memref<1x10000x128xf32, #tpu.memory_space<hbm>>
        %dma_wait3A_123 = tpu.memref_squeeze %dma_wait3A_122 : memref<1x10000x128xf32, #tpu.memory_space<hbm>> -> memref<10000x128xf32, #tpu.memory_space<hbm>>
        %dma_wait3A_124 = arith.constant 9984 : i32
        %dma_wait3A_125 = arith.constant 0 : i32
        %dma_wait3A_126 = tpu.memref_slice %dma_wait3A_123[%dma_wait3A_124, %dma_wait3A_125] : memref<10000x128xf32, #tpu.memory_space<hbm>> -> memref<16x128xf32, #tpu.memory_space<hbm>>
        %dma_wait3A_127 = arith.constant 9984 : i32
        %dma_wait3A_128 = arith.constant 0 : i32
        %dma_wait3A_129 = tpu.memref_slice %arg7[%dma_wait3A_127, %dma_wait3A_128] : memref<10008x128xf32, #tpu.memory_space<vmem_shared>> -> memref<16x128xf32, #tpu.memory_space<vmem_shared>>
        tpu.wait_dma2 semaphore(%run_scoped3A : memref<!tpu.dma_semaphore, #tpu.memory_space<semaphore_mem>>) src(%dma_wait3A_129 : memref<16x128xf32, #tpu.memory_space<vmem_shared>>) dst(%dma_wait3A_126 : memref<16x128xf32, #tpu.memory_space<hbm>>)
        tpu.yield
      }) : () -> ()
    } else {
    }
    return
  }
}

#map = affine_map<(d0, d1) -> (0, 0, 0)>
module attributes {stable_mosaic.version = 14 : i64} {
  func.func @_agg23_body(%arg0: i32, %arg1: i32, %arg2: memref<2x10000x128xf32, #tpu.memory_space<hbm>>, %arg3: memref<32x80x128xi32, #tpu.memory_space<hbm>>, %arg4: memref<32x80x128xi32, #tpu.memory_space<hbm>>, %arg5: memref<2x10000x128xf32, #tpu.memory_space<hbm>>, %arg6: memref<10008x128xf32, #tpu.memory_space<vmem_shared>>, %arg7: memref<16x128xi32, #tpu.memory_space<vmem>>, %arg8: memref<16x128xi32, #tpu.memory_space<vmem>>, %arg9: memref<2x128x128xf32, #tpu.memory_space<vmem>>, %arg10: memref<!tpu.dma_semaphore, #tpu.memory_space<semaphore_mem>>, %arg11: memref<!tpu.dma_semaphore, #tpu.memory_space<semaphore_mem>>, %arg12: memref<!tpu.dma_semaphore, #tpu.memory_space<semaphore_mem>>, %arg13: memref<!tpu.dma_semaphore, #tpu.memory_space<semaphore_mem>>, %arg14: memref<!tpu.dma_semaphore, #tpu.memory_space<semaphore_mem>>) attributes {dimension_semantics = [#tpu.dimension_semantics<core_parallel>, #tpu.dimension_semantics<subcore_parallel>], iteration_bounds = array<i64: 2, 16>, scalar_prefetch = 0 : i64, scratch_operands = 9 : i64, tpu.core_type = #tpu.core_type<sc_vector_subcore>, window_params = [{transform_indices = #map}, {transform_indices = #map}, {transform_indices = #map}, {transform_indices = #map}]} {
    %mul3A = arith.constant 624 : i32
    %mul3A_0 = arith.muli %arg1, %mul3A : i32
    "tpu.region"() ({
      %run_scoped3A = tpu.sem_alloc : memref<!tpu.dma_semaphore, #tpu.memory_space<semaphore_mem>>
      %dma_start3A_117 = arith.constant 0 : i32
      %dma_start3A_118 = tpu.memref_slice %arg6[%mul3A_0, %dma_start3A_117] : memref<10008x128xf32, #tpu.memory_space<vmem_shared>> -> memref<624x128xf32, #tpu.memory_space<vmem_shared>>
      %dma_start3A_119 = arith.constant 0 : i32
      %dma_start3A_120 = arith.constant 0 : i32
      %dma_start3A_121 = tpu.memref_slice %arg2[%arg0, %dma_start3A_119, %dma_start3A_120] : memref<2x10000x128xf32, #tpu.memory_space<hbm>> -> memref<1x10000x128xf32, #tpu.memory_space<hbm>>
      %dma_start3A_122 = tpu.memref_squeeze %dma_start3A_121 : memref<1x10000x128xf32, #tpu.memory_space<hbm>> -> memref<10000x128xf32, #tpu.memory_space<hbm>>
      %dma_start3A_123 = arith.constant 0 : i32
      %dma_start3A_124 = tpu.memref_slice %dma_start3A_122[%mul3A_0, %dma_start3A_123] : memref<10000x128xf32, #tpu.memory_space<hbm>> -> memref<624x128xf32, #tpu.memory_space<hbm>>
      tpu.enqueue_dma source(%dma_start3A_124 : memref<624x128xf32, #tpu.memory_space<hbm>>) target(%dma_start3A_118 : memref<624x128xf32, #tpu.memory_space<vmem_shared>>) target_semaphore(%run_scoped3A : memref<!tpu.dma_semaphore, #tpu.memory_space<semaphore_mem>>)
      %dma_wait3A_125 = arith.constant 0 : i32
      %dma_wait3A_126 = tpu.memref_slice %arg6[%mul3A_0, %dma_wait3A_125] : memref<10008x128xf32, #tpu.memory_space<vmem_shared>> -> memref<624x128xf32, #tpu.memory_space<vmem_shared>>
      %dma_wait3A_127 = arith.constant 0 : i32
      %dma_wait3A_128 = arith.constant 0 : i32
      %dma_wait3A_129 = tpu.memref_slice %arg2[%arg0, %dma_wait3A_127, %dma_wait3A_128] : memref<2x10000x128xf32, #tpu.memory_space<hbm>> -> memref<1x10000x128xf32, #tpu.memory_space<hbm>>
      %dma_wait3A_130 = tpu.memref_squeeze %dma_wait3A_129 : memref<1x10000x128xf32, #tpu.memory_space<hbm>> -> memref<10000x128xf32, #tpu.memory_space<hbm>>
      %dma_wait3A_131 = arith.constant 0 : i32
      %dma_wait3A_132 = tpu.memref_slice %dma_wait3A_130[%mul3A_0, %dma_wait3A_131] : memref<10000x128xf32, #tpu.memory_space<hbm>> -> memref<624x128xf32, #tpu.memory_space<hbm>>
      tpu.wait_dma2 semaphore(%run_scoped3A : memref<!tpu.dma_semaphore, #tpu.memory_space<semaphore_mem>>) src(%dma_wait3A_132 : memref<624x128xf32, #tpu.memory_space<hbm>>) dst(%dma_wait3A_126 : memref<624x128xf32, #tpu.memory_space<vmem_shared>>)
      tpu.yield
    }) : () -> ()
    %eq3A = arith.constant 0 : i32
    %eq3A_1 = arith.cmpi eq, %arg1, %eq3A : i32
    %convert_element_type3A = arith.extui %eq3A_1 : i1 to i32
    %cond3A = arith.constant 0 : i32
    %cond3A_2 = arith.cmpi ne, %convert_element_type3A, %cond3A : i32
    scf.if %cond3A_2 {
      "tpu.region"() ({
        %run_scoped3A = tpu.sem_alloc : memref<!tpu.dma_semaphore, #tpu.memory_space<semaphore_mem>>
        %dma_start3A_117 = arith.constant 9984 : i32
        %dma_start3A_118 = arith.constant 0 : i32
        %dma_start3A_119 = tpu.memref_slice %arg6[%dma_start3A_117, %dma_start3A_118] : memref<10008x128xf32, #tpu.memory_space<vmem_shared>> -> memref<16x128xf32, #tpu.memory_space<vmem_shared>>
        %dma_start3A_120 = arith.constant 0 : i32
        %dma_start3A_121 = arith.constant 0 : i32
        %dma_start3A_122 = tpu.memref_slice %arg2[%arg0, %dma_start3A_120, %dma_start3A_121] : memref<2x10000x128xf32, #tpu.memory_space<hbm>> -> memref<1x10000x128xf32, #tpu.memory_space<hbm>>
        %dma_start3A_123 = tpu.memref_squeeze %dma_start3A_122 : memref<1x10000x128xf32, #tpu.memory_space<hbm>> -> memref<10000x128xf32, #tpu.memory_space<hbm>>
        %dma_start3A_124 = arith.constant 9984 : i32
        %dma_start3A_125 = arith.constant 0 : i32
        %dma_start3A_126 = tpu.memref_slice %dma_start3A_123[%dma_start3A_124, %dma_start3A_125] : memref<10000x128xf32, #tpu.memory_space<hbm>> -> memref<16x128xf32, #tpu.memory_space<hbm>>
        tpu.enqueue_dma source(%dma_start3A_126 : memref<16x128xf32, #tpu.memory_space<hbm>>) target(%dma_start3A_119 : memref<16x128xf32, #tpu.memory_space<vmem_shared>>) target_semaphore(%run_scoped3A : memref<!tpu.dma_semaphore, #tpu.memory_space<semaphore_mem>>)
        %dma_wait3A_127 = arith.constant 9984 : i32
        %dma_wait3A_128 = arith.constant 0 : i32
        %dma_wait3A_129 = tpu.memref_slice %arg6[%dma_wait3A_127, %dma_wait3A_128] : memref<10008x128xf32, #tpu.memory_space<vmem_shared>> -> memref<16x128xf32, #tpu.memory_space<vmem_shared>>
        %dma_wait3A_130 = arith.constant 0 : i32
        %dma_wait3A_131 = arith.constant 0 : i32
        %dma_wait3A_132 = tpu.memref_slice %arg2[%arg0, %dma_wait3A_130, %dma_wait3A_131] : memref<2x10000x128xf32, #tpu.memory_space<hbm>> -> memref<1x10000x128xf32, #tpu.memory_space<hbm>>
        %dma_wait3A_133 = tpu.memref_squeeze %dma_wait3A_132 : memref<1x10000x128xf32, #tpu.memory_space<hbm>> -> memref<10000x128xf32, #tpu.memory_space<hbm>>
        %dma_wait3A_134 = arith.constant 9984 : i32
        %dma_wait3A_135 = arith.constant 0 : i32
        %dma_wait3A_136 = tpu.memref_slice %dma_wait3A_133[%dma_wait3A_134, %dma_wait3A_135] : memref<10000x128xf32, #tpu.memory_space<hbm>> -> memref<16x128xf32, #tpu.memory_space<hbm>>
        tpu.wait_dma2 semaphore(%run_scoped3A : memref<!tpu.dma_semaphore, #tpu.memory_space<semaphore_mem>>) src(%dma_wait3A_136 : memref<16x128xf32, #tpu.memory_space<hbm>>) dst(%dma_wait3A_129 : memref<16x128xf32, #tpu.memory_space<vmem_shared>>)
        tpu.yield
      }) : () -> ()
    } else {
    }
    %barrier3A = arith.constant 0 : index
    tpu.barrier barrier_id(%barrier3A)
    %mul3A_3 = arith.constant 2 : i32
    %mul3A_4 = arith.muli %mul3A_3, %arg1 : i32
    %mul3A_5 = arith.constant 2 : i32
    %mul3A_6 = arith.muli %mul3A_5, %arg1 : i32
    %add3A = arith.constant 1 : i32
    %add3A_7 = arith.addi %mul3A_6, %add3A : i32
    %jit3A = arith.constant true
    %select_n3A = arith.select %jit3A, %mul3A_4, %add3A_7 : i32
    %multiple_of3A = arith.constant 0 : i32
    %multiple_of3A_8 = tpu.assume_multiple %multiple_of3A, 8 : i32
    %rem3A = arith.constant 0 : i32
    %rem3A_9 = arith.constant 2 : i32
    %rem3A_10 = arith.remsi %rem3A, %rem3A_9 : i32
    %mul3A_11 = arith.constant 8 : i32
    %mul3A_12 = arith.muli %rem3A_10, %mul3A_11 : i32
    %multiple_of3A_13 = tpu.assume_multiple %mul3A_12, 8 : i32
    %dma_start3A = arith.constant 0 : i32
    %dma_start3A_14 = tpu.memref_slice %arg7[%multiple_of3A_13, %dma_start3A] : memref<16x128xi32, #tpu.memory_space<vmem>> -> memref<8x128xi32, #tpu.memory_space<vmem>>
    %dma_start3A_15 = arith.constant 0 : i32
    %dma_start3A_16 = arith.constant 0 : i32
    %dma_start3A_17 = tpu.memref_slice %arg3[%select_n3A, %dma_start3A_15, %dma_start3A_16] : memref<32x80x128xi32, #tpu.memory_space<hbm>> -> memref<1x80x128xi32, #tpu.memory_space<hbm>>
    %dma_start3A_18 = tpu.memref_squeeze %dma_start3A_17 : memref<1x80x128xi32, #tpu.memory_space<hbm>> -> memref<80x128xi32, #tpu.memory_space<hbm>>
    %dma_start3A_19 = arith.constant 0 : i32
    %dma_start3A_20 = tpu.memref_slice %dma_start3A_18[%multiple_of3A_8, %dma_start3A_19] : memref<80x128xi32, #tpu.memory_space<hbm>> -> memref<8x128xi32, #tpu.memory_space<hbm>>
    %dma_start3A_21 = arith.constant 0 : i32
    %dma_start3A_22 = tpu.memref_slice %arg7[%multiple_of3A_13, %dma_start3A_21] : memref<16x128xi32, #tpu.memory_space<vmem>> -> memref<8x128xi32, #tpu.memory_space<vmem>>
    %dma_start3A_23 = arith.constant 0 : i32
    %dma_start3A_24 = arith.constant 0 : i32
    %dma_start3A_25 = tpu.memref_slice %arg3[%select_n3A, %dma_start3A_23, %dma_start3A_24] : memref<32x80x128xi32, #tpu.memory_space<hbm>> -> memref<1x80x128xi32, #tpu.memory_space<hbm>>
    %dma_start3A_26 = tpu.memref_squeeze %dma_start3A_25 : memref<1x80x128xi32, #tpu.memory_space<hbm>> -> memref<80x128xi32, #tpu.memory_space<hbm>>
    %dma_start3A_27 = arith.constant 0 : i32
    %dma_start3A_28 = tpu.memref_slice %dma_start3A_26[%multiple_of3A_8, %dma_start3A_27] : memref<80x128xi32, #tpu.memory_space<hbm>> -> memref<8x128xi32, #tpu.memory_space<hbm>>
    tpu.enqueue_dma source(%dma_start3A_28 : memref<8x128xi32, #tpu.memory_space<hbm>>) target(%dma_start3A_22 : memref<8x128xi32, #tpu.memory_space<vmem>>) target_semaphore(%arg14 : memref<!tpu.dma_semaphore, #tpu.memory_space<semaphore_mem>>)
    %dma_start3A_29 = arith.constant 0 : i32
    %dma_start3A_30 = tpu.memref_slice %arg8[%multiple_of3A_13, %dma_start3A_29] : memref<16x128xi32, #tpu.memory_space<vmem>> -> memref<8x128xi32, #tpu.memory_space<vmem>>
    %dma_start3A_31 = arith.constant 0 : i32
    %dma_start3A_32 = arith.constant 0 : i32
    %dma_start3A_33 = tpu.memref_slice %arg4[%select_n3A, %dma_start3A_31, %dma_start3A_32] : memref<32x80x128xi32, #tpu.memory_space<hbm>> -> memref<1x80x128xi32, #tpu.memory_space<hbm>>
    %dma_start3A_34 = tpu.memref_squeeze %dma_start3A_33 : memref<1x80x128xi32, #tpu.memory_space<hbm>> -> memref<80x128xi32, #tpu.memory_space<hbm>>
    %dma_start3A_35 = arith.constant 0 : i32
    %dma_start3A_36 = tpu.memref_slice %dma_start3A_34[%multiple_of3A_8, %dma_start3A_35] : memref<80x128xi32, #tpu.memory_space<hbm>> -> memref<8x128xi32, #tpu.memory_space<hbm>>
    %dma_start3A_37 = arith.constant 0 : i32
    %dma_start3A_38 = tpu.memref_slice %arg8[%multiple_of3A_13, %dma_start3A_37] : memref<16x128xi32, #tpu.memory_space<vmem>> -> memref<8x128xi32, #tpu.memory_space<vmem>>
    %dma_start3A_39 = arith.constant 0 : i32
    %dma_start3A_40 = arith.constant 0 : i32
    %dma_start3A_41 = tpu.memref_slice %arg4[%select_n3A, %dma_start3A_39, %dma_start3A_40] : memref<32x80x128xi32, #tpu.memory_space<hbm>> -> memref<1x80x128xi32, #tpu.memory_space<hbm>>
    %dma_start3A_42 = tpu.memref_squeeze %dma_start3A_41 : memref<1x80x128xi32, #tpu.memory_space<hbm>> -> memref<80x128xi32, #tpu.memory_space<hbm>>
    %dma_start3A_43 = arith.constant 0 : i32
    %dma_start3A_44 = tpu.memref_slice %dma_start3A_42[%multiple_of3A_8, %dma_start3A_43] : memref<80x128xi32, #tpu.memory_space<hbm>> -> memref<8x128xi32, #tpu.memory_space<hbm>>
    tpu.enqueue_dma source(%dma_start3A_44 : memref<8x128xi32, #tpu.memory_space<hbm>>) target(%dma_start3A_38 : memref<8x128xi32, #tpu.memory_space<vmem>>) target_semaphore(%arg14 : memref<!tpu.dma_semaphore, #tpu.memory_space<semaphore_mem>>)
    %jit3A_45 = arith.constant true
    %select_n3A_46 = arith.select %jit3A_45, %mul3A_4, %add3A_7 : i32
    %multiple_of3A_47 = arith.constant 0 : i32
    %multiple_of3A_48 = tpu.assume_multiple %multiple_of3A_47, 8 : i32
    %rem3A_49 = arith.constant 0 : i32
    %rem3A_50 = arith.constant 2 : i32
    %rem3A_51 = arith.remsi %rem3A_49, %rem3A_50 : i32
    %mul3A_52 = arith.constant 8 : i32
    %mul3A_53 = arith.muli %rem3A_51, %mul3A_52 : i32
    %multiple_of3A_54 = tpu.assume_multiple %mul3A_53, 8 : i32
    %dma_wait3A = arith.constant 0 : i32
    %dma_wait3A_55 = tpu.memref_slice %arg7[%multiple_of3A_54, %dma_wait3A] : memref<16x128xi32, #tpu.memory_space<vmem>> -> memref<8x128xi32, #tpu.memory_space<vmem>>
    %dma_wait3A_56 = arith.constant 0 : i32
    %dma_wait3A_57 = arith.constant 0 : i32
    %dma_wait3A_58 = tpu.memref_slice %arg3[%select_n3A_46, %dma_wait3A_56, %dma_wait3A_57] : memref<32x80x128xi32, #tpu.memory_space<hbm>> -> memref<1x80x128xi32, #tpu.memory_space<hbm>>
    %dma_wait3A_59 = tpu.memref_squeeze %dma_wait3A_58 : memref<1x80x128xi32, #tpu.memory_space<hbm>> -> memref<80x128xi32, #tpu.memory_space<hbm>>
    %dma_wait3A_60 = arith.constant 0 : i32
    %dma_wait3A_61 = tpu.memref_slice %dma_wait3A_59[%multiple_of3A_48, %dma_wait3A_60] : memref<80x128xi32, #tpu.memory_space<hbm>> -> memref<8x128xi32, #tpu.memory_space<hbm>>
    %dma_wait3A_62 = arith.constant 0 : i32
    %dma_wait3A_63 = tpu.memref_slice %arg7[%multiple_of3A_54, %dma_wait3A_62] : memref<16x128xi32, #tpu.memory_space<vmem>> -> memref<8x128xi32, #tpu.memory_space<vmem>>
    %dma_wait3A_64 = arith.constant 0 : i32
    %dma_wait3A_65 = arith.constant 0 : i32
    %dma_wait3A_66 = tpu.memref_slice %arg3[%select_n3A_46, %dma_wait3A_64, %dma_wait3A_65] : memref<32x80x128xi32, #tpu.memory_space<hbm>> -> memref<1x80x128xi32, #tpu.memory_space<hbm>>
    %dma_wait3A_67 = tpu.memref_squeeze %dma_wait3A_66 : memref<1x80x128xi32, #tpu.memory_space<hbm>> -> memref<80x128xi32, #tpu.memory_space<hbm>>
    %dma_wait3A_68 = arith.constant 0 : i32
    %dma_wait3A_69 = tpu.memref_slice %dma_wait3A_67[%multiple_of3A_48, %dma_wait3A_68] : memref<80x128xi32, #tpu.memory_space<hbm>> -> memref<8x128xi32, #tpu.memory_space<hbm>>
    tpu.wait_dma2 semaphore(%arg14 : memref<!tpu.dma_semaphore, #tpu.memory_space<semaphore_mem>>) src(%dma_wait3A_69 : memref<8x128xi32, #tpu.memory_space<hbm>>) dst(%dma_wait3A_63 : memref<8x128xi32, #tpu.memory_space<vmem>>)
    %dma_wait3A_70 = arith.constant 0 : i32
    %dma_wait3A_71 = tpu.memref_slice %arg8[%multiple_of3A_54, %dma_wait3A_70] : memref<16x128xi32, #tpu.memory_space<vmem>> -> memref<8x128xi32, #tpu.memory_space<vmem>>
    %dma_wait3A_72 = arith.constant 0 : i32
    %dma_wait3A_73 = arith.constant 0 : i32
    %dma_wait3A_74 = tpu.memref_slice %arg4[%select_n3A_46, %dma_wait3A_72, %dma_wait3A_73] : memref<32x80x128xi32, #tpu.memory_space<hbm>> -> memref<1x80x128xi32, #tpu.memory_space<hbm>>
    %dma_wait3A_75 = tpu.memref_squeeze %dma_wait3A_74 : memref<1x80x128xi32, #tpu.memory_space<hbm>> -> memref<80x128xi32, #tpu.memory_space<hbm>>
    %dma_wait3A_76 = arith.constant 0 : i32
    %dma_wait3A_77 = tpu.memref_slice %dma_wait3A_75[%multiple_of3A_48, %dma_wait3A_76] : memref<80x128xi32, #tpu.memory_space<hbm>> -> memref<8x128xi32, #tpu.memory_space<hbm>>
    %dma_wait3A_78 = arith.constant 0 : i32
    %dma_wait3A_79 = tpu.memref_slice %arg8[%multiple_of3A_54, %dma_wait3A_78] : memref<16x128xi32, #tpu.memory_space<vmem>> -> memref<8x128xi32, #tpu.memory_space<vmem>>
    %dma_wait3A_80 = arith.constant 0 : i32
    %dma_wait3A_81 = arith.constant 0 : i32
    %dma_wait3A_82 = tpu.memref_slice %arg4[%select_n3A_46, %dma_wait3A_80, %dma_wait3A_81] : memref<32x80x128xi32, #tpu.memory_space<hbm>> -> memref<1x80x128xi32, #tpu.memory_space<hbm>>
    %dma_wait3A_83 = tpu.memref_squeeze %dma_wait3A_82 : memref<1x80x128xi32, #tpu.memory_space<hbm>> -> memref<80x128xi32, #tpu.memory_space<hbm>>
    %dma_wait3A_84 = arith.constant 0 : i32
    %dma_wait3A_85 = tpu.memref_slice %dma_wait3A_83[%multiple_of3A_48, %dma_wait3A_84] : memref<80x128xi32, #tpu.memory_space<hbm>> -> memref<8x128xi32, #tpu.memory_space<hbm>>
    tpu.wait_dma2 semaphore(%arg14 : memref<!tpu.dma_semaphore, #tpu.memory_space<semaphore_mem>>) src(%dma_wait3A_85 : memref<8x128xi32, #tpu.memory_space<hbm>>) dst(%dma_wait3A_79 : memref<8x128xi32, #tpu.memory_space<vmem>>)
    %rem3A_86 = arith.constant 0 : i32
    %rem3A_87 = arith.constant 16 : i32
    %rem3A_88 = arith.remsi %rem3A_86, %rem3A_87 : i32
    %dma_start3A_89 = arith.constant 0 : i32
    %dma_start3A_90 = arith.constant 0 : i32
    %dma_start3A_91 = arith.constant 0 : i32
    %dma_start3A_92 = tpu.memref_slice %arg9[%dma_start3A_89, %dma_start3A_90, %dma_start3A_91] : memref<2x128x128xf32, #tpu.memory_space<vmem>> -> memref<1x128x128xf32, #tpu.memory_space<vmem>>
    %dma_start3A_93 = tpu.memref_squeeze %dma_start3A_92 : memref<1x128x128xf32, #tpu.memory_space<vmem>> -> memref<128x128xf32, #tpu.memory_space<vmem>>
    %dma_start3A_94 = arith.constant 0 : i32
    %dma_start3A_95 = tpu.memref_slice %arg7[%rem3A_88, %dma_start3A_94] : memref<16x128xi32, #tpu.memory_space<vmem>> -> memref<1x128xi32, #tpu.memory_space<vmem>>
    %dma_start3A_96 = tpu.memref_squeeze %dma_start3A_95 : memref<1x128xi32, #tpu.memory_space<vmem>> -> memref<128xi32, #tpu.memory_space<vmem>>
    %dma_start3A_97 = arith.constant 0 : i32
    %dma_start3A_98 = arith.constant 0 : i32
    %dma_start3A_99 = tpu.memref_slice %arg2[%arg0, %dma_start3A_97, %dma_start3A_98] : memref<2x10000x128xf32, #tpu.memory_space<hbm>> -> memref<1x10000x128xf32, #tpu.memory_space<hbm>>
    %dma_start3A_100 = tpu.memref_squeeze %dma_start3A_99 : memref<1x10000x128xf32, #tpu.memory_space<hbm>> -> memref<10000x128xf32, #tpu.memory_space<hbm>>
    %dma_start3A_101 = arith.constant 0 : i32
    %dma_start3A_102 = arith.constant 0 : i32
    %dma_start3A_103 = tpu.memref_slice %dma_start3A_100[%dma_start3A_101, %dma_start3A_102] : memref<10000x128xf32, #tpu.memory_space<hbm>> -> memref<10000x128xf32, #tpu.memory_space<hbm>>
    tpu.enqueue_indirect_dma source(%dma_start3A_103 : memref<10000x128xf32, #tpu.memory_space<hbm>>) target(%dma_start3A_93 : memref<128x128xf32, #tpu.memory_space<vmem>>) offsets(%dma_start3A_96 : memref<128xi32, #tpu.memory_space<vmem>>) semaphore(%arg10 : memref<!tpu.dma_semaphore, #tpu.memory_space<semaphore_mem>>)
    %scan3A = arith.constant 0 : i32
    %scan3A_104 = arith.constant 0 : i32
    %scan3A_105 = arith.constant 80 : i32
    %scan3A_106 = arith.addi %scan3A_104, %scan3A_105 : i32
    %scan3A_107 = arith.constant 1 : i32
    scf.for %scan3A_117 = %scan3A_104 to %scan3A_106 step %scan3A_107  : i32 {
      %mul3A_118 = arith.constant 2 : i32
      %mul3A_119 = arith.muli %mul3A_118, %scan3A_117 : i32
      %add3A_120 = arith.constant 1 : i32
      %add3A_121 = arith.addi %mul3A_119, %add3A_120 : i32
      %rem3A_122 = arith.constant 8 : i32
      %rem3A_123 = arith.remsi %mul3A_119, %rem3A_122 : i32
      %eq3A_124 = arith.constant 0 : i32
      %eq3A_125 = arith.cmpi eq, %rem3A_123, %eq3A_124 : i32
      %convert_element_type3A_126 = arith.extui %eq3A_125 : i1 to i32
      %cond3A_127 = arith.constant 0 : i32
      %cond3A_128 = arith.cmpi ne, %convert_element_type3A_126, %cond3A_127 : i32
      scf.if %cond3A_128 {
        %jit3A_238 = arith.constant 8 : i32
        %div3A = arith.divsi %mul3A_119, %jit3A_238 : i32
        %sign3A = arith.constant 0 : i32
        %sign3A_239 = arith.cmpi sgt, %mul3A_119, %sign3A : i32
        %sign3A_240 = arith.extui %sign3A_239 : i1 to i32
        %sign3A_241 = arith.constant 0 : i32
        %sign3A_242 = arith.cmpi slt, %mul3A_119, %sign3A_241 : i32
        %sign3A_243 = arith.extui %sign3A_242 : i1 to i32
        %sign3A_244 = arith.subi %sign3A_240, %sign3A_243 : i32
        %sign3A_245 = arith.constant 0 : i32
        %sign3A_246 = arith.cmpi sgt, %jit3A_238, %sign3A_245 : i32
        %sign3A_247 = arith.extui %sign3A_246 : i1 to i32
        %sign3A_248 = arith.constant 0 : i32
        %sign3A_249 = arith.cmpi slt, %jit3A_238, %sign3A_248 : i32
        %sign3A_250 = arith.extui %sign3A_249 : i1 to i32
        %sign3A_251 = arith.subi %sign3A_247, %sign3A_250 : i32
        %ne3A = arith.cmpi ne, %sign3A_244, %sign3A_251 : i32
        %rem3A_252 = arith.remsi %mul3A_119, %jit3A_238 : i32
        %ne3A_253 = arith.constant 0 : i32
        %ne3A_254 = arith.cmpi ne, %rem3A_252, %ne3A_253 : i32
        %and3A = arith.andi %ne3A, %ne3A_254 : i1
        %sub3A = arith.constant 1 : i32
        %sub3A_255 = arith.subi %div3A, %sub3A : i32
        %select_n3A_256 = arith.select %and3A, %sub3A_255, %div3A : i32
        %add3A_257 = arith.constant 1 : i32
        %add3A_258 = arith.addi %select_n3A_256, %add3A_257 : i32
        %lt3A_259 = arith.constant 20 : i32
        %lt3A_260 = arith.cmpi slt, %add3A_258, %lt3A_259 : i32
        %convert_element_type3A_261 = arith.extui %lt3A_260 : i1 to i32
        %cond3A_262 = arith.constant 0 : i32
        %cond3A_263 = arith.cmpi ne, %convert_element_type3A_261, %cond3A_262 : i32
        scf.if %cond3A_263 {
          %add3A_264 = arith.constant 1 : i32
          %add3A_265 = arith.addi %select_n3A_256, %add3A_264 : i32
          %mul3A_266 = arith.constant 8 : i32
          %mul3A_267 = arith.muli %add3A_265, %mul3A_266 : i32
          %jit3A_268 = arith.constant 80 : i32
          %div3A_269 = arith.divsi %mul3A_267, %jit3A_268 : i32
          %sign3A_270 = arith.constant 0 : i32
          %sign3A_271 = arith.cmpi sgt, %mul3A_267, %sign3A_270 : i32
          %sign3A_272 = arith.extui %sign3A_271 : i1 to i32
          %sign3A_273 = arith.constant 0 : i32
          %sign3A_274 = arith.cmpi slt, %mul3A_267, %sign3A_273 : i32
          %sign3A_275 = arith.extui %sign3A_274 : i1 to i32
          %sign3A_276 = arith.subi %sign3A_272, %sign3A_275 : i32
          %sign3A_277 = arith.constant 0 : i32
          %sign3A_278 = arith.cmpi sgt, %jit3A_268, %sign3A_277 : i32
          %sign3A_279 = arith.extui %sign3A_278 : i1 to i32
          %sign3A_280 = arith.constant 0 : i32
          %sign3A_281 = arith.cmpi slt, %jit3A_268, %sign3A_280 : i32
          %sign3A_282 = arith.extui %sign3A_281 : i1 to i32
          %sign3A_283 = arith.subi %sign3A_279, %sign3A_282 : i32
          %ne3A_284 = arith.cmpi ne, %sign3A_276, %sign3A_283 : i32
          %rem3A_285 = arith.remsi %mul3A_267, %jit3A_268 : i32
          %ne3A_286 = arith.constant 0 : i32
          %ne3A_287 = arith.cmpi ne, %rem3A_285, %ne3A_286 : i32
          %and3A_288 = arith.andi %ne3A_284, %ne3A_287 : i1
          %sub3A_289 = arith.constant 1 : i32
          %sub3A_290 = arith.subi %div3A_269, %sub3A_289 : i32
          %select_n3A_291 = arith.select %and3A_288, %sub3A_290, %div3A_269 : i32
          %eq3A_292 = arith.constant 0 : i32
          %eq3A_293 = arith.cmpi eq, %select_n3A_291, %eq3A_292 : i32
          %select_n3A_294 = arith.select %eq3A_293, %mul3A_4, %add3A_7 : i32
          %mul3A_295 = arith.constant 80 : i32
          %mul3A_296 = arith.muli %select_n3A_291, %mul3A_295 : i32
          %sub3A_297 = arith.subi %mul3A_267, %mul3A_296 : i32
          %multiple_of3A_298 = tpu.assume_multiple %sub3A_297, 8 : i32
          %rem3A_299 = arith.constant 2 : i32
          %rem3A_300 = arith.remsi %add3A_265, %rem3A_299 : i32
          %mul3A_301 = arith.constant 8 : i32
          %mul3A_302 = arith.muli %rem3A_300, %mul3A_301 : i32
          %multiple_of3A_303 = tpu.assume_multiple %mul3A_302, 8 : i32
          %dma_start3A_304 = arith.constant 0 : i32
          %dma_start3A_305 = tpu.memref_slice %arg7[%multiple_of3A_303, %dma_start3A_304] : memref<16x128xi32, #tpu.memory_space<vmem>> -> memref<8x128xi32, #tpu.memory_space<vmem>>
          %dma_start3A_306 = arith.constant 0 : i32
          %dma_start3A_307 = arith.constant 0 : i32
          %dma_start3A_308 = tpu.memref_slice %arg3[%select_n3A_294, %dma_start3A_306, %dma_start3A_307] : memref<32x80x128xi32, #tpu.memory_space<hbm>> -> memref<1x80x128xi32, #tpu.memory_space<hbm>>
          %dma_start3A_309 = tpu.memref_squeeze %dma_start3A_308 : memref<1x80x128xi32, #tpu.memory_space<hbm>> -> memref<80x128xi32, #tpu.memory_space<hbm>>
          %dma_start3A_310 = arith.constant 0 : i32
          %dma_start3A_311 = tpu.memref_slice %dma_start3A_309[%multiple_of3A_298, %dma_start3A_310] : memref<80x128xi32, #tpu.memory_space<hbm>> -> memref<8x128xi32, #tpu.memory_space<hbm>>
          %dma_start3A_312 = arith.constant 0 : i32
          %dma_start3A_313 = tpu.memref_slice %arg7[%multiple_of3A_303, %dma_start3A_312] : memref<16x128xi32, #tpu.memory_space<vmem>> -> memref<8x128xi32, #tpu.memory_space<vmem>>
          %dma_start3A_314 = arith.constant 0 : i32
          %dma_start3A_315 = arith.constant 0 : i32
          %dma_start3A_316 = tpu.memref_slice %arg3[%select_n3A_294, %dma_start3A_314, %dma_start3A_315] : memref<32x80x128xi32, #tpu.memory_space<hbm>> -> memref<1x80x128xi32, #tpu.memory_space<hbm>>
          %dma_start3A_317 = tpu.memref_squeeze %dma_start3A_316 : memref<1x80x128xi32, #tpu.memory_space<hbm>> -> memref<80x128xi32, #tpu.memory_space<hbm>>
          %dma_start3A_318 = arith.constant 0 : i32
          %dma_start3A_319 = tpu.memref_slice %dma_start3A_317[%multiple_of3A_298, %dma_start3A_318] : memref<80x128xi32, #tpu.memory_space<hbm>> -> memref<8x128xi32, #tpu.memory_space<hbm>>
          tpu.enqueue_dma source(%dma_start3A_319 : memref<8x128xi32, #tpu.memory_space<hbm>>) target(%dma_start3A_313 : memref<8x128xi32, #tpu.memory_space<vmem>>) target_semaphore(%arg14 : memref<!tpu.dma_semaphore, #tpu.memory_space<semaphore_mem>>)
          %dma_start3A_320 = arith.constant 0 : i32
          %dma_start3A_321 = tpu.memref_slice %arg8[%multiple_of3A_303, %dma_start3A_320] : memref<16x128xi32, #tpu.memory_space<vmem>> -> memref<8x128xi32, #tpu.memory_space<vmem>>
          %dma_start3A_322 = arith.constant 0 : i32
          %dma_start3A_323 = arith.constant 0 : i32
          %dma_start3A_324 = tpu.memref_slice %arg4[%select_n3A_294, %dma_start3A_322, %dma_start3A_323] : memref<32x80x128xi32, #tpu.memory_space<hbm>> -> memref<1x80x128xi32, #tpu.memory_space<hbm>>
          %dma_start3A_325 = tpu.memref_squeeze %dma_start3A_324 : memref<1x80x128xi32, #tpu.memory_space<hbm>> -> memref<80x128xi32, #tpu.memory_space<hbm>>
          %dma_start3A_326 = arith.constant 0 : i32
          %dma_start3A_327 = tpu.memref_slice %dma_start3A_325[%multiple_of3A_298, %dma_start3A_326] : memref<80x128xi32, #tpu.memory_space<hbm>> -> memref<8x128xi32, #tpu.memory_space<hbm>>
          %dma_start3A_328 = arith.constant 0 : i32
          %dma_start3A_329 = tpu.memref_slice %arg8[%multiple_of3A_303, %dma_start3A_328] : memref<16x128xi32, #tpu.memory_space<vmem>> -> memref<8x128xi32, #tpu.memory_space<vmem>>
          %dma_start3A_330 = arith.constant 0 : i32
          %dma_start3A_331 = arith.constant 0 : i32
          %dma_start3A_332 = tpu.memref_slice %arg4[%select_n3A_294, %dma_start3A_330, %dma_start3A_331] : memref<32x80x128xi32, #tpu.memory_space<hbm>> -> memref<1x80x128xi32, #tpu.memory_space<hbm>>
          %dma_start3A_333 = tpu.memref_squeeze %dma_start3A_332 : memref<1x80x128xi32, #tpu.memory_space<hbm>> -> memref<80x128xi32, #tpu.memory_space<hbm>>
          %dma_start3A_334 = arith.constant 0 : i32
          %dma_start3A_335 = tpu.memref_slice %dma_start3A_333[%multiple_of3A_298, %dma_start3A_334] : memref<80x128xi32, #tpu.memory_space<hbm>> -> memref<8x128xi32, #tpu.memory_space<hbm>>
          tpu.enqueue_dma source(%dma_start3A_335 : memref<8x128xi32, #tpu.memory_space<hbm>>) target(%dma_start3A_329 : memref<8x128xi32, #tpu.memory_space<vmem>>) target_semaphore(%arg14 : memref<!tpu.dma_semaphore, #tpu.memory_space<semaphore_mem>>)
        } else {
        }
      } else {
      }
      %rem3A_129 = arith.constant 16 : i32
      %rem3A_130 = arith.remsi %mul3A_119, %rem3A_129 : i32
      %dma_wait3A_131 = arith.constant 0 : i32
      %dma_wait3A_132 = arith.constant 0 : i32
      %dma_wait3A_133 = arith.constant 0 : i32
      %dma_wait3A_134 = tpu.memref_slice %arg9[%dma_wait3A_131, %dma_wait3A_132, %dma_wait3A_133] : memref<2x128x128xf32, #tpu.memory_space<vmem>> -> memref<1x128x128xf32, #tpu.memory_space<vmem>>
      %dma_wait3A_135 = tpu.memref_squeeze %dma_wait3A_134 : memref<1x128x128xf32, #tpu.memory_space<vmem>> -> memref<128x128xf32, #tpu.memory_space<vmem>>
      %dma_wait3A_136 = arith.constant 0 : i32
      %dma_wait3A_137 = tpu.memref_slice %arg7[%rem3A_130, %dma_wait3A_136] : memref<16x128xi32, #tpu.memory_space<vmem>> -> memref<1x128xi32, #tpu.memory_space<vmem>>
      %dma_wait3A_138 = tpu.memref_squeeze %dma_wait3A_137 : memref<1x128xi32, #tpu.memory_space<vmem>> -> memref<128xi32, #tpu.memory_space<vmem>>
      %dma_wait3A_139 = arith.constant 0 : i32
      %dma_wait3A_140 = arith.constant 0 : i32
      %dma_wait3A_141 = tpu.memref_slice %arg2[%arg0, %dma_wait3A_139, %dma_wait3A_140] : memref<2x10000x128xf32, #tpu.memory_space<hbm>> -> memref<1x10000x128xf32, #tpu.memory_space<hbm>>
      %dma_wait3A_142 = tpu.memref_squeeze %dma_wait3A_141 : memref<1x10000x128xf32, #tpu.memory_space<hbm>> -> memref<10000x128xf32, #tpu.memory_space<hbm>>
      %dma_wait3A_143 = arith.constant 0 : i32
      %dma_wait3A_144 = arith.constant 0 : i32
      %dma_wait3A_145 = tpu.memref_slice %dma_wait3A_142[%dma_wait3A_143, %dma_wait3A_144] : memref<10000x128xf32, #tpu.memory_space<hbm>> -> memref<10000x128xf32, #tpu.memory_space<hbm>>
      tpu.wait_indirect_dma semaphore(%arg10 : memref<!tpu.dma_semaphore, #tpu.memory_space<semaphore_mem>>) src(%dma_wait3A_145 : memref<10000x128xf32, #tpu.memory_space<hbm>>) dst(%dma_wait3A_135 : memref<128x128xf32, #tpu.memory_space<vmem>>)
      %rem3A_146 = arith.constant 16 : i32
      %rem3A_147 = arith.remsi %add3A_121, %rem3A_146 : i32
      %dma_start3A_148 = arith.constant 1 : i32
      %dma_start3A_149 = arith.constant 0 : i32
      %dma_start3A_150 = arith.constant 0 : i32
      %dma_start3A_151 = tpu.memref_slice %arg9[%dma_start3A_148, %dma_start3A_149, %dma_start3A_150] : memref<2x128x128xf32, #tpu.memory_space<vmem>> -> memref<1x128x128xf32, #tpu.memory_space<vmem>>
      %dma_start3A_152 = tpu.memref_squeeze %dma_start3A_151 : memref<1x128x128xf32, #tpu.memory_space<vmem>> -> memref<128x128xf32, #tpu.memory_space<vmem>>
      %dma_start3A_153 = arith.constant 0 : i32
      %dma_start3A_154 = tpu.memref_slice %arg7[%rem3A_147, %dma_start3A_153] : memref<16x128xi32, #tpu.memory_space<vmem>> -> memref<1x128xi32, #tpu.memory_space<vmem>>
      %dma_start3A_155 = tpu.memref_squeeze %dma_start3A_154 : memref<1x128xi32, #tpu.memory_space<vmem>> -> memref<128xi32, #tpu.memory_space<vmem>>
      %dma_start3A_156 = arith.constant 0 : i32
      %dma_start3A_157 = arith.constant 0 : i32
      %dma_start3A_158 = tpu.memref_slice %arg2[%arg0, %dma_start3A_156, %dma_start3A_157] : memref<2x10000x128xf32, #tpu.memory_space<hbm>> -> memref<1x10000x128xf32, #tpu.memory_space<hbm>>
      %dma_start3A_159 = tpu.memref_squeeze %dma_start3A_158 : memref<1x10000x128xf32, #tpu.memory_space<hbm>> -> memref<10000x128xf32, #tpu.memory_space<hbm>>
      %dma_start3A_160 = arith.constant 0 : i32
      %dma_start3A_161 = arith.constant 0 : i32
      %dma_start3A_162 = tpu.memref_slice %dma_start3A_159[%dma_start3A_160, %dma_start3A_161] : memref<10000x128xf32, #tpu.memory_space<hbm>> -> memref<10000x128xf32, #tpu.memory_space<hbm>>
      tpu.enqueue_indirect_dma source(%dma_start3A_162 : memref<10000x128xf32, #tpu.memory_space<hbm>>) target(%dma_start3A_152 : memref<128x128xf32, #tpu.memory_space<vmem>>) offsets(%dma_start3A_155 : memref<128xi32, #tpu.memory_space<vmem>>) semaphore(%arg11 : memref<!tpu.dma_semaphore, #tpu.memory_space<semaphore_mem>>)
      %rem3A_163 = arith.constant 16 : i32
      %rem3A_164 = arith.remsi %mul3A_119, %rem3A_163 : i32
      %dma_start3A_165 = arith.constant 0 : i32
      %dma_start3A_166 = arith.constant 0 : i32
      %dma_start3A_167 = arith.constant 0 : i32
      %dma_start3A_168 = tpu.memref_slice %arg9[%dma_start3A_165, %dma_start3A_166, %dma_start3A_167] : memref<2x128x128xf32, #tpu.memory_space<vmem>> -> memref<1x128x128xf32, #tpu.memory_space<vmem>>
      %dma_start3A_169 = tpu.memref_squeeze %dma_start3A_168 : memref<1x128x128xf32, #tpu.memory_space<vmem>> -> memref<128x128xf32, #tpu.memory_space<vmem>>
      %dma_start3A_170 = arith.constant 0 : i32
      %dma_start3A_171 = tpu.memref_slice %arg8[%rem3A_164, %dma_start3A_170] : memref<16x128xi32, #tpu.memory_space<vmem>> -> memref<1x128xi32, #tpu.memory_space<vmem>>
      %dma_start3A_172 = tpu.memref_squeeze %dma_start3A_171 : memref<1x128xi32, #tpu.memory_space<vmem>> -> memref<128xi32, #tpu.memory_space<vmem>>
      %dma_start3A_173 = arith.constant 0 : i32
      %dma_start3A_174 = arith.constant 0 : i32
      %dma_start3A_175 = tpu.memref_slice %arg6[%dma_start3A_173, %dma_start3A_174] : memref<10008x128xf32, #tpu.memory_space<vmem_shared>> -> memref<10008x128xf32, #tpu.memory_space<vmem_shared>>
      tpu.enqueue_indirect_dma source(%dma_start3A_169 : memref<128x128xf32, #tpu.memory_space<vmem>>) target(%dma_start3A_175 : memref<10008x128xf32, #tpu.memory_space<vmem_shared>>) offsets(%dma_start3A_172 : memref<128xi32, #tpu.memory_space<vmem>>) semaphore(%arg12 : memref<!tpu.dma_semaphore, #tpu.memory_space<semaphore_mem>>) {add = true}
      %rem3A_176 = arith.constant 16 : i32
      %rem3A_177 = arith.remsi %mul3A_119, %rem3A_176 : i32
      %dma_wait3A_178 = arith.constant 0 : i32
      %dma_wait3A_179 = arith.constant 0 : i32
      %dma_wait3A_180 = arith.constant 0 : i32
      %dma_wait3A_181 = tpu.memref_slice %arg9[%dma_wait3A_178, %dma_wait3A_179, %dma_wait3A_180] : memref<2x128x128xf32, #tpu.memory_space<vmem>> -> memref<1x128x128xf32, #tpu.memory_space<vmem>>
      %dma_wait3A_182 = tpu.memref_squeeze %dma_wait3A_181 : memref<1x128x128xf32, #tpu.memory_space<vmem>> -> memref<128x128xf32, #tpu.memory_space<vmem>>
      %dma_wait3A_183 = arith.constant 0 : i32
      %dma_wait3A_184 = tpu.memref_slice %arg8[%rem3A_177, %dma_wait3A_183] : memref<16x128xi32, #tpu.memory_space<vmem>> -> memref<1x128xi32, #tpu.memory_space<vmem>>
      %dma_wait3A_185 = tpu.memref_squeeze %dma_wait3A_184 : memref<1x128xi32, #tpu.memory_space<vmem>> -> memref<128xi32, #tpu.memory_space<vmem>>
      %dma_wait3A_186 = arith.constant 0 : i32
      %dma_wait3A_187 = arith.constant 0 : i32
      %dma_wait3A_188 = tpu.memref_slice %arg6[%dma_wait3A_186, %dma_wait3A_187] : memref<10008x128xf32, #tpu.memory_space<vmem_shared>> -> memref<10008x128xf32, #tpu.memory_space<vmem_shared>>
      tpu.wait_indirect_dma semaphore(%arg12 : memref<!tpu.dma_semaphore, #tpu.memory_space<semaphore_mem>>) src(%dma_wait3A_182 : memref<128x128xf32, #tpu.memory_space<vmem>>) dst(%dma_wait3A_188 : memref<10008x128xf32, #tpu.memory_space<vmem_shared>>)
      %rem3A_189 = arith.constant 16 : i32
      %rem3A_190 = arith.remsi %add3A_121, %rem3A_189 : i32
      %dma_wait3A_191 = arith.constant 1 : i32
      %dma_wait3A_192 = arith.constant 0 : i32
      %dma_wait3A_193 = arith.constant 0 : i32
      %dma_wait3A_194 = tpu.memref_slice %arg9[%dma_wait3A_191, %dma_wait3A_192, %dma_wait3A_193] : memref<2x128x128xf32, #tpu.memory_space<vmem>> -> memref<1x128x128xf32, #tpu.memory_space<vmem>>
      %dma_wait3A_195 = tpu.memref_squeeze %dma_wait3A_194 : memref<1x128x128xf32, #tpu.memory_space<vmem>> -> memref<128x128xf32, #tpu.memory_space<vmem>>
      %dma_wait3A_196 = arith.constant 0 : i32
      %dma_wait3A_197 = tpu.memref_slice %arg7[%rem3A_190, %dma_wait3A_196] : memref<16x128xi32, #tpu.memory_space<vmem>> -> memref<1x128xi32, #tpu.memory_space<vmem>>
      %dma_wait3A_198 = tpu.memref_squeeze %dma_wait3A_197 : memref<1x128xi32, #tpu.memory_space<vmem>> -> memref<128xi32, #tpu.memory_space<vmem>>
      %dma_wait3A_199 = arith.constant 0 : i32
      %dma_wait3A_200 = arith.constant 0 : i32
      %dma_wait3A_201 = tpu.memref_slice %arg2[%arg0, %dma_wait3A_199, %dma_wait3A_200] : memref<2x10000x128xf32, #tpu.memory_space<hbm>> -> memref<1x10000x128xf32, #tpu.memory_space<hbm>>
      %dma_wait3A_202 = tpu.memref_squeeze %dma_wait3A_201 : memref<1x10000x128xf32, #tpu.memory_space<hbm>> -> memref<10000x128xf32, #tpu.memory_space<hbm>>
      %dma_wait3A_203 = arith.constant 0 : i32
      %dma_wait3A_204 = arith.constant 0 : i32
      %dma_wait3A_205 = tpu.memref_slice %dma_wait3A_202[%dma_wait3A_203, %dma_wait3A_204] : memref<10000x128xf32, #tpu.memory_space<hbm>> -> memref<10000x128xf32, #tpu.memory_space<hbm>>
      tpu.wait_indirect_dma semaphore(%arg11 : memref<!tpu.dma_semaphore, #tpu.memory_space<semaphore_mem>>) src(%dma_wait3A_205 : memref<10000x128xf32, #tpu.memory_space<hbm>>) dst(%dma_wait3A_195 : memref<128x128xf32, #tpu.memory_space<vmem>>)
      %add3A_206 = arith.constant 1 : i32
      %add3A_207 = arith.addi %add3A_121, %add3A_206 : i32
      %lt3A = arith.constant 160 : i32
      %lt3A_208 = arith.cmpi slt, %add3A_207, %lt3A : i32
      %convert_element_type3A_209 = arith.extui %lt3A_208 : i1 to i32
      %cond3A_210 = arith.constant 0 : i32
      %cond3A_211 = arith.cmpi ne, %convert_element_type3A_209, %cond3A_210 : i32
      scf.if %cond3A_211 {
        %add3A_238 = arith.constant 1 : i32
        %add3A_239 = arith.addi %add3A_121, %add3A_238 : i32
        %rem3A_240 = arith.constant 8 : i32
        %rem3A_241 = arith.remsi %add3A_239, %rem3A_240 : i32
        %eq3A_242 = arith.constant 0 : i32
        %eq3A_243 = arith.cmpi eq, %rem3A_241, %eq3A_242 : i32
        %convert_element_type3A_244 = arith.extui %eq3A_243 : i1 to i32
        %cond3A_245 = arith.constant 0 : i32
        %cond3A_246 = arith.cmpi ne, %convert_element_type3A_244, %cond3A_245 : i32
        scf.if %cond3A_246 {
          %jit3A_264 = arith.constant 8 : i32
          %div3A = arith.divsi %add3A_239, %jit3A_264 : i32
          %sign3A = arith.constant 0 : i32
          %sign3A_265 = arith.cmpi sgt, %add3A_239, %sign3A : i32
          %sign3A_266 = arith.extui %sign3A_265 : i1 to i32
          %sign3A_267 = arith.constant 0 : i32
          %sign3A_268 = arith.cmpi slt, %add3A_239, %sign3A_267 : i32
          %sign3A_269 = arith.extui %sign3A_268 : i1 to i32
          %sign3A_270 = arith.subi %sign3A_266, %sign3A_269 : i32
          %sign3A_271 = arith.constant 0 : i32
          %sign3A_272 = arith.cmpi sgt, %jit3A_264, %sign3A_271 : i32
          %sign3A_273 = arith.extui %sign3A_272 : i1 to i32
          %sign3A_274 = arith.constant 0 : i32
          %sign3A_275 = arith.cmpi slt, %jit3A_264, %sign3A_274 : i32
          %sign3A_276 = arith.extui %sign3A_275 : i1 to i32
          %sign3A_277 = arith.subi %sign3A_273, %sign3A_276 : i32
          %ne3A = arith.cmpi ne, %sign3A_270, %sign3A_277 : i32
          %rem3A_278 = arith.remsi %add3A_239, %jit3A_264 : i32
          %ne3A_279 = arith.constant 0 : i32
          %ne3A_280 = arith.cmpi ne, %rem3A_278, %ne3A_279 : i32
          %and3A = arith.andi %ne3A, %ne3A_280 : i1
          %sub3A = arith.constant 1 : i32
          %sub3A_281 = arith.subi %div3A, %sub3A : i32
          %select_n3A_282 = arith.select %and3A, %sub3A_281, %div3A : i32
          %mul3A_283 = arith.constant 8 : i32
          %mul3A_284 = arith.muli %select_n3A_282, %mul3A_283 : i32
          %jit3A_285 = arith.constant 80 : i32
          %div3A_286 = arith.divsi %mul3A_284, %jit3A_285 : i32
          %sign3A_287 = arith.constant 0 : i32
          %sign3A_288 = arith.cmpi sgt, %mul3A_284, %sign3A_287 : i32
          %sign3A_289 = arith.extui %sign3A_288 : i1 to i32
          %sign3A_290 = arith.constant 0 : i32
          %sign3A_291 = arith.cmpi slt, %mul3A_284, %sign3A_290 : i32
          %sign3A_292 = arith.extui %sign3A_291 : i1 to i32
          %sign3A_293 = arith.subi %sign3A_289, %sign3A_292 : i32
          %sign3A_294 = arith.constant 0 : i32
          %sign3A_295 = arith.cmpi sgt, %jit3A_285, %sign3A_294 : i32
          %sign3A_296 = arith.extui %sign3A_295 : i1 to i32
          %sign3A_297 = arith.constant 0 : i32
          %sign3A_298 = arith.cmpi slt, %jit3A_285, %sign3A_297 : i32
          %sign3A_299 = arith.extui %sign3A_298 : i1 to i32
          %sign3A_300 = arith.subi %sign3A_296, %sign3A_299 : i32
          %ne3A_301 = arith.cmpi ne, %sign3A_293, %sign3A_300 : i32
          %rem3A_302 = arith.remsi %mul3A_284, %jit3A_285 : i32
          %ne3A_303 = arith.constant 0 : i32
          %ne3A_304 = arith.cmpi ne, %rem3A_302, %ne3A_303 : i32
          %and3A_305 = arith.andi %ne3A_301, %ne3A_304 : i1
          %sub3A_306 = arith.constant 1 : i32
          %sub3A_307 = arith.subi %div3A_286, %sub3A_306 : i32
          %select_n3A_308 = arith.select %and3A_305, %sub3A_307, %div3A_286 : i32
          %eq3A_309 = arith.constant 0 : i32
          %eq3A_310 = arith.cmpi eq, %select_n3A_308, %eq3A_309 : i32
          %select_n3A_311 = arith.select %eq3A_310, %mul3A_4, %add3A_7 : i32
          %mul3A_312 = arith.constant 80 : i32
          %mul3A_313 = arith.muli %select_n3A_308, %mul3A_312 : i32
          %sub3A_314 = arith.subi %mul3A_284, %mul3A_313 : i32
          %multiple_of3A_315 = tpu.assume_multiple %sub3A_314, 8 : i32
          %rem3A_316 = arith.constant 2 : i32
          %rem3A_317 = arith.remsi %select_n3A_282, %rem3A_316 : i32
          %mul3A_318 = arith.constant 8 : i32
          %mul3A_319 = arith.muli %rem3A_317, %mul3A_318 : i32
          %multiple_of3A_320 = tpu.assume_multiple %mul3A_319, 8 : i32
          %dma_wait3A_321 = arith.constant 0 : i32
          %dma_wait3A_322 = tpu.memref_slice %arg7[%multiple_of3A_320, %dma_wait3A_321] : memref<16x128xi32, #tpu.memory_space<vmem>> -> memref<8x128xi32, #tpu.memory_space<vmem>>
          %dma_wait3A_323 = arith.constant 0 : i32
          %dma_wait3A_324 = arith.constant 0 : i32
          %dma_wait3A_325 = tpu.memref_slice %arg3[%select_n3A_311, %dma_wait3A_323, %dma_wait3A_324] : memref<32x80x128xi32, #tpu.memory_space<hbm>> -> memref<1x80x128xi32, #tpu.memory_space<hbm>>
          %dma_wait3A_326 = tpu.memref_squeeze %dma_wait3A_325 : memref<1x80x128xi32, #tpu.memory_space<hbm>> -> memref<80x128xi32, #tpu.memory_space<hbm>>
          %dma_wait3A_327 = arith.constant 0 : i32
          %dma_wait3A_328 = tpu.memref_slice %dma_wait3A_326[%multiple_of3A_315, %dma_wait3A_327] : memref<80x128xi32, #tpu.memory_space<hbm>> -> memref<8x128xi32, #tpu.memory_space<hbm>>
          %dma_wait3A_329 = arith.constant 0 : i32
          %dma_wait3A_330 = tpu.memref_slice %arg7[%multiple_of3A_320, %dma_wait3A_329] : memref<16x128xi32, #tpu.memory_space<vmem>> -> memref<8x128xi32, #tpu.memory_space<vmem>>
          %dma_wait3A_331 = arith.constant 0 : i32
          %dma_wait3A_332 = arith.constant 0 : i32
          %dma_wait3A_333 = tpu.memref_slice %arg3[%select_n3A_311, %dma_wait3A_331, %dma_wait3A_332] : memref<32x80x128xi32, #tpu.memory_space<hbm>> -> memref<1x80x128xi32, #tpu.memory_space<hbm>>
          %dma_wait3A_334 = tpu.memref_squeeze %dma_wait3A_333 : memref<1x80x128xi32, #tpu.memory_space<hbm>> -> memref<80x128xi32, #tpu.memory_space<hbm>>
          %dma_wait3A_335 = arith.constant 0 : i32
          %dma_wait3A_336 = tpu.memref_slice %dma_wait3A_334[%multiple_of3A_315, %dma_wait3A_335] : memref<80x128xi32, #tpu.memory_space<hbm>> -> memref<8x128xi32, #tpu.memory_space<hbm>>
          tpu.wait_dma2 semaphore(%arg14 : memref<!tpu.dma_semaphore, #tpu.memory_space<semaphore_mem>>) src(%dma_wait3A_336 : memref<8x128xi32, #tpu.memory_space<hbm>>) dst(%dma_wait3A_330 : memref<8x128xi32, #tpu.memory_space<vmem>>)
          %dma_wait3A_337 = arith.constant 0 : i32
          %dma_wait3A_338 = tpu.memref_slice %arg8[%multiple_of3A_320, %dma_wait3A_337] : memref<16x128xi32, #tpu.memory_space<vmem>> -> memref<8x128xi32, #tpu.memory_space<vmem>>
          %dma_wait3A_339 = arith.constant 0 : i32
          %dma_wait3A_340 = arith.constant 0 : i32
          %dma_wait3A_341 = tpu.memref_slice %arg4[%select_n3A_311, %dma_wait3A_339, %dma_wait3A_340] : memref<32x80x128xi32, #tpu.memory_space<hbm>> -> memref<1x80x128xi32, #tpu.memory_space<hbm>>
          %dma_wait3A_342 = tpu.memref_squeeze %dma_wait3A_341 : memref<1x80x128xi32, #tpu.memory_space<hbm>> -> memref<80x128xi32, #tpu.memory_space<hbm>>
          %dma_wait3A_343 = arith.constant 0 : i32
          %dma_wait3A_344 = tpu.memref_slice %dma_wait3A_342[%multiple_of3A_315, %dma_wait3A_343] : memref<80x128xi32, #tpu.memory_space<hbm>> -> memref<8x128xi32, #tpu.memory_space<hbm>>
          %dma_wait3A_345 = arith.constant 0 : i32
          %dma_wait3A_346 = tpu.memref_slice %arg8[%multiple_of3A_320, %dma_wait3A_345] : memref<16x128xi32, #tpu.memory_space<vmem>> -> memref<8x128xi32, #tpu.memory_space<vmem>>
          %dma_wait3A_347 = arith.constant 0 : i32
          %dma_wait3A_348 = arith.constant 0 : i32
          %dma_wait3A_349 = tpu.memref_slice %arg4[%select_n3A_311, %dma_wait3A_347, %dma_wait3A_348] : memref<32x80x128xi32, #tpu.memory_space<hbm>> -> memref<1x80x128xi32, #tpu.memory_space<hbm>>
          %dma_wait3A_350 = tpu.memref_squeeze %dma_wait3A_349 : memref<1x80x128xi32, #tpu.memory_space<hbm>> -> memref<80x128xi32, #tpu.memory_space<hbm>>
          %dma_wait3A_351 = arith.constant 0 : i32
          %dma_wait3A_352 = tpu.memref_slice %dma_wait3A_350[%multiple_of3A_315, %dma_wait3A_351] : memref<80x128xi32, #tpu.memory_space<hbm>> -> memref<8x128xi32, #tpu.memory_space<hbm>>
          tpu.wait_dma2 semaphore(%arg14 : memref<!tpu.dma_semaphore, #tpu.memory_space<semaphore_mem>>) src(%dma_wait3A_352 : memref<8x128xi32, #tpu.memory_space<hbm>>) dst(%dma_wait3A_346 : memref<8x128xi32, #tpu.memory_space<vmem>>)
        } else {
        }
        %rem3A_247 = arith.constant 16 : i32
        %rem3A_248 = arith.remsi %add3A_239, %rem3A_247 : i32
        %dma_start3A_249 = arith.constant 0 : i32
        %dma_start3A_250 = arith.constant 0 : i32
        %dma_start3A_251 = arith.constant 0 : i32
        %dma_start3A_252 = tpu.memref_slice %arg9[%dma_start3A_249, %dma_start3A_250, %dma_start3A_251] : memref<2x128x128xf32, #tpu.memory_space<vmem>> -> memref<1x128x128xf32, #tpu.memory_space<vmem>>
        %dma_start3A_253 = tpu.memref_squeeze %dma_start3A_252 : memref<1x128x128xf32, #tpu.memory_space<vmem>> -> memref<128x128xf32, #tpu.memory_space<vmem>>
        %dma_start3A_254 = arith.constant 0 : i32
        %dma_start3A_255 = tpu.memref_slice %arg7[%rem3A_248, %dma_start3A_254] : memref<16x128xi32, #tpu.memory_space<vmem>> -> memref<1x128xi32, #tpu.memory_space<vmem>>
        %dma_start3A_256 = tpu.memref_squeeze %dma_start3A_255 : memref<1x128xi32, #tpu.memory_space<vmem>> -> memref<128xi32, #tpu.memory_space<vmem>>
        %dma_start3A_257 = arith.constant 0 : i32
        %dma_start3A_258 = arith.constant 0 : i32
        %dma_start3A_259 = tpu.memref_slice %arg2[%arg0, %dma_start3A_257, %dma_start3A_258] : memref<2x10000x128xf32, #tpu.memory_space<hbm>> -> memref<1x10000x128xf32, #tpu.memory_space<hbm>>
        %dma_start3A_260 = tpu.memref_squeeze %dma_start3A_259 : memref<1x10000x128xf32, #tpu.memory_space<hbm>> -> memref<10000x128xf32, #tpu.memory_space<hbm>>
        %dma_start3A_261 = arith.constant 0 : i32
        %dma_start3A_262 = arith.constant 0 : i32
        %dma_start3A_263 = tpu.memref_slice %dma_start3A_260[%dma_start3A_261, %dma_start3A_262] : memref<10000x128xf32, #tpu.memory_space<hbm>> -> memref<10000x128xf32, #tpu.memory_space<hbm>>
        tpu.enqueue_indirect_dma source(%dma_start3A_263 : memref<10000x128xf32, #tpu.memory_space<hbm>>) target(%dma_start3A_253 : memref<128x128xf32, #tpu.memory_space<vmem>>) offsets(%dma_start3A_256 : memref<128xi32, #tpu.memory_space<vmem>>) semaphore(%arg10 : memref<!tpu.dma_semaphore, #tpu.memory_space<semaphore_mem>>)
      } else {
      }
      %rem3A_212 = arith.constant 16 : i32
      %rem3A_213 = arith.remsi %add3A_121, %rem3A_212 : i32
      %dma_start3A_214 = arith.constant 1 : i32
      %dma_start3A_215 = arith.constant 0 : i32
      %dma_start3A_216 = arith.constant 0 : i32
      %dma_start3A_217 = tpu.memref_slice %arg9[%dma_start3A_214, %dma_start3A_215, %dma_start3A_216] : memref<2x128x128xf32, #tpu.memory_space<vmem>> -> memref<1x128x128xf32, #tpu.memory_space<vmem>>
      %dma_start3A_218 = tpu.memref_squeeze %dma_start3A_217 : memref<1x128x128xf32, #tpu.memory_space<vmem>> -> memref<128x128xf32, #tpu.memory_space<vmem>>
      %dma_start3A_219 = arith.constant 0 : i32
      %dma_start3A_220 = tpu.memref_slice %arg8[%rem3A_213, %dma_start3A_219] : memref<16x128xi32, #tpu.memory_space<vmem>> -> memref<1x128xi32, #tpu.memory_space<vmem>>
      %dma_start3A_221 = tpu.memref_squeeze %dma_start3A_220 : memref<1x128xi32, #tpu.memory_space<vmem>> -> memref<128xi32, #tpu.memory_space<vmem>>
      %dma_start3A_222 = arith.constant 0 : i32
      %dma_start3A_223 = arith.constant 0 : i32
      %dma_start3A_224 = tpu.memref_slice %arg6[%dma_start3A_222, %dma_start3A_223] : memref<10008x128xf32, #tpu.memory_space<vmem_shared>> -> memref<10008x128xf32, #tpu.memory_space<vmem_shared>>
      tpu.enqueue_indirect_dma source(%dma_start3A_218 : memref<128x128xf32, #tpu.memory_space<vmem>>) target(%dma_start3A_224 : memref<10008x128xf32, #tpu.memory_space<vmem_shared>>) offsets(%dma_start3A_221 : memref<128xi32, #tpu.memory_space<vmem>>) semaphore(%arg13 : memref<!tpu.dma_semaphore, #tpu.memory_space<semaphore_mem>>) {add = true}
      %rem3A_225 = arith.constant 16 : i32
      %rem3A_226 = arith.remsi %add3A_121, %rem3A_225 : i32
      %dma_wait3A_227 = arith.constant 1 : i32
      %dma_wait3A_228 = arith.constant 0 : i32
      %dma_wait3A_229 = arith.constant 0 : i32
      %dma_wait3A_230 = tpu.memref_slice %arg9[%dma_wait3A_227, %dma_wait3A_228, %dma_wait3A_229] : memref<2x128x128xf32, #tpu.memory_space<vmem>> -> memref<1x128x128xf32, #tpu.memory_space<vmem>>
      %dma_wait3A_231 = tpu.memref_squeeze %dma_wait3A_230 : memref<1x128x128xf32, #tpu.memory_space<vmem>> -> memref<128x128xf32, #tpu.memory_space<vmem>>
      %dma_wait3A_232 = arith.constant 0 : i32
      %dma_wait3A_233 = tpu.memref_slice %arg8[%rem3A_226, %dma_wait3A_232] : memref<16x128xi32, #tpu.memory_space<vmem>> -> memref<1x128xi32, #tpu.memory_space<vmem>>
      %dma_wait3A_234 = tpu.memref_squeeze %dma_wait3A_233 : memref<1x128xi32, #tpu.memory_space<vmem>> -> memref<128xi32, #tpu.memory_space<vmem>>
      %dma_wait3A_235 = arith.constant 0 : i32
      %dma_wait3A_236 = arith.constant 0 : i32
      %dma_wait3A_237 = tpu.memref_slice %arg6[%dma_wait3A_235, %dma_wait3A_236] : memref<10008x128xf32, #tpu.memory_space<vmem_shared>> -> memref<10008x128xf32, #tpu.memory_space<vmem_shared>>
      tpu.wait_indirect_dma semaphore(%arg13 : memref<!tpu.dma_semaphore, #tpu.memory_space<semaphore_mem>>) src(%dma_wait3A_231 : memref<128x128xf32, #tpu.memory_space<vmem>>) dst(%dma_wait3A_237 : memref<10008x128xf32, #tpu.memory_space<vmem_shared>>)
    }
    %scan3A_108 = arith.constant 80 : i32
    %barrier3A_109 = arith.constant 0 : index
    tpu.barrier barrier_id(%barrier3A_109)
    %mul3A_110 = arith.constant 624 : i32
    %mul3A_111 = arith.muli %arg1, %mul3A_110 : i32
    "tpu.region"() ({
      %run_scoped3A = tpu.sem_alloc : memref<!tpu.dma_semaphore, #tpu.memory_space<semaphore_mem>>
      %dma_start3A_117 = arith.constant 0 : i32
      %dma_start3A_118 = arith.constant 0 : i32
      %dma_start3A_119 = tpu.memref_slice %arg5[%arg0, %dma_start3A_117, %dma_start3A_118] : memref<2x10000x128xf32, #tpu.memory_space<hbm>> -> memref<1x10000x128xf32, #tpu.memory_space<hbm>>
      %dma_start3A_120 = tpu.memref_squeeze %dma_start3A_119 : memref<1x10000x128xf32, #tpu.memory_space<hbm>> -> memref<10000x128xf32, #tpu.memory_space<hbm>>
      %dma_start3A_121 = arith.constant 0 : i32
      %dma_start3A_122 = tpu.memref_slice %dma_start3A_120[%mul3A_111, %dma_start3A_121] : memref<10000x128xf32, #tpu.memory_space<hbm>> -> memref<624x128xf32, #tpu.memory_space<hbm>>
      %dma_start3A_123 = arith.constant 0 : i32
      %dma_start3A_124 = tpu.memref_slice %arg6[%mul3A_111, %dma_start3A_123] : memref<10008x128xf32, #tpu.memory_space<vmem_shared>> -> memref<624x128xf32, #tpu.memory_space<vmem_shared>>
      tpu.enqueue_dma source(%dma_start3A_124 : memref<624x128xf32, #tpu.memory_space<vmem_shared>>) target(%dma_start3A_122 : memref<624x128xf32, #tpu.memory_space<hbm>>) target_semaphore(%run_scoped3A : memref<!tpu.dma_semaphore, #tpu.memory_space<semaphore_mem>>)
      %dma_wait3A_125 = arith.constant 0 : i32
      %dma_wait3A_126 = arith.constant 0 : i32
      %dma_wait3A_127 = tpu.memref_slice %arg5[%arg0, %dma_wait3A_125, %dma_wait3A_126] : memref<2x10000x128xf32, #tpu.memory_space<hbm>> -> memref<1x10000x128xf32, #tpu.memory_space<hbm>>
      %dma_wait3A_128 = tpu.memref_squeeze %dma_wait3A_127 : memref<1x10000x128xf32, #tpu.memory_space<hbm>> -> memref<10000x128xf32, #tpu.memory_space<hbm>>
      %dma_wait3A_129 = arith.constant 0 : i32
      %dma_wait3A_130 = tpu.memref_slice %dma_wait3A_128[%mul3A_111, %dma_wait3A_129] : memref<10000x128xf32, #tpu.memory_space<hbm>> -> memref<624x128xf32, #tpu.memory_space<hbm>>
      %dma_wait3A_131 = arith.constant 0 : i32
      %dma_wait3A_132 = tpu.memref_slice %arg6[%mul3A_111, %dma_wait3A_131] : memref<10008x128xf32, #tpu.memory_space<vmem_shared>> -> memref<624x128xf32, #tpu.memory_space<vmem_shared>>
      tpu.wait_dma2 semaphore(%run_scoped3A : memref<!tpu.dma_semaphore, #tpu.memory_space<semaphore_mem>>) src(%dma_wait3A_132 : memref<624x128xf32, #tpu.memory_space<vmem_shared>>) dst(%dma_wait3A_130 : memref<624x128xf32, #tpu.memory_space<hbm>>)
      tpu.yield
    }) : () -> ()
    %eq3A_112 = arith.constant 0 : i32
    %eq3A_113 = arith.cmpi eq, %arg1, %eq3A_112 : i32
    %convert_element_type3A_114 = arith.extui %eq3A_113 : i1 to i32
    %cond3A_115 = arith.constant 0 : i32
    %cond3A_116 = arith.cmpi ne, %convert_element_type3A_114, %cond3A_115 : i32
    scf.if %cond3A_116 {
      "tpu.region"() ({
        %run_scoped3A = tpu.sem_alloc : memref<!tpu.dma_semaphore, #tpu.memory_space<semaphore_mem>>
        %dma_start3A_117 = arith.constant 0 : i32
        %dma_start3A_118 = arith.constant 0 : i32
        %dma_start3A_119 = tpu.memref_slice %arg5[%arg0, %dma_start3A_117, %dma_start3A_118] : memref<2x10000x128xf32, #tpu.memory_space<hbm>> -> memref<1x10000x128xf32, #tpu.memory_space<hbm>>
        %dma_start3A_120 = tpu.memref_squeeze %dma_start3A_119 : memref<1x10000x128xf32, #tpu.memory_space<hbm>> -> memref<10000x128xf32, #tpu.memory_space<hbm>>
        %dma_start3A_121 = arith.constant 9984 : i32
        %dma_start3A_122 = arith.constant 0 : i32
        %dma_start3A_123 = tpu.memref_slice %dma_start3A_120[%dma_start3A_121, %dma_start3A_122] : memref<10000x128xf32, #tpu.memory_space<hbm>> -> memref<16x128xf32, #tpu.memory_space<hbm>>
        %dma_start3A_124 = arith.constant 9984 : i32
        %dma_start3A_125 = arith.constant 0 : i32
        %dma_start3A_126 = tpu.memref_slice %arg6[%dma_start3A_124, %dma_start3A_125] : memref<10008x128xf32, #tpu.memory_space<vmem_shared>> -> memref<16x128xf32, #tpu.memory_space<vmem_shared>>
        tpu.enqueue_dma source(%dma_start3A_126 : memref<16x128xf32, #tpu.memory_space<vmem_shared>>) target(%dma_start3A_123 : memref<16x128xf32, #tpu.memory_space<hbm>>) target_semaphore(%run_scoped3A : memref<!tpu.dma_semaphore, #tpu.memory_space<semaphore_mem>>)
        %dma_wait3A_127 = arith.constant 0 : i32
        %dma_wait3A_128 = arith.constant 0 : i32
        %dma_wait3A_129 = tpu.memref_slice %arg5[%arg0, %dma_wait3A_127, %dma_wait3A_128] : memref<2x10000x128xf32, #tpu.memory_space<hbm>> -> memref<1x10000x128xf32, #tpu.memory_space<hbm>>
        %dma_wait3A_130 = tpu.memref_squeeze %dma_wait3A_129 : memref<1x10000x128xf32, #tpu.memory_space<hbm>> -> memref<10000x128xf32, #tpu.memory_space<hbm>>
        %dma_wait3A_131 = arith.constant 9984 : i32
        %dma_wait3A_132 = arith.constant 0 : i32
        %dma_wait3A_133 = tpu.memref_slice %dma_wait3A_130[%dma_wait3A_131, %dma_wait3A_132] : memref<10000x128xf32, #tpu.memory_space<hbm>> -> memref<16x128xf32, #tpu.memory_space<hbm>>
        %dma_wait3A_134 = arith.constant 9984 : i32
        %dma_wait3A_135 = arith.constant 0 : i32
        %dma_wait3A_136 = tpu.memref_slice %arg6[%dma_wait3A_134, %dma_wait3A_135] : memref<10008x128xf32, #tpu.memory_space<vmem_shared>> -> memref<16x128xf32, #tpu.memory_space<vmem_shared>>
        tpu.wait_dma2 semaphore(%run_scoped3A : memref<!tpu.dma_semaphore, #tpu.memory_space<semaphore_mem>>) src(%dma_wait3A_136 : memref<16x128xf32, #tpu.memory_space<vmem_shared>>) dst(%dma_wait3A_133 : memref<16x128xf32, #tpu.memory_space<hbm>>)
        tpu.yield
      }) : () -> ()
    } else {
    }
    return
  }
}

module attributes {stable_mosaic.version = 14 : i64} {
  func.func @_mlp1_body(%arg0: i32, %arg1: memref<2x1000x128xf32, #tpu.memory_space<vmem>>, %arg2: memref<128x256xf32, #tpu.memory_space<vmem>>, %arg3: memref<1x256xf32, #tpu.memory_space<vmem>>, %arg4: memref<256x256xf32, #tpu.memory_space<vmem>>, %arg5: memref<1x256xf32, #tpu.memory_space<vmem>>, %arg6: memref<2x1000x128xf32, #tpu.memory_space<vmem>>) attributes {dimension_semantics = [#tpu.dimension_semantics<arbitrary>], iteration_bounds = array<i64: 10>, scalar_prefetch = 0 : i64, scratch_operands = 0 : i64, tpu.core_type = #tpu.core_type<tc>, window_params = [{transform_indices = @transform_0, window_bounds = array<i64: 2, 1000, 128>}, {pipeline_mode = #tpu.pipeline_mode<synchronous>, transform_indices = @transform_1, window_bounds = array<i64: 128, 256>}, {pipeline_mode = #tpu.pipeline_mode<synchronous>, transform_indices = @transform_2, window_bounds = array<i64: 1, 256>}, {pipeline_mode = #tpu.pipeline_mode<synchronous>, transform_indices = @transform_3, window_bounds = array<i64: 256, 256>}, {pipeline_mode = #tpu.pipeline_mode<synchronous>, transform_indices = @transform_4, window_bounds = array<i64: 1, 256>}, {transform_indices = @transform_5, window_bounds = array<i64: 2, 1000, 128>}]} {
    %get3A = arith.constant 0 : index
    %get3A_0 = arith.constant 0 : index
    %get3A_1 = arith.constant 0 : index
    %get3A_2 = vector.load %arg1[%get3A, %get3A_0, %get3A_1] : memref<2x1000x128xf32, #tpu.memory_space<vmem>>, vector<1x1000x128xf32>
    %get3A_3 = vector.shape_cast %get3A_2 : vector<1x1000x128xf32> to vector<1000x128xf32>
    %get3A_4 = arith.constant 1 : index
    %get3A_5 = arith.constant 0 : index
    %get3A_6 = arith.constant 0 : index
    %get3A_7 = vector.load %arg1[%get3A_4, %get3A_5, %get3A_6] : memref<2x1000x128xf32, #tpu.memory_space<vmem>>, vector<1x1000x128xf32>
    %get3A_8 = vector.shape_cast %get3A_7 : vector<1x1000x128xf32> to vector<1000x128xf32>
    %add3A = arith.addf %get3A_3, %get3A_8 : vector<1000x128xf32>
    %get3A_9 = arith.constant 0 : index
    %get3A_10 = arith.constant 0 : index
    %get3A_11 = vector.load %arg2[%get3A_9, %get3A_10] : memref<128x256xf32, #tpu.memory_space<vmem>>, vector<128x256xf32>
    %dot_general3A = arith.constant dense<0.000000e+00> : vector<1000x256xf32>
    %dot_general3A_12 = tpu.matmul %add3A, %get3A_11, %dot_general3A {dimension_numbers = #tpu.dot_dimension_numbers<[1], [0], [0], [1], [0, 0, 1, 1], [], []>, transpose_lhs_hint = false} : vector<1000x128xf32>, vector<128x256xf32>, vector<1000x256xf32> -> vector<1000x256xf32>
    %get3A_13 = arith.constant 0 : index
    %get3A_14 = arith.constant 0 : index
    %get3A_15 = vector.load %arg3[%get3A_13, %get3A_14] : memref<1x256xf32, #tpu.memory_space<vmem>>, vector<1x256xf32>
    %add3A_16 = vector.broadcast %get3A_15 : vector<1x256xf32> to vector<1000x256xf32>
    %add3A_17 = arith.addf %dot_general3A_12, %add3A_16 : vector<1000x256xf32>
    %max3A = arith.constant 0.000000e+00 : f32
    %max3A_18 = vector.broadcast %max3A : f32 to vector<1000x256xf32>
    %max3A_19 = arith.maximumf %add3A_17, %max3A_18 : vector<1000x256xf32>
    %get3A_20 = arith.constant 0 : index
    %get3A_21 = arith.constant 0 : index
    %get3A_22 = vector.load %arg4[%get3A_20, %get3A_21] : memref<256x256xf32, #tpu.memory_space<vmem>>, vector<256x256xf32>
    %dot_general3A_23 = arith.constant dense<0.000000e+00> : vector<1000x256xf32>
    %dot_general3A_24 = tpu.matmul %max3A_19, %get3A_22, %dot_general3A_23 {dimension_numbers = #tpu.dot_dimension_numbers<[1], [0], [0], [1], [0, 0, 1, 1], [], []>, transpose_lhs_hint = false} : vector<1000x256xf32>, vector<256x256xf32>, vector<1000x256xf32> -> vector<1000x256xf32>
    %get3A_25 = arith.constant 0 : index
    %get3A_26 = arith.constant 0 : index
    %get3A_27 = vector.load %arg5[%get3A_25, %get3A_26] : memref<1x256xf32, #tpu.memory_space<vmem>>, vector<1x256xf32>
    %add3A_28 = vector.broadcast %get3A_27 : vector<1x256xf32> to vector<1000x256xf32>
    %add3A_29 = arith.addf %dot_general3A_24, %add3A_28 : vector<1000x256xf32>
    %max3A_30 = arith.constant 0.000000e+00 : f32
    %max3A_31 = vector.broadcast %max3A_30 : f32 to vector<1000x256xf32>
    %max3A_32 = arith.maximumf %add3A_29, %max3A_31 : vector<1000x256xf32>
    %slice3A = vector.extract_strided_slice %max3A_32 {offsets = [0, 0], sizes = [1000, 128], strides = [1, 1]} : vector<1000x256xf32> to vector<1000x128xf32>
    %swap3A = arith.constant 0 : index
    %swap3A_33 = arith.constant 0 : index
    %swap3A_34 = arith.constant 0 : index
    %swap3A_35 = vector.load %arg6[%swap3A, %swap3A_33, %swap3A_34] : memref<2x1000x128xf32, #tpu.memory_space<vmem>>, vector<1x1000x128xf32>
    %swap3A_36 = vector.shape_cast %swap3A_35 : vector<1x1000x128xf32> to vector<1000x128xf32>
    %swap3A_37 = vector.shape_cast %slice3A : vector<1000x128xf32> to vector<1x1000x128xf32>
    tpu.vector_store %arg6[%swap3A, %swap3A_33, %swap3A_34], %swap3A_37 {strides = array<i32>} : memref<2x1000x128xf32, #tpu.memory_space<vmem>>, vector<1x1000x128xf32>,
    %slice3A_38 = vector.extract_strided_slice %max3A_32 {offsets = [0, 128], sizes = [1000, 128], strides = [1, 1]} : vector<1000x256xf32> to vector<1000x128xf32>
    %swap3A_39 = arith.constant 1 : index
    %swap3A_40 = arith.constant 0 : index
    %swap3A_41 = arith.constant 0 : index
    %swap3A_42 = vector.load %arg6[%swap3A_39, %swap3A_40, %swap3A_41] : memref<2x1000x128xf32, #tpu.memory_space<vmem>>, vector<1x1000x128xf32>
    %swap3A_43 = vector.shape_cast %swap3A_42 : vector<1x1000x128xf32> to vector<1000x128xf32>
    %swap3A_44 = vector.shape_cast %slice3A_38 : vector<1000x128xf32> to vector<1x1000x128xf32>
    tpu.vector_store %arg6[%swap3A_39, %swap3A_40, %swap3A_41], %swap3A_44 {strides = array<i32>} : memref<2x1000x128xf32, #tpu.memory_space<vmem>>, vector<1x1000x128xf32>,
    return
  }
  func.func @transform_0(%arg0: i32) -> (i32, i32, i32) {
    %c0_i32 = arith.constant 0 : i32
    %c0_i32_0 = arith.constant 0 : i32
    %c0_i32_1 = arith.constant 0 : i32
    return %c0_i32, %arg0, %c0_i32_0 : i32, i32, i32
  }
  func.func @transform_1(%arg0: i32) -> (i32, i32) {
    %c0_i32 = arith.constant 0 : i32
    %c0_i32_0 = arith.constant 0 : i32
    %c0_i32_1 = arith.constant 0 : i32
    return %c0_i32, %c0_i32_0 : i32, i32
  }
  func.func @transform_2(%arg0: i32) -> (i32, i32) {
    %c0_i32 = arith.constant 0 : i32
    %c0_i32_0 = arith.constant 0 : i32
    %c0_i32_1 = arith.constant 0 : i32
    return %c0_i32, %c0_i32_0 : i32, i32
  }
  func.func @transform_3(%arg0: i32) -> (i32, i32) {
    %c0_i32 = arith.constant 0 : i32
    %c0_i32_0 = arith.constant 0 : i32
    %c0_i32_1 = arith.constant 0 : i32
    return %c0_i32, %c0_i32_0 : i32, i32
  }
  func.func @transform_4(%arg0: i32) -> (i32, i32) {
    %c0_i32 = arith.constant 0 : i32
    %c0_i32_0 = arith.constant 0 : i32
    %c0_i32_1 = arith.constant 0 : i32
    return %c0_i32, %c0_i32_0 : i32, i32
  }
  func.func @transform_5(%arg0: i32) -> (i32, i32, i32) {
    %c0_i32 = arith.constant 0 : i32
    %c0_i32_0 = arith.constant 0 : i32
    %c0_i32_1 = arith.constant 0 : i32
    return %c0_i32, %arg0, %c0_i32_0 : i32, i32, i32
  }
}

module attributes {stable_mosaic.version = 14 : i64} {
  func.func @_mlp2_body(%arg0: i32, %arg1: memref<2x1000x128xf32, #tpu.memory_space<vmem>>, %arg2: memref<2x1000x128xf32, #tpu.memory_space<vmem>>, %arg3: memref<256x256xf32, #tpu.memory_space<vmem>>, %arg4: memref<1x256xf32, #tpu.memory_space<vmem>>, %arg5: memref<256x256xf32, #tpu.memory_space<vmem>>, %arg6: memref<1x256xf32, #tpu.memory_space<vmem>>, %arg7: memref<2x1000x128xf32, #tpu.memory_space<vmem>>) attributes {dimension_semantics = [#tpu.dimension_semantics<arbitrary>], iteration_bounds = array<i64: 10>, scalar_prefetch = 0 : i64, scratch_operands = 0 : i64, tpu.core_type = #tpu.core_type<tc>, window_params = [{transform_indices = @transform_0, window_bounds = array<i64: 2, 1000, 128>}, {transform_indices = @transform_1, window_bounds = array<i64: 2, 1000, 128>}, {pipeline_mode = #tpu.pipeline_mode<synchronous>, transform_indices = @transform_2, window_bounds = array<i64: 256, 256>}, {pipeline_mode = #tpu.pipeline_mode<synchronous>, transform_indices = @transform_3, window_bounds = array<i64: 1, 256>}, {pipeline_mode = #tpu.pipeline_mode<synchronous>, transform_indices = @transform_4, window_bounds = array<i64: 256, 256>}, {pipeline_mode = #tpu.pipeline_mode<synchronous>, transform_indices = @transform_5, window_bounds = array<i64: 1, 256>}, {transform_indices = @transform_6, window_bounds = array<i64: 2, 1000, 128>}]} {
    %get3A = arith.constant 0 : index
    %get3A_0 = arith.constant 0 : index
    %get3A_1 = arith.constant 0 : index
    %get3A_2 = vector.load %arg1[%get3A, %get3A_0, %get3A_1] : memref<2x1000x128xf32, #tpu.memory_space<vmem>>, vector<1x1000x128xf32>
    %get3A_3 = vector.shape_cast %get3A_2 : vector<1x1000x128xf32> to vector<1000x128xf32>
    %get3A_4 = arith.constant 1 : index
    %get3A_5 = arith.constant 0 : index
    %get3A_6 = arith.constant 0 : index
    %get3A_7 = vector.load %arg1[%get3A_4, %get3A_5, %get3A_6] : memref<2x1000x128xf32, #tpu.memory_space<vmem>>, vector<1x1000x128xf32>
    %get3A_8 = vector.shape_cast %get3A_7 : vector<1x1000x128xf32> to vector<1000x128xf32>
    %concatenate3A = tpu.concatenate %get3A_3, %get3A_8 in 1 : vector<1000x128xf32>, vector<1000x128xf32> -> vector<1000x256xf32>
    %get3A_9 = arith.constant 0 : index
    %get3A_10 = arith.constant 0 : index
    %get3A_11 = vector.load %arg3[%get3A_9, %get3A_10] : memref<256x256xf32, #tpu.memory_space<vmem>>, vector<256x256xf32>
    %dot_general3A = arith.constant dense<0.000000e+00> : vector<1000x256xf32>
    %dot_general3A_12 = tpu.matmul %concatenate3A, %get3A_11, %dot_general3A {dimension_numbers = #tpu.dot_dimension_numbers<[1], [0], [0], [1], [0, 0, 1, 1], [], []>, transpose_lhs_hint = false} : vector<1000x256xf32>, vector<256x256xf32>, vector<1000x256xf32> -> vector<1000x256xf32>
    %get3A_13 = arith.constant 0 : index
    %get3A_14 = arith.constant 0 : index
    %get3A_15 = vector.load %arg4[%get3A_13, %get3A_14] : memref<1x256xf32, #tpu.memory_space<vmem>>, vector<1x256xf32>
    %add3A = vector.broadcast %get3A_15 : vector<1x256xf32> to vector<1000x256xf32>
    %add3A_16 = arith.addf %dot_general3A_12, %add3A : vector<1000x256xf32>
    %max3A = arith.constant 0.000000e+00 : f32
    %max3A_17 = vector.broadcast %max3A : f32 to vector<1000x256xf32>
    %max3A_18 = arith.maximumf %add3A_16, %max3A_17 : vector<1000x256xf32>
    %get3A_19 = arith.constant 0 : index
    %get3A_20 = arith.constant 0 : index
    %get3A_21 = vector.load %arg5[%get3A_19, %get3A_20] : memref<256x256xf32, #tpu.memory_space<vmem>>, vector<256x256xf32>
    %dot_general3A_22 = arith.constant dense<0.000000e+00> : vector<1000x256xf32>
    %dot_general3A_23 = tpu.matmul %max3A_18, %get3A_21, %dot_general3A_22 {dimension_numbers = #tpu.dot_dimension_numbers<[1], [0], [0], [1], [0, 0, 1, 1], [], []>, transpose_lhs_hint = false} : vector<1000x256xf32>, vector<256x256xf32>, vector<1000x256xf32> -> vector<1000x256xf32>
    %get3A_24 = arith.constant 0 : index
    %get3A_25 = arith.constant 0 : index
    %get3A_26 = vector.load %arg6[%get3A_24, %get3A_25] : memref<1x256xf32, #tpu.memory_space<vmem>>, vector<1x256xf32>
    %add3A_27 = vector.broadcast %get3A_26 : vector<1x256xf32> to vector<1000x256xf32>
    %add3A_28 = arith.addf %dot_general3A_23, %add3A_27 : vector<1000x256xf32>
    %max3A_29 = arith.constant 0.000000e+00 : f32
    %max3A_30 = vector.broadcast %max3A_29 : f32 to vector<1000x256xf32>
    %max3A_31 = arith.maximumf %add3A_28, %max3A_30 : vector<1000x256xf32>
    %slice3A = vector.extract_strided_slice %max3A_31 {offsets = [0, 0], sizes = [1000, 128], strides = [1, 1]} : vector<1000x256xf32> to vector<1000x128xf32>
    %get3A_32 = arith.constant 0 : index
    %get3A_33 = arith.constant 0 : index
    %get3A_34 = arith.constant 0 : index
    %get3A_35 = vector.load %arg2[%get3A_32, %get3A_33, %get3A_34] : memref<2x1000x128xf32, #tpu.memory_space<vmem>>, vector<1x1000x128xf32>
    %get3A_36 = vector.shape_cast %get3A_35 : vector<1x1000x128xf32> to vector<1000x128xf32>
    %add3A_37 = arith.addf %slice3A, %get3A_36 : vector<1000x128xf32>
    %swap3A = arith.constant 0 : index
    %swap3A_38 = arith.constant 0 : index
    %swap3A_39 = arith.constant 0 : index
    %swap3A_40 = vector.load %arg7[%swap3A, %swap3A_38, %swap3A_39] : memref<2x1000x128xf32, #tpu.memory_space<vmem>>, vector<1x1000x128xf32>
    %swap3A_41 = vector.shape_cast %swap3A_40 : vector<1x1000x128xf32> to vector<1000x128xf32>
    %swap3A_42 = vector.shape_cast %add3A_37 : vector<1000x128xf32> to vector<1x1000x128xf32>
    tpu.vector_store %arg7[%swap3A, %swap3A_38, %swap3A_39], %swap3A_42 {strides = array<i32>} : memref<2x1000x128xf32, #tpu.memory_space<vmem>>, vector<1x1000x128xf32>,
    %slice3A_43 = vector.extract_strided_slice %max3A_31 {offsets = [0, 128], sizes = [1000, 128], strides = [1, 1]} : vector<1000x256xf32> to vector<1000x128xf32>
    %get3A_44 = arith.constant 1 : index
    %get3A_45 = arith.constant 0 : index
    %get3A_46 = arith.constant 0 : index
    %get3A_47 = vector.load %arg2[%get3A_44, %get3A_45, %get3A_46] : memref<2x1000x128xf32, #tpu.memory_space<vmem>>, vector<1x1000x128xf32>
    %get3A_48 = vector.shape_cast %get3A_47 : vector<1x1000x128xf32> to vector<1000x128xf32>
    %add3A_49 = arith.addf %slice3A_43, %get3A_48 : vector<1000x128xf32>
    %swap3A_50 = arith.constant 1 : index
    %swap3A_51 = arith.constant 0 : index
    %swap3A_52 = arith.constant 0 : index
    %swap3A_53 = vector.load %arg7[%swap3A_50, %swap3A_51, %swap3A_52] : memref<2x1000x128xf32, #tpu.memory_space<vmem>>, vector<1x1000x128xf32>
    %swap3A_54 = vector.shape_cast %swap3A_53 : vector<1x1000x128xf32> to vector<1000x128xf32>
    %swap3A_55 = vector.shape_cast %add3A_49 : vector<1000x128xf32> to vector<1x1000x128xf32>
    tpu.vector_store %arg7[%swap3A_50, %swap3A_51, %swap3A_52], %swap3A_55 {strides = array<i32>} : memref<2x1000x128xf32, #tpu.memory_space<vmem>>, vector<1x1000x128xf32>,
    return
  }
  func.func @transform_0(%arg0: i32) -> (i32, i32, i32) {
    %c0_i32 = arith.constant 0 : i32
    %c0_i32_0 = arith.constant 0 : i32
    %c0_i32_1 = arith.constant 0 : i32
    return %c0_i32, %arg0, %c0_i32_0 : i32, i32, i32
  }
  func.func @transform_1(%arg0: i32) -> (i32, i32, i32) {
    %c0_i32 = arith.constant 0 : i32
    %c0_i32_0 = arith.constant 0 : i32
    %c0_i32_1 = arith.constant 0 : i32
    return %c0_i32, %arg0, %c0_i32_0 : i32, i32, i32
  }
  func.func @transform_2(%arg0: i32) -> (i32, i32) {
    %c0_i32 = arith.constant 0 : i32
    %c0_i32_0 = arith.constant 0 : i32
    %c0_i32_1 = arith.constant 0 : i32
    return %c0_i32, %c0_i32_0 : i32, i32
  }
  func.func @transform_3(%arg0: i32) -> (i32, i32) {
    %c0_i32 = arith.constant 0 : i32
    %c0_i32_0 = arith.constant 0 : i32
    %c0_i32_1 = arith.constant 0 : i32
    return %c0_i32, %c0_i32_0 : i32, i32
  }
  func.func @transform_4(%arg0: i32) -> (i32, i32) {
    %c0_i32 = arith.constant 0 : i32
    %c0_i32_0 = arith.constant 0 : i32
    %c0_i32_1 = arith.constant 0 : i32
    return %c0_i32, %c0_i32_0 : i32, i32
  }
  func.func @transform_5(%arg0: i32) -> (i32, i32) {
    %c0_i32 = arith.constant 0 : i32
    %c0_i32_0 = arith.constant 0 : i32
    %c0_i32_1 = arith.constant 0 : i32
    return %c0_i32, %c0_i32_0 : i32, i32
  }
  func.func @transform_6(%arg0: i32) -> (i32, i32, i32) {
    %c0_i32 = arith.constant 0 : i32
    %c0_i32_0 = arith.constant 0 : i32
    %c0_i32_1 = arith.constant 0 : i32
    return %c0_i32, %arg0, %c0_i32_0 : i32, i32, i32
  }
}

module attributes {stable_mosaic.version = 14 : i64} {
  func.func @_mlp3_head_body(%arg0: i32, %arg1: memref<2x1000x128xf32, #tpu.memory_space<vmem>>, %arg2: memref<2x1000x128xf32, #tpu.memory_space<vmem>>, %arg3: memref<256x256xf32, #tpu.memory_space<vmem>>, %arg4: memref<1x256xf32, #tpu.memory_space<vmem>>, %arg5: memref<256x256xf32, #tpu.memory_space<vmem>>, %arg6: memref<1x256xf32, #tpu.memory_space<vmem>>, %arg7: memref<256x256xf32, #tpu.memory_space<vmem>>, %arg8: memref<1x256xf32, #tpu.memory_space<vmem>>, %arg9: memref<256x1xf32, #tpu.memory_space<vmem>>, %arg10: memref<1x1xf32, #tpu.memory_space<vmem>>, %arg11: memref<1000x1xf32, #tpu.memory_space<vmem>>) attributes {dimension_semantics = [#tpu.dimension_semantics<arbitrary>], iteration_bounds = array<i64: 10>, scalar_prefetch = 0 : i64, scratch_operands = 0 : i64, tpu.core_type = #tpu.core_type<tc>, window_params = [{transform_indices = @transform_0, window_bounds = array<i64: 2, 1000, 128>}, {transform_indices = @transform_1, window_bounds = array<i64: 2, 1000, 128>}, {pipeline_mode = #tpu.pipeline_mode<synchronous>, transform_indices = @transform_2, window_bounds = array<i64: 256, 256>}, {pipeline_mode = #tpu.pipeline_mode<synchronous>, transform_indices = @transform_3, window_bounds = array<i64: 1, 256>}, {pipeline_mode = #tpu.pipeline_mode<synchronous>, transform_indices = @transform_4, window_bounds = array<i64: 256, 256>}, {pipeline_mode = #tpu.pipeline_mode<synchronous>, transform_indices = @transform_5, window_bounds = array<i64: 1, 256>}, {pipeline_mode = #tpu.pipeline_mode<synchronous>, transform_indices = @transform_6, window_bounds = array<i64: 256, 256>}, {pipeline_mode = #tpu.pipeline_mode<synchronous>, transform_indices = @transform_7, window_bounds = array<i64: 1, 256>}, {pipeline_mode = #tpu.pipeline_mode<synchronous>, transform_indices = @transform_8, window_bounds = array<i64: 256, 1>}, {pipeline_mode = #tpu.pipeline_mode<synchronous>, transform_indices = @transform_9, window_bounds = array<i64: 1, 1>}, {transform_indices = @transform_10, window_bounds = array<i64: 1000, 1>}]} {
    %get3A = arith.constant 0 : index
    %get3A_0 = arith.constant 0 : index
    %get3A_1 = arith.constant 0 : index
    %get3A_2 = vector.load %arg1[%get3A, %get3A_0, %get3A_1] : memref<2x1000x128xf32, #tpu.memory_space<vmem>>, vector<1x1000x128xf32>
    %get3A_3 = vector.shape_cast %get3A_2 : vector<1x1000x128xf32> to vector<1000x128xf32>
    %get3A_4 = arith.constant 1 : index
    %get3A_5 = arith.constant 0 : index
    %get3A_6 = arith.constant 0 : index
    %get3A_7 = vector.load %arg1[%get3A_4, %get3A_5, %get3A_6] : memref<2x1000x128xf32, #tpu.memory_space<vmem>>, vector<1x1000x128xf32>
    %get3A_8 = vector.shape_cast %get3A_7 : vector<1x1000x128xf32> to vector<1000x128xf32>
    %concatenate3A = tpu.concatenate %get3A_3, %get3A_8 in 1 : vector<1000x128xf32>, vector<1000x128xf32> -> vector<1000x256xf32>
    %get3A_9 = arith.constant 0 : index
    %get3A_10 = arith.constant 0 : index
    %get3A_11 = vector.load %arg3[%get3A_9, %get3A_10] : memref<256x256xf32, #tpu.memory_space<vmem>>, vector<256x256xf32>
    %dot_general3A = arith.constant dense<0.000000e+00> : vector<1000x256xf32>
    %dot_general3A_12 = tpu.matmul %concatenate3A, %get3A_11, %dot_general3A {dimension_numbers = #tpu.dot_dimension_numbers<[1], [0], [0], [1], [0, 0, 1, 1], [], []>, transpose_lhs_hint = false} : vector<1000x256xf32>, vector<256x256xf32>, vector<1000x256xf32> -> vector<1000x256xf32>
    %get3A_13 = arith.constant 0 : index
    %get3A_14 = arith.constant 0 : index
    %get3A_15 = vector.load %arg4[%get3A_13, %get3A_14] : memref<1x256xf32, #tpu.memory_space<vmem>>, vector<1x256xf32>
    %add3A = vector.broadcast %get3A_15 : vector<1x256xf32> to vector<1000x256xf32>
    %add3A_16 = arith.addf %dot_general3A_12, %add3A : vector<1000x256xf32>
    %max3A = arith.constant 0.000000e+00 : f32
    %max3A_17 = vector.broadcast %max3A : f32 to vector<1000x256xf32>
    %max3A_18 = arith.maximumf %add3A_16, %max3A_17 : vector<1000x256xf32>
    %get3A_19 = arith.constant 0 : index
    %get3A_20 = arith.constant 0 : index
    %get3A_21 = vector.load %arg5[%get3A_19, %get3A_20] : memref<256x256xf32, #tpu.memory_space<vmem>>, vector<256x256xf32>
    %dot_general3A_22 = arith.constant dense<0.000000e+00> : vector<1000x256xf32>
    %dot_general3A_23 = tpu.matmul %max3A_18, %get3A_21, %dot_general3A_22 {dimension_numbers = #tpu.dot_dimension_numbers<[1], [0], [0], [1], [0, 0, 1, 1], [], []>, transpose_lhs_hint = false} : vector<1000x256xf32>, vector<256x256xf32>, vector<1000x256xf32> -> vector<1000x256xf32>
    %get3A_24 = arith.constant 0 : index
    %get3A_25 = arith.constant 0 : index
    %get3A_26 = vector.load %arg6[%get3A_24, %get3A_25] : memref<1x256xf32, #tpu.memory_space<vmem>>, vector<1x256xf32>
    %add3A_27 = vector.broadcast %get3A_26 : vector<1x256xf32> to vector<1000x256xf32>
    %add3A_28 = arith.addf %dot_general3A_23, %add3A_27 : vector<1000x256xf32>
    %max3A_29 = arith.constant 0.000000e+00 : f32
    %max3A_30 = vector.broadcast %max3A_29 : f32 to vector<1000x256xf32>
    %max3A_31 = arith.maximumf %add3A_28, %max3A_30 : vector<1000x256xf32>
    %get3A_32 = arith.constant 0 : index
    %get3A_33 = arith.constant 0 : index
    %get3A_34 = arith.constant 0 : index
    %get3A_35 = vector.load %arg2[%get3A_32, %get3A_33, %get3A_34] : memref<2x1000x128xf32, #tpu.memory_space<vmem>>, vector<1x1000x128xf32>
    %get3A_36 = vector.shape_cast %get3A_35 : vector<1x1000x128xf32> to vector<1000x128xf32>
    %get3A_37 = arith.constant 1 : index
    %get3A_38 = arith.constant 0 : index
    %get3A_39 = arith.constant 0 : index
    %get3A_40 = vector.load %arg2[%get3A_37, %get3A_38, %get3A_39] : memref<2x1000x128xf32, #tpu.memory_space<vmem>>, vector<1x1000x128xf32>
    %get3A_41 = vector.shape_cast %get3A_40 : vector<1x1000x128xf32> to vector<1000x128xf32>
    %concatenate3A_42 = tpu.concatenate %get3A_36, %get3A_41 in 1 : vector<1000x128xf32>, vector<1000x128xf32> -> vector<1000x256xf32>
    %add3A_43 = arith.addf %max3A_31, %concatenate3A_42 : vector<1000x256xf32>
    %get3A_44 = arith.constant 0 : index
    %get3A_45 = arith.constant 0 : index
    %get3A_46 = vector.load %arg7[%get3A_44, %get3A_45] : memref<256x256xf32, #tpu.memory_space<vmem>>, vector<256x256xf32>
    %dot_general3A_47 = arith.constant dense<0.000000e+00> : vector<1000x256xf32>
    %dot_general3A_48 = tpu.matmul %add3A_43, %get3A_46, %dot_general3A_47 {dimension_numbers = #tpu.dot_dimension_numbers<[1], [0], [0], [1], [0, 0, 1, 1], [], []>, transpose_lhs_hint = false} : vector<1000x256xf32>, vector<256x256xf32>, vector<1000x256xf32> -> vector<1000x256xf32>
    %get3A_49 = arith.constant 0 : index
    %get3A_50 = arith.constant 0 : index
    %get3A_51 = vector.load %arg8[%get3A_49, %get3A_50] : memref<1x256xf32, #tpu.memory_space<vmem>>, vector<1x256xf32>
    %add3A_52 = vector.broadcast %get3A_51 : vector<1x256xf32> to vector<1000x256xf32>
    %add3A_53 = arith.addf %dot_general3A_48, %add3A_52 : vector<1000x256xf32>
    %max3A_54 = arith.constant 0.000000e+00 : f32
    %max3A_55 = vector.broadcast %max3A_54 : f32 to vector<1000x256xf32>
    %max3A_56 = arith.maximumf %add3A_53, %max3A_55 : vector<1000x256xf32>
    %get3A_57 = arith.constant 0 : index
    %get3A_58 = arith.constant 0 : index
    %get3A_59 = vector.load %arg9[%get3A_57, %get3A_58] : memref<256x1xf32, #tpu.memory_space<vmem>>, vector<256x1xf32>
    %dot_general3A_60 = arith.constant dense<0.000000e+00> : vector<1000x1xf32>
    %dot_general3A_61 = tpu.matmul %max3A_56, %get3A_59, %dot_general3A_60 {dimension_numbers = #tpu.dot_dimension_numbers<[1], [0], [0], [1], [0, 0, 1, 1], [], []>, transpose_lhs_hint = false} : vector<1000x256xf32>, vector<256x1xf32>, vector<1000x1xf32> -> vector<1000x1xf32>
    %get3A_62 = arith.constant 0 : index
    %get3A_63 = arith.constant 0 : index
    %get3A_64 = vector.load %arg10[%get3A_62, %get3A_63] : memref<1x1xf32, #tpu.memory_space<vmem>>, vector<1x1xf32>
    %add3A_65 = vector.broadcast %get3A_64 : vector<1x1xf32> to vector<1000x1xf32>
    %add3A_66 = arith.addf %dot_general3A_61, %add3A_65 : vector<1000x1xf32>
    %swap3A = arith.constant 0 : index
    %swap3A_67 = arith.constant 0 : index
    %swap3A_68 = vector.load %arg11[%swap3A, %swap3A_67] : memref<1000x1xf32, #tpu.memory_space<vmem>>, vector<1000x1xf32>
    tpu.vector_store %arg11[%swap3A, %swap3A_67], %add3A_66 {strides = array<i32>} : memref<1000x1xf32, #tpu.memory_space<vmem>>, vector<1000x1xf32>,
    return
  }
  func.func @transform_0(%arg0: i32) -> (i32, i32, i32) {
    %c0_i32 = arith.constant 0 : i32
    %c0_i32_0 = arith.constant 0 : i32
    %c0_i32_1 = arith.constant 0 : i32
    return %c0_i32, %arg0, %c0_i32_0 : i32, i32, i32
  }
  func.func @transform_1(%arg0: i32) -> (i32, i32, i32) {
    %c0_i32 = arith.constant 0 : i32
    %c0_i32_0 = arith.constant 0 : i32
    %c0_i32_1 = arith.constant 0 : i32
    return %c0_i32, %arg0, %c0_i32_0 : i32, i32, i32
  }
  func.func @transform_2(%arg0: i32) -> (i32, i32) {
    %c0_i32 = arith.constant 0 : i32
    %c0_i32_0 = arith.constant 0 : i32
    %c0_i32_1 = arith.constant 0 : i32
    return %c0_i32, %c0_i32_0 : i32, i32
  }
  func.func @transform_3(%arg0: i32) -> (i32, i32) {
    %c0_i32 = arith.constant 0 : i32
    %c0_i32_0 = arith.constant 0 : i32
    %c0_i32_1 = arith.constant 0 : i32
    return %c0_i32, %c0_i32_0 : i32, i32
  }
  func.func @transform_4(%arg0: i32) -> (i32, i32) {
    %c0_i32 = arith.constant 0 : i32
    %c0_i32_0 = arith.constant 0 : i32
    %c0_i32_1 = arith.constant 0 : i32
    return %c0_i32, %c0_i32_0 : i32, i32
  }
  func.func @transform_5(%arg0: i32) -> (i32, i32) {
    %c0_i32 = arith.constant 0 : i32
    %c0_i32_0 = arith.constant 0 : i32
    %c0_i32_1 = arith.constant 0 : i32
    return %c0_i32, %c0_i32_0 : i32, i32
  }
  func.func @transform_6(%arg0: i32) -> (i32, i32) {
    %c0_i32 = arith.constant 0 : i32
    %c0_i32_0 = arith.constant 0 : i32
    %c0_i32_1 = arith.constant 0 : i32
    return %c0_i32, %c0_i32_0 : i32, i32
  }
  func.func @transform_7(%arg0: i32) -> (i32, i32) {
    %c0_i32 = arith.constant 0 : i32
    %c0_i32_0 = arith.constant 0 : i32
    %c0_i32_1 = arith.constant 0 : i32
    return %c0_i32, %c0_i32_0 : i32, i32
  }
  func.func @transform_8(%arg0: i32) -> (i32, i32) {
    %c0_i32 = arith.constant 0 : i32
    %c0_i32_0 = arith.constant 0 : i32
    %c0_i32_1 = arith.constant 0 : i32
    return %c0_i32, %c0_i32_0 : i32, i32
  }
  func.func @transform_9(%arg0: i32) -> (i32, i32) {
    %c0_i32 = arith.constant 0 : i32
    %c0_i32_0 = arith.constant 0 : i32
    %c0_i32_1 = arith.constant 0 : i32
    return %c0_i32, %c0_i32_0 : i32, i32
  }
  func.func @transform_10(%arg0: i32) -> (i32, i32) {
    %c0_i32 = arith.constant 0 : i32
    %c0_i32_0 = arith.constant 0 : i32
    return %arg0, %c0_i32 : i32, i32
  }
}

</mosaic_0001>

<sc_bundles>
// kernel: kernel.11.cloned.1.call-start
scs
__scs_entry_jumppad:
0x0: {  	(pc) =	sbr.rel $0x88, $3  }
0x1: {  	(tag) =	ssettag $0x0;
	lr =	simm.s32 $0x1  }
0x2: {  	[smem:$0x3F8F] =	sst lr;
	_ =	strace $0xD0000000  }
0x3: {  	_ = 	snop  }
0x4: {  	_ = 	snop  }
0x5: {  	_ = 	snop  }
0x6: {  	_ = 	snop  }
0x7: {  	_ = 	snop  }
__scs_overlays_trampoline_lowered:
0x8: {  	[smem:$0x3F9E] =	sst s0  }
0x9: {  	[smem:$0x3F9F] =	sst s1  }
0xa: {  	[smem:$0x3FA0] =	sst s2  }
0xb: {  	[smem:$0x3FA1] =	sst s3  }
0xc: {  	[smem:$0x3FA2] =	sst s4  }
0xd: {  	[smem:$0x3FA3] =	sst s5  }
0xe: {  	[smem:$0x3FA4] =	sst s6  }
0xf: {  	[smem:$0x3FA5] =	sst s7  }
0x10: {  	[smem:$0x3FA6] =	sst s8  }
0x11: {  	[smem:$0x3FA7] =	sst s9;
	s0 =	simm.s32 @!p0 $0x0  }
0x12: {  	s1 =	sld [smem:$0x3F8D];
	s0 =	simm.s32 @p0 $0x1  }
0x13: {  	[smem:$0x3FA8] =	sst s0;
	s0 =	simm.s32 @!p1 $0x0  }
0x14: {  	s2 =	sld [smem:$0x3F8C];
	s0 =	simm.s32 @p1 $0x1  }
0x15: {  	[smem:$0x3FA9] =	sst s0;
	s0 =	simm.s32 @!p2 $0x0  }
0x16: {  	s3 =	sld [smem:$0x3FDB];
	s0 =	simm.s32 @p2 $0x1  }
0x17: {  	s4 =	simm.s32 $0x1BF5;
	[smem:$0x3FAB] =	sst s0  }
0x18: {  	s0 =	sld [smem:$0x3F8E];
	_ =	swait.ge [sflag:s4], $0x0  }
0x19: {  	s7 =	sld [smem:$0x3F8F]  }
0x1a: {  	s8 =	sadd.s32 $0xFFFFE003, lr  }
0x1b: {  	s9 =	sadd.s32 $0xFFFFFEF7, lr;
	s5 =	simm.s32 $0xFFFFFFFF;
	p2 =	slt.u32 s8, $0xFFFFF086  }
0x1c: {  	p1 =	slt.u32 s9, $0xF7A;
	s5 =	simm.s32 @!p2 $0x0  }
0x1d: {  	s5 =	simm.s32 @p1 $0x1;
	p0 =	seq.s32 s7, s2  }
0x1e: {  	s7 =	smul.u32 @!p0 $0xF7A, s2;
	p2 =	seq.s32 @!p0 s5, $0x0  }
0x1f: {  	s9 =	smul.u32 $0xF7A, s1;
	s8 =	simm.s32 @!p0 $0x1BF5;
	p2 =	por !p2, p0  }
0x20: {  	[sflag:s8] =	ssyncset.s32 @!p0 $0xFFFFF086;
	s6 =	sadd.s32 @!p0 s3, s7;
	s7 =	simm.s32 @!p0 $0x108  }
0x21: {  	s3 =	sadd.s32 s3, s9;
	s6 =	sadd.s32 @!p0 $0x88, s6;
	s7 =	simm.s32 @p2 $0x1082  }
0x22: {  	[simem:s7], [sflag:s8] =	dma.local @!p0 [hbm:s6], $0xF7A  }
0x23: {  	s9 =	sor.u32 $0xD0000000, s2;
	s6 =	simm.s32 $0x108;
	_ =	swait.ge @!p0 [sflag:s8], $0x0  }
0x24: {  	s3 =	sadd.s32 $0x88, s3;
	s6 =	simm.s32 @!p1 $0x1082;
	[sflag:s4] =	ssyncset.s32 $0xFFFFF086  }
0x25: {  	[simem:s6], [sflag:s4] =	dma.local [hbm:s3], $0xF7A  }
0x26: {  	[smem:$0x3F8F] =	sst s1;
	(tag) =	ssettag s2;
	_ =	strace s9  }
0x27: {  	s1 =	sld [smem:$0x3F9F]  }
0x28: {  	s2 =	sld [smem:$0x3FA0]  }
0x29: {  	s4 =	sld [smem:$0x3FA2]  }
0x2a: {  	p0 =	seq.s32 s5, $0x0;
	s5 =	sld [smem:$0x3FA3]  }
0x2b: {  	s6 =	sld [smem:$0x3FA4]  }
0x2c: {  	s7 =	sld [smem:$0x3FA5]  }
0x2d: {  	s3 =	simm.s32 $0x108;
	s8 =	sld [smem:$0x3FA6]  }
0x2e: {  	s3 =	simm.s32 @!p0 $0x1082;
	s9 =	sld [smem:$0x3FA7]  }
0x2f: {  	lr =	sadd.s32 s0, s3;
	s0 =	sld [smem:$0x3F9E]  }
0x30: {  	s3 =	sld [smem:$0x3FA1]  }
0x31: {  	[smem:$0x3FAA] =	sst s10  }
0x32: {  	s10 =	sld [smem:$0x3FA8];
	_ =	sdelay $0x3  }
0x33: {  	p0 =	seq.s32 s10, $0x1;
	s10 =	sld [smem:$0x3FAA];
	_ =	sdelay $0x3  }
0x34: {  	[smem:$0x3FAA] =	sst s10  }
0x35: {  	s10 =	sld [smem:$0x3FA9];
	_ =	sdelay $0x3  }
0x36: {  	p1 =	seq.s32 s10, $0x1;
	s10 =	sld [smem:$0x3FAA];
	_ =	sdelay $0x3  }
0x37: {  	[smem:$0x3FAA] =	sst s10  }
0x38: {  	s10 =	sld [smem:$0x3FAB]  }
0x39: {  	_ = 	snop;
	(pc) =	sbr.ind lr, $3  }
0x3a: {  	_ = 	snop  }
0x3b: {  	_ = 	snop  }
0x3c: {  	p2 =	seq.s32 s10, $0x1;
	s10 =	sld [smem:$0x3FAA]  }
0x3d: {  	_ =	shalt  }
0x3e: {  	_ =	shalt  }
0x3f: {  	_ =	shalt  }
0x40: {  	_ =	shalt  }
0x41: {  	_ =	shalt  }
0x42: {  	_ =	shalt  }
0x43: {  	_ =	shalt  }
0x44: {  	_ =	shalt  }
0x45: {  	_ =	shalt  }
0x46: {  	_ =	shalt  }
0x47: {  	_ =	shalt  }
0x48: {  	_ =	shalt  }
0x49: {  	_ =	shalt  }
0x4a: {  	_ =	shalt  }
0x4b: {  	_ =	shalt  }
0x4c: {  	_ =	shalt  }
0x4d: {  	_ =	shalt  }
0x4e: {  	_ =	shalt  }
0x4f: {  	_ =	shalt  }
0x50: {  	_ =	shalt  }
0x51: {  	_ =	shalt  }
0x52: {  	_ =	shalt  }
0x53: {  	_ =	shalt  }
0x54: {  	_ =	shalt  }
0x55: {  	_ =	shalt  }
0x56: {  	_ =	shalt  }
0x57: {  	_ =	shalt  }
0x58: {  	_ =	shalt  }
0x59: {  	_ =	shalt  }
0x5a: {  	_ =	shalt  }
0x5b: {  	_ =	shalt  }
0x5c: {  	_ =	shalt  }
0x5d: {  	_ =	shalt  }
0x5e: {  	_ =	shalt  }
0x5f: {  	_ =	shalt  }
0x60: {  	_ =	shalt  }
0x61: {  	_ =	shalt  }
0x62: {  	_ =	shalt  }
0x63: {  	_ =	shalt  }
0x64: {  	_ =	shalt  }
0x65: {  	_ =	shalt  }
0x66: {  	_ =	shalt  }
0x67: {  	_ =	shalt  }
0x68: {  	_ =	shalt  }
0x69: {  	_ =	shalt  }
0x6a: {  	_ =	shalt  }
0x6b: {  	_ =	shalt  }
0x6c: {  	_ =	shalt  }
0x6d: {  	_ =	shalt  }
0x6e: {  	_ =	shalt  }
0x6f: {  	_ =	shalt  }
0x70: {  	_ =	shalt  }
0x71: {  	_ =	shalt  }
0x72: {  	_ =	shalt  }
0x73: {  	_ =	shalt  }
0x74: {  	_ =	shalt  }
0x75: {  	_ =	shalt  }
0x76: {  	_ =	shalt  }
0x77: {  	_ =	shalt  }
0x78: {  	_ =	shalt  }
0x79: {  	_ =	shalt  }
0x7a: {  	_ =	shalt  }
0x7b: {  	_ =	shalt  }
0x7c: {  	_ =	shalt  }
0x7d: {  	_ =	shalt  }
0x7e: {  	_ =	shalt  }
0x7f: {  	_ =	shalt  }
0x80: {  	_ =	shalt  }
0x81: {  	_ =	shalt  }
0x82: {  	_ =	shalt  }
0x83: {  	_ =	shalt  }
0x84: {  	_ =	shalt  }
0x85: {  	_ =	shalt  }
0x86: {  	_ =	shalt  }
0x87: {  	_ =	shalt  }
.Lfunc_end0:
.L_simem_size_0:
called_computation.1_lowered:
.L_overlay_start_0:
0x88: {  	s2 =	sld [smem:$0x3FD9]  }
0x89: {  	s3 =	sld [smem:$0x3FFE];
	_ =	sdelay $0x1  }
0x8a: {  	s1 =	srdreg.scid  }
0x8b: {  	s0 =	sand.u32 $0x1, s1  }
0x8c: {  	s16 =	sshll.u32 s0, $0xA;
	s2 =	sadd.s32 s3, s2  }
0x8d: {  	s2 =	sadd.s32 s2, s16  }
0x8e: {  	[smem:$0x3FB6] =	sst s2  }
0x8f: {  	_ = 	snop  }
0x90: {  	(tm) =	ssettm $0x1  }
0x91: {  	s17 =	sld [smem:$0x3FFB];
	_ =	sdelay $0x3  }
0x92: {  	_ =	strace s17  }
0x93: {  	s2 =	sld [smem:$0x3FFC];
	_ =	sdelay $0x3  }
0x94: {  	_ =	strace s2  }
0x95: {  	s2 =	sld [smem:$0x3FFD];
	_ =	sdelay $0x3  }
0x96: {  	_ =	strace s2  }
0x97: {  	_ =	strace $0x8FFFFFFF  }
0x98: {  	s18 =	sld [smem:$0x3FDB];
	_ =	sdelay $0x1  }
0x99: {  	s19 =	simm.s32 $_scs_section_size  }
0x9a: {  	s4 =	simm.s32 $_size__tile_overlayer_lowered;
	s5 =	simm.s32 $_tile_overlayer_lowered  }
0x9b: {  	s22 =	simm.s32 $0x1BFF;
	s21 =	sshll.u32 s5, $0x1;
	s2 =	sadd.s32 s19, s18  }
0x9c: {  	s6 =	simm.s32 $0x0;
	s20 =	sshll.u32 s4, $0x1;
	s4 =	sadd.s32 s21, s2  }
0x9d: {  	[timem:s6], [sflag:s22] =	dma.local [hbm:s4], s20  }
0x9e: {  	_ =	swait.ge [sflag:s22], s20  }
0x9f: {  	s3 =	ssub.s32 $0x0, s20;
	[sflag:s22] =	ssyncset.done $0x0  }
0xa0: {  	[sflag:s22] =	ssyncadd.s32 s3;
	_ =	sdelay $0x1  }
0xa1: {  	s23 =	simm.s32 $0x1B8B  }
0xa2: {  	_ =	swait.ge [sflag:s23], $0x1  }
0xa3: {  	[sflag:s23] =	ssyncset.done $0x0  }
0xa4: {  	s25 =	simm.s32 $0x1B8E;
	s24 =	sld [smem:$0x3FFE];
	[sflag:s23] =	ssyncadd.s32 $0xFFFFFFFF  }
0xa5: {  	s26 =	simm.s32 $execute0_lowered;
	[smem:$0x3FD2] =	sst s25  }
0xa6: {  	s4 =	sshll.u32 s26, $0x1;
	_ =	strace $0x80000049;
	[dreg:$0x1] =	wrdreg $0xFFFFFFFF  }
0xa7: {  	s28 =	simm.s32 $_size_execute0_lowered;
	s2 =	sadd.s32 s2, s4;
	[dreg:$0x0] =	wrdreg $0x0  }
0xa8: {  	s4 =	sshll.u32 s28, $0x1;
	[dreg:$0x2] =	wrdreg s2  }
0xa9: {  	[dreg:$0x3] =	wrdreg s4  }
0xaa: {  	[dreg:$0x4] =	wrdreg $0xC0  }
0xab: {  	_ =	task [dreg:s6], $0x5FFFF  }
0xac: {  	[dreg:$0x1] =	wrdreg $0xFFFFFFFF  }
0xad: {  	[dreg:$0x0] =	wrdreg $0x60  }
0xae: {  	[dreg:$0x2] =	wrdreg s24  }
0xaf: {  	[dreg:$0x3] =	wrdreg $0x0  }
0xb0: {  	[dreg:$0x4] =	wrdreg $0x9  }
0xb1: {  	_ =	task.clear_ibuf [dreg:s6], $0x5FFFF;
	_ =	strace $0x90000049  }
0xb2: {  	s29 =	simm.s32 $0x9;
	_ =	strace $0x8000004B  }
0xb3: {  	_ =	swait.ge [sflag:s29], $0x1  }
0xb4: {  	[sflag:s29] =	ssyncadd.s32 $0xFFFFFFFF  }
0xb5: {  	_ =	strace $0x9000004B  }
0xb6: {  	_ =	sfence  }
0xb7: {  	s30 =	sld [smem:$0x0];
	_ =	sdelay $0x2  }
0xb8: {  	s31 =	sshll.u32 s1, $0xD;
	s1 =	sshrl.u32 s1, $0x2  }
0xb9: {  	s3 =	sand.u32 $0x4000, s31;
	s1 =	sadd.s32 s1, s30  }
0xba: {  	s0 =	sor.u32 s3, s0;
	s1 =	sshll.u32 s1, $0x11  }
0xbb: {  	s0 =	sor.u32 s1, s0  }
0xbc: {  	s0 =	sadd.s32 $0x8F2B, s0  }
0xbd: {  	[sflag:s0] =	ssyncadd.remote.s32 $0x1  }
0xbe: {  	_ =	sfence.sel $0xFFFF  }
0xbf: {  	[dreg:$0x0] =	wrdreg $0xFFFFFFFF;
	(pc) =	sbr.abs _section_cstart, $3  }
0xc0: {  	[dreg:$0x1] =	wrdreg $0xFFFFFFFF  }
0xc1: {  	_ =	task.clear_ibuf [dreg:s6], $0x2FFFF;
	_ =	strace $0x9FFFFFFF  }
0xc2: {  	(tm) =	ssettm $0x7FFFFFFF  }
0xc3: {  	_ =	shalt  }
tec
execute0_lowered:
.L_overlay_start_1:
0x0: {  	(tag) =	ssettag $0x1  }
0x1: {  	s0 =	rddreg [dreg:$0x0]  }
0x2: {  	s1 =	rddreg [dreg:$0x1];
	s2 =	simm.s32 $0x0  }
0x3: {  	s3 =	srdreg.scid;
	s7 =	stileid.u32;
	s15 =	simm.s32 $0x6  }
0x4: {  	s19 =	simm.s32 $0x5;
	s20 =	simm.s32 $0x80;
	s21 =	simm.s32 $0x148C0  }
0x5: {  	s22 =	simm.s32 $0x1;
	s23 =	simm.s32 $0x188C0;
	s28 =	simm.s32 $0x0  }
0x6: {  	[smem:$0x7FF] =	sst s2;
	s5 =	sand.u32 $0x1, s3;
	s8 =	smul.u32 $0x4E000, s7  }
0x7: {  	s3 =	sadd.s32 $0xCC00, s0;
	s4 =	sadd.s32 $0x2C00, s0;
	s10 =	smul.u32 $0x2700, s7  }
0x8: {  	s26 =	sshll.u32 s7, $0x6;
	s29 =	smul.u32 $0xA00, s7;
	s11 =	sadd.s32 $0x138000, s1  }
0x9: {  	s12 =	sshll.u32 s7, $0x1;
	p1 =	sne.s32 s7, $0x0;
	s6 =	smul.u32 $0x27100, s5  }
0xa: {  	_ =	strace $0x8000004A;
	s5 =	ssub.s32 $0x2, s5;
	[dreg:$0x3] =	wrdreg s12  }
0xb: {  	s16 =	sshrl.u32 @!p1 s11, $0x3;
	s24 =	sshrl.u32 s5, $0x1;
	s8 =	sshrl.u32 s8, $0x2  }
0xc: {  	[dreg:$0x4] =	wrdreg s10;
	s30 =	sadd.s32 s3, s29;
	s0 =	sadd.s32 s6, s0  }
0xd: {  	s5 =	ssub.s32 s5, s24;
	s9 =	sadd.s32 s8, s1;
	s8 =	sor.u32 $0x1C06, s26  }
0xe: {  	[dreg:$0x7] =	wrdreg s30;
	s24 =	simm.s32 $0x3;
	s13 =	sadd.s32 $0x3DC00, s0  }
0xf: {  	s6 =	sadd.s32 $0x16C00, s0;
	s31 =	smax.u32 s5, $0x1;
	[dreg:$0x6] =	wrdreg s13  }
0x10: {  	s12 =	sadd.s32 $0x64E00, s0;
	s25 =	sadd.s32 s10, s6;
	[dreg:$0x9] =	wrdreg s31  }
0x11: {  	s0 =	simm.s32 @!p1 $0x0;
	s10 =	sadd.s32 s4, s29;
	[dreg:$0x5] =	wrdreg s25  }
0x12: {  	s26 =	simm.s32 $0x4;
	s0 =	simm.s32 @p1 $0x1;
	[dreg:$0x8] =	wrdreg s10  }
0x13: {  	s14 =	sshrl.u32 s9, $0x3;
	s25 =	simm.s32 $0x2;
	[smem:$0x7FD] =	sst s0  }
.LBB2_1:
0x14: {  	s0 =	rddreg [dreg:$0x5]  }
0x15: {  	[spmem:s14], [sflag:s8] =	dma.local [hbm:s0], $0x2700  }
0x16: {  	_ =	swait.ge [sflag:s15], $0x2700  }
0x17: {  	[sflag:s15] =	ssyncset.done $0x0  }
0x18: {  	s0 =	rddreg [dreg:$0x6];
	[sflag:s15] =	ssyncadd.s32 $0xFFFFD900  }
0x19: {  	[spmem:s16], [sflag:s8] =	dma.local @!p1 [hbm:s0], $0x100  }
0x1a: {  	s0 =	simm.s32 @!p1 $0x6  }
0x1b: {  	_ =	swait.ge @!p1 [sflag:s0], $0x100  }
0x1c: {  	[sflag:s0] =	ssyncset.done @!p1 $0x0  }
0x1d: {  	[sflag:s0] =	ssyncadd.s32 @!p1 $0xFFFFFF00  }
0x1e: {  	[bflag:$0x0] =	sbarrier.arrive $0xFFFF  }
0x1f: {  	s5 =	simm.s32 $0x138C0;
	s17 =	rddreg [dreg:$0x7]  }
0x20: {  	[tilespmem:s5], [sflag:$0x5] =	stream.linear.gather [hbm4b:s17+s2], $0x400, $0x38;
	[tilespmem:$0x1C8C0] =	vst v63  }
0x21: {  	s7 =	simm.s32 $0x140C0;
	s18 =	rddreg [dreg:$0x8]  }
0x22: {  	[tilespmem:s7], [sflag:$0x5] =	stream.linear.gather [hbm4b:s18+s2], $0x400, $0x38;
	[tilespmem:$0x1C8C0] =	vst v63  }
0x23: {  	s9 =	sand.u32 $0x3, s2;
	_ =	swait.ge [sflag:s19], $0x400  }
0x24: {  	p1 =	sne.s32 s9, $0x0;
	[sflag:s19] =	ssyncset.done $0x0  }
0x25: {  	p2 =	por @!p1 $0x0, $0x0;
	[sflag:s19] =	ssyncadd.s32 $0xFFFFFC00  }
0x26: {  	p0 =	por p2, p1;
	_ =	swait.ge [sflag:s19], $0x400  }
0x27: {  	p3 =	por @!p0 $0x0, $0x0;
	[sflag:s19] =	ssyncset.done $0x0  }
0x28: {  	p2 =	por @!p1 !p3, p2;
	[sflag:s19] =	ssyncadd.s32 $0xFFFFFC00  }
0x29: {  	[tilespmem:s21], [sflag:$0x1] =	stream.indirect.gather [hbm4b:s6+s20], $0x80, s5, s20, $0xb8;
	[tilespmem:$0x1C8C0] =	vst v63  }
0x2a: {  	p1 =	por !p2, p1;
	s5 =	simm.s32 @!p0 $0x1  }
0x2b: {  	s0 =	rddreg [dreg:$0x3];
	s5 =	simm.s32 @!p1 $0x0  }
0x2c: {  	s0 =	sor.u32 @!p0 s5, s0  }
0x2d: {  	s5 =	simm.s32 @!p0 $0xFFFFFB00;
	s0 =	smul.u32 @!p0 $0x500, s0  }
0x2e: {  	s11 =	simm.s32 @!p0 $0x0;
	s7 =	simm.s32 @!p0 $0x400;
	s5 =	simm.s32 @!p1 $0x0  }
0x2f: {  	s7 =	sand.u32 @!p0 $0x400, s7;
	s5 =	sadd.s32 @!p0 $0x80, s5;
	s10 =	sadd.s32 @!p0 s3, s0  }
0x30: {  	s9 =	sor.u32 @!p0 $0x138C0, s7;
	s0 =	sadd.s32 @!p0 s4, s0;
	s10 =	sadd.s32 @!p0 s5, s10  }
0x31: {  	[tilespmem:s9], [sflag:$0x5] =	stream.linear.gather @!p0 [hbm4b:s10+s11], $0x400, $0x38;
	[tilespmem:$0x1C8C0] =	vst v63  }
0x32: {  	s7 =	sor.u32 @!p0 $0x140C0, s7;
	s0 =	sadd.s32 @!p0 s5, s0  }
0x33: {  	[tilespmem:s7], [sflag:$0x5] =	stream.linear.gather @!p0 [hbm4b:s0+s11], $0x400, $0x38;
	[tilespmem:$0x1C8C0] =	vst v63  }
0x34: {  	s10 =	simm.s32 $0x0;
	_ =	swait.ge [sflag:s22], $0x4000  }
0x35: {  	s11 =	sand.u32 $0x700, s2;
	s0 =	sand.u32 $0x1C00, s10;
	[sflag:s22] =	ssyncset.done $0x0  }
0x36: {  	s13 =	sadd.s32 $0x13940, s11;
	s0 =	sshrl.u32 s0, $0x2;
	[sflag:s22] =	ssyncadd.s32 $0xFFFFC000  }
0x37: {  	[tilespmem:s23], [sflag:$0x2] =	stream.indirect.gather [hbm4b:s6+s20], $0x80, s13, s20, $0xb8;
	[tilespmem:$0x1C8C0] =	vst v63  }
0x38: {  	s29 =	simm.s32 $0x800;
	s0 =	sor.u32 $0x140C0, s0  }
0x39: {  	[spmem:s1] =	stream.indirect.scatter.add.f32 [tilespmem:s21], [sflag:$0x3], $0x80, s0, s20, $0xb8;
	[tilespmem:$0x1C8C0] =	vst v63  }
0x3a: {  	s31 =	simm.s32 $0x100;
	s30 =	simm.s32 $0x2;
	_ =	swait.ge [sflag:s24], $0x4000  }
0x3b: {  	p3 =	por $0x0, $0x0;
	s18 =	simm.s32 $0x1;
	[sflag:s24] =	ssyncset.done $0x0  }
0x3c: {  	s17 =	sand.u32 $0x3, s18;
	s5 =	sand.u32 @!p3 $0x6, s25;
	[sflag:s24] =	ssyncadd.s32 $0xFFFFC000  }
0x3d: {  	p5 =	sne.s32 s17, $0x0;
	p0 =	sne.s32 @!p3 s5, $0x0;
	_ =	swait.ge [sflag:s25], $0x4000  }
0x3e: {  	s17 =	simm.s32 @!p3 $0x148C0;
	p4 =	por p0, p3;
	[sflag:s25] =	ssyncset.done $0x0  }
0x3f: {  	s7 =	sor.u32 $0x80, s11;
	s11 =	simm.s32 @!p4 $0x5;
	[sflag:s25] =	ssyncadd.s32 $0xFFFFC000  }
0x40: {  	p6 =	por @!p5 $0x0, $0x0;
	s9 =	simm.s32 $0x400;
	_ =	swait.ge @!p4 [sflag:s11], $0x400  }
0x41: {  	p2 =	por p6, p5;
	s9 =	sand.u32 @!p3 $0x1C00, s9;
	[sflag:s11] =	ssyncset.done @!p4 $0x0  }
0x42: {  	s5 =	sshrl.u32 @!p3 s9, $0x2;
	s10 =	simm.s32 @!p2 $0x0;
	[sflag:s11] =	ssyncadd.s32 @!p4 $0xFFFFFC00  }
0x43: {  	s5 =	sor.u32 @!p3 $0x138C0, s5;
	p0 =	por @!p2 $0x0, $0x0;
	_ =	swait.ge @!p4 [sflag:s11], $0x400  }
0x44: {  	s13 =	simm.s32 @!p3 $0x80;
	s0 =	simm.s32 $0xC00;
	[sflag:s11] =	ssyncset.done @!p4 $0x0  }
.LBB2_2:
0x45: {  	[sflag:s11] =	ssyncadd.s32 @!p4 $0xFFFFFC00  }
0x46: {  	[tilespmem:s17], [sflag:$0x1] =	stream.indirect.gather @!p3 [hbm4b:s6+s13], $0x80, s5, s13, $0xb8;
	[tilespmem:$0x1C8C0] =	vst v63  }
0x47: {  	p0 =	por @!p5 !p0, p6;
	s7 =	sadd.s32 $0x140C0, s7  }
0x48: {  	[spmem:s1] =	stream.indirect.scatter.add.f32 [tilespmem:s23], [sflag:$0x4], $0x80, s7, s20, $0xb8;
	[tilespmem:$0x1C8C0] =	vst v63  }
0x49: {  	p0 =	por !p0, p5;
	s5 =	simm.s32 @!p2 $0x1;
	_ =	swait.ge [sflag:s26], $0x4000  }
0x4a: {  	s10 =	sadd.s32 @!p2 $0x1, s10;
	s5 =	simm.s32 @!p0 $0x0;
	s7 =	rddreg [dreg:$0x3]  }
0x4b: {  	s11 =	simm.s32 @!p2 $0xFFFFFB00;
	s13 =	sshll.u32 @!p2 s10, $0xA;
	s5 =	sor.u32 @!p2 s5, s7  }
0x4c: {  	s17 =	simm.s32 @!p2 $0x0;
	[sflag:s26] =	ssyncset.done $0x0;
	s5 =	smul.u32 @!p2 $0x500, s5  }
0x4d: {  	s11 =	simm.s32 @!p0 $0x0;
	[sflag:s26] =	ssyncadd.s32 $0xFFFFC000;
	s7 =	sshll.u32 @!p2 s10, $0x7  }
0x4e: {  	s10 =	sand.u32 @!p2 $0x400, s13;
	s7 =	sadd.s32 @!p2 s11, s7;
	s13 =	sadd.s32 @!p2 s3, s5  }
0x4f: {  	s11 =	sor.u32 @!p2 $0x138C0, s10;
	s5 =	sadd.s32 @!p2 s4, s5;
	s13 =	sadd.s32 @!p2 s7, s13  }
0x50: {  	[tilespmem:s11], [sflag:$0x5] =	stream.linear.gather @!p2 [hbm4b:s13+s17], $0x400, $0x38;
	[tilespmem:$0x1C8C0] =	vst v63  }
0x51: {  	s10 =	sor.u32 @!p2 $0x140C0, s10;
	s5 =	sadd.s32 @!p2 s7, s5  }
0x52: {  	[tilespmem:s10], [sflag:$0x5] =	stream.linear.gather @!p2 [hbm4b:s5+s17], $0x400, $0x38;
	[tilespmem:$0x1C8C0] =	vst v63  }
0x53: {  	s30 =	sadd.s32 $0x2, s30;
	s13 =	sadd.s32 $0xFFFFFC00, s29;
	_ =	swait.ge [sflag:s22], $0x4000  }
0x54: {  	s11 =	sand.u32 $0x700, s31;
	s17 =	sand.u32 $0x1C00, s13;
	[sflag:s22] =	ssyncset.done $0x0  }
0x55: {  	s10 =	sadd.s32 $0x13940, s11;
	s13 =	sshrl.u32 s17, $0x2;
	[sflag:s22] =	ssyncadd.s32 $0xFFFFC000  }
0x56: {  	[tilespmem:s23], [sflag:$0x2] =	stream.indirect.gather [hbm4b:s6+s20], $0x80, s10, s20, $0xb8;
	[tilespmem:$0x1C8C0] =	vst v63  }
0x57: {  	s9 =	smov.u32 s0;
	s0 =	sadd.s32 $0x400, s0;
	s5 =	sor.u32 $0x140C0, s13  }
0x58: {  	[spmem:s1] =	stream.indirect.scatter.add.f32 [tilespmem:s21], [sflag:$0x3], $0x80, s5, s20, $0xb8;
	[tilespmem:$0x1C8C0] =	vst v63  }
0x59: {  	s18 =	sadd.s32 $0x1, s18;
	p1 =	sne.s32 s0, $0x14400;
	_ =	swait.ge [sflag:s24], $0x4000  }
0x5a: {  	p3 =	seq.s32 s29, $0x14000;
	s31 =	sadd.s32 $0x100, s31;
	[sflag:s24] =	ssyncset.done $0x0  }
0x5b: {  	s7 =	sor.u32 $0x80, s11;
	s5 =	sand.u32 @!p3 $0x6, s30;
	[sflag:s24] =	ssyncadd.s32 $0xFFFFC000  }
0x5c: {  	s17 =	sand.u32 $0x3, s18;
	p0 =	sne.s32 @!p3 s5, $0x0;
	_ =	swait.ge [sflag:s25], $0x4000  }
0x5d: {  	p5 =	sne.s32 s17, $0x0;
	p4 =	por p0, p3;
	[sflag:s25] =	ssyncset.done $0x0  }
0x5e: {  	s17 =	simm.s32 @!p3 $0x148C0;
	s11 =	simm.s32 @!p4 $0x5;
	[sflag:s25] =	ssyncadd.s32 $0xFFFFC000  }
.Ltmp0:
0x5f: {  	s13 =	simm.s32 @!p3 $0x80;
	_ =	swait.ge @!p4 [sflag:s11], $0x400;
	(pc) =	sbr.rel @p1 .LBB2_2-.Ltmp0, $4  }
0x60: {  	p6 =	sgt.u32 @!p5 s18, $0x4B;
	s10 =	sand.u32 @!p3 $0x1C00, s29;
	[sflag:s11] =	ssyncset.done @!p4 $0x0  }
0x61: {  	s29 =	smov.u32 s9;
	p2 =	por p6, p5;
	[sflag:s11] =	ssyncadd.s32 @!p4 $0xFFFFFC00  }
0x62: {  	s5 =	sshrl.u32 @!p3 s10, $0x2;
	s10 =	sshrl.u32 @!p2 s18, $0x2;
	_ =	swait.ge @!p4 [sflag:s11], $0x400  }
0x63: {  	s5 =	sor.u32 @!p3 $0x138C0, s5;
	p0 =	sgt.u32 @!p2 s18, $0x20;
	[sflag:s11] =	ssyncset.done @!p4 $0x0  }
0x64: {  	[sflag:s11] =	ssyncadd.s32 @!p4 $0xFFFFFC00  }
0x65: {  	[tilespmem:s17], [sflag:$0x1] =	stream.indirect.gather @!p3 [hbm4b:s6+s13], $0x80, s5, s13, $0xb8;
	[tilespmem:$0x1C8C0] =	vst v63  }
0x66: {  	s0 =	sadd.s32 $0x140C0, s7;
	p0 =	por @!p5 !p0, p6  }
0x67: {  	[spmem:s1] =	stream.indirect.scatter.add.f32 [tilespmem:s23], [sflag:$0x4], $0x80, s0, s20, $0xb8;
	[tilespmem:$0x1C8C0] =	vst v63  }
0x68: {  	p0 =	por !p0, p5;
	s5 =	simm.s32 @!p2 $0x1;
	_ =	swait.ge [sflag:s26], $0x4000  }
0x69: {  	s7 =	simm.s32 @!p2 $0xFFFFFB00;
	s5 =	simm.s32 @!p0 $0x0;
	s0 =	rddreg [dreg:$0x3]  }
0x6a: {  	s11 =	simm.s32 @!p2 $0x0;
	s7 =	simm.s32 @!p0 $0x0;
	s0 =	sor.u32 @!p2 s5, s0  }
0x6b: {  	[sflag:s26] =	ssyncset.done $0x0;
	s5 =	sadd.s32 @!p2 $0x1, s10;
	s0 =	smul.u32 @!p2 $0x500, s0  }
0x6c: {  	[sflag:s26] =	ssyncadd.s32 $0xFFFFC000;
	s9 =	sshll.u32 @!p2 s5, $0xA;
	s5 =	sshll.u32 @!p2 s5, $0x7  }
0x6d: {  	s5 =	sadd.s32 @!p2 s7, s5;
	s7 =	sand.u32 @!p2 $0x400, s9;
	s9 =	sadd.s32 @!p2 s3, s0  }
0x6e: {  	s10 =	sor.u32 @!p2 $0x138C0, s7;
	s0 =	sadd.s32 @!p2 s4, s0;
	s9 =	sadd.s32 @!p2 s5, s9  }
0x6f: {  	[tilespmem:s10], [sflag:$0x5] =	stream.linear.gather @!p2 [hbm4b:s9+s11], $0x400, $0x38;
	[tilespmem:$0x1C8C0] =	vst v63  }
0x70: {  	s0 =	sadd.s32 @!p2 s5, s0;
	s5 =	sor.u32 @!p2 $0x140C0, s7  }
0x71: {  	[tilespmem:s5], [sflag:$0x5] =	stream.linear.gather @!p2 [hbm4b:s0+s11], $0x400, $0x38;
	[tilespmem:$0x1C8C0] =	vst v63  }
0x72: {  	s18 =	sadd.s32 $0xFFFFFC00, s29;
	_ =	swait.ge [sflag:s22], $0x4000  }
0x73: {  	s13 =	sand.u32 $0x700, s31;
	s5 =	sand.u32 $0x1C00, s18;
	[sflag:s22] =	ssyncset.done $0x0  }
0x74: {  	s17 =	sadd.s32 $0x13940, s13;
	s5 =	sshrl.u32 s5, $0x2;
	[sflag:s22] =	ssyncadd.s32 $0xFFFFC000  }
0x75: {  	[tilespmem:s23], [sflag:$0x2] =	stream.indirect.gather [hbm4b:s6+s20], $0x80, s17, s20, $0xb8;
	[tilespmem:$0x1C8C0] =	vst v63  }
0x76: {  	s5 =	sor.u32 $0x140C0, s5  }
0x77: {  	[spmem:s1] =	stream.indirect.scatter.add.f32 [tilespmem:s21], [sflag:$0x3], $0x80, s5, s20, $0xb8;
	[tilespmem:$0x1C8C0] =	vst v63  }
0x78: {  	_ =	swait.ge [sflag:s24], $0x4000  }
0x79: {  	p0 =	seq.s32 s29, $0x14000;
	s5 =	sadd.s32 $0x2, s30;
	[sflag:s24] =	ssyncset.done $0x0  }
0x7a: {  	s5 =	sand.u32 @!p0 $0x6, s5;
	[sflag:s24] =	ssyncadd.s32 $0xFFFFC000  }
0x7b: {  	p1 =	sne.s32 @!p0 s5, $0x0;
	_ =	swait.ge [sflag:s25], $0x4000  }
0x7c: {  	p1 =	por p1, p0;
	[sflag:s25] =	ssyncset.done $0x0  }
0x7d: {  	s5 =	simm.s32 @!p1 $0x5;
	[sflag:s25] =	ssyncadd.s32 $0xFFFFC000  }
0x7e: {  	_ =	swait.ge @!p1 [sflag:s5], $0x400  }
0x7f: {  	[sflag:s5] =	ssyncset.done @!p1 $0x0  }
0x80: {  	s7 =	sand.u32 @!p0 $0x1C00, s29;
	[sflag:s5] =	ssyncadd.s32 @!p1 $0xFFFFFC00  }
0x81: {  	s7 =	sshrl.u32 @!p0 s7, $0x2;
	_ =	swait.ge @!p1 [sflag:s5], $0x400  }
0x82: {  	s9 =	simm.s32 @!p0 $0x148C0;
	s7 =	sor.u32 @!p0 $0x138C0, s7;
	[sflag:s5] =	ssyncset.done @!p1 $0x0  }
0x83: {  	s0 =	sor.u32 $0x80, s13;
	[sflag:s5] =	ssyncadd.s32 @!p1 $0xFFFFFC00;
	s5 =	simm.s32 @!p0 $0x80  }
0x84: {  	[tilespmem:s9], [sflag:$0x1] =	stream.indirect.gather @!p0 [hbm4b:s6+s5], $0x80, s7, s5, $0xb8;
	[tilespmem:$0x1C8C0] =	vst v63  }
0x85: {  	s0 =	sadd.s32 $0x140C0, s0  }
0x86: {  	[spmem:s1] =	stream.indirect.scatter.add.f32 [tilespmem:s23], [sflag:$0x4], $0x80, s0, s20, $0xb8;
	[tilespmem:$0x1C8C0] =	vst v63  }
0x87: {  	_ =	swait.ge [sflag:s26], $0x4000  }
0x88: {  	[sflag:s26] =	ssyncset.done $0x0  }
0x89: {  	[sflag:s26] =	ssyncadd.s32 $0xFFFFC000  }
0x8a: {  	[bflag:$0x0] =	sbarrier.arrive $0xFFFF  }
0x8b: {  	s29 =	rddreg [dreg:$0x4]  }
0x8c: {  	s0 =	sadd.s32 s29, s12  }
0x8d: {  	[hbm:s0], [sflag:s8] =	dma.local [spmem:s14], $0x2700  }
0x8e: {  	_ =	swait.ge [sflag:s15], $0x2700  }
0x8f: {  	s30 =	sld [smem:$0x7FD];
	_ =	sdelay $0x2  }
0x90: {  	[sflag:s15] =	ssyncset.done $0x0;
	p1 =	seq.s32 s30, $0x1  }
0x91: {  	[sflag:s15] =	ssyncadd.s32 $0xFFFFD900;
	s0 =	sadd.s32 @!p1 $0x27000, s12  }
0x92: {  	[hbm:s0], [sflag:s8] =	dma.local @!p1 [spmem:s16], $0x100  }
0x93: {  	s0 =	simm.s32 @!p1 $0x6  }
0x94: {  	_ =	swait.ge @!p1 [sflag:s0], $0x100  }
0x95: {  	s28 =	sadd.s32 $0x1, s28;
	s31 =	rddreg [dreg:$0x9]  }
0x96: {  	p0 =	sne.s32 s28, s31  }
.Ltmp1:
0x97: {  	_ = 	snop;
	(pc) =	sbr.rel @p0 .LBB2_1-.Ltmp1, $3  }
0x98: {  	_ =	sdelay $0x1  }
0x99: {  	[sflag:s0] =	ssyncset.done @!p1 $0x0  }
0x9a: {  	[sflag:s0] =	ssyncadd.s32 @!p1 $0xFFFFFF00  }
0x9b: {  	_ =	sfence.sel $0x180000  }
0x9c: {  	[bflag:$0x0] =	sbarrier.arrive $0xFFFF  }
0x9d: {  	_ =	strace $0x9000004A  }
0x9e: {  	[bflag:$0x2] =	sbarrier.arrive $0xFFFF  }
0x9f: {  	s0 =	rddreg [dreg:$0x2]  }
0xa0: {  	s0 =	sadd.s32 @!p1 $0x100000, s0  }
0xa1: {  	[sflag:s0] =	ssyncadd.tile.s32 @!p1 $0x1;
	_ =	shalt  }
.Lfunc_end2:
_tile_overlayer_lowered:
.L_overlay_start_2:
0xa2: {  	(tag) =	ssettag $0x2  }
0xa3: {  	s0 =	rddreg [dreg:$0x0];
	s2 =	stileid.u32  }
0xa4: {  	s1 =	rddreg [dreg:$0x1];
	p0 =	sne.s32 s2, $0x0  }
0xa5: {  	s3 =	rddreg [dreg:$0x2];
	[bflag:$0x3] =	sbarrier.arrive $0xFFFF;
	s2 =	simm.s32 @!p0 $0x1C06  }
0xa6: {  	[timem:s3], [sflag:s2] =	dma.local @!p0 [hbm:s0], s1  }
0xa7: {  	s0 =	simm.s32 @!p0 $0x6  }
0xa8: {  	_ =	swait.ge @!p0 [sflag:s0], s1  }
0xa9: {  	s1 =	ssub.s32 @!p0 $0x0, s1;
	[sflag:s0] =	ssyncset.done @!p0 $0x0  }
0xaa: {  	[sflag:s0] =	ssyncadd.s32 @!p0 s1  }
0xab: {  	[bflag:$0x3] =	sbarrier.arrive $0xFFFF  }
0xac: {  	_ =	shalt  }

// kernel: kernel.14.cloned.1.call-start
scs
__scs_entry_jumppad:
0x0: {  	(pc) =	sbr.rel $0x88, $3  }
0x1: {  	(tag) =	ssettag $0x0;
	lr =	simm.s32 $0x1  }
0x2: {  	[smem:$0x3F8F] =	sst lr;
	_ =	strace $0xD0000000  }
0x3: {  	_ = 	snop  }
0x4: {  	_ = 	snop  }
0x5: {  	_ = 	snop  }
0x6: {  	_ = 	snop  }
0x7: {  	_ = 	snop  }
__scs_overlays_trampoline_lowered:
0x8: {  	[smem:$0x3F9E] =	sst s0  }
0x9: {  	[smem:$0x3F9F] =	sst s1  }
0xa: {  	[smem:$0x3FA0] =	sst s2  }
0xb: {  	[smem:$0x3FA1] =	sst s3  }
0xc: {  	[smem:$0x3FA2] =	sst s4  }
0xd: {  	[smem:$0x3FA3] =	sst s5  }
0xe: {  	[smem:$0x3FA4] =	sst s6  }
0xf: {  	[smem:$0x3FA5] =	sst s7  }
0x10: {  	[smem:$0x3FA6] =	sst s8  }
0x11: {  	[smem:$0x3FA7] =	sst s9;
	s0 =	simm.s32 @!p0 $0x0  }
0x12: {  	s1 =	sld [smem:$0x3F8D];
	s0 =	simm.s32 @p0 $0x1  }
0x13: {  	[smem:$0x3FA8] =	sst s0;
	s0 =	simm.s32 @!p1 $0x0  }
0x14: {  	s2 =	sld [smem:$0x3F8C];
	s0 =	simm.s32 @p1 $0x1  }
0x15: {  	[smem:$0x3FA9] =	sst s0;
	s0 =	simm.s32 @!p2 $0x0  }
0x16: {  	s3 =	sld [smem:$0x3FDB];
	s0 =	simm.s32 @p2 $0x1  }
0x17: {  	s4 =	simm.s32 $0x1BF5;
	[smem:$0x3FAB] =	sst s0  }
0x18: {  	s0 =	sld [smem:$0x3F8E];
	_ =	swait.ge [sflag:s4], $0x0  }
0x19: {  	s7 =	sld [smem:$0x3F8F]  }
0x1a: {  	s8 =	sadd.s32 $0xFFFFE003, lr  }
0x1b: {  	s9 =	sadd.s32 $0xFFFFFEF7, lr;
	s5 =	simm.s32 $0xFFFFFFFF;
	p2 =	slt.u32 s8, $0xFFFFF086  }
0x1c: {  	p1 =	slt.u32 s9, $0xF7A;
	s5 =	simm.s32 @!p2 $0x0  }
0x1d: {  	s5 =	simm.s32 @p1 $0x1;
	p0 =	seq.s32 s7, s2  }
0x1e: {  	s7 =	smul.u32 @!p0 $0xF7A, s2;
	p2 =	seq.s32 @!p0 s5, $0x0  }
0x1f: {  	s9 =	smul.u32 $0xF7A, s1;
	s8 =	simm.s32 @!p0 $0x1BF5;
	p2 =	por !p2, p0  }
0x20: {  	[sflag:s8] =	ssyncset.s32 @!p0 $0xFFFFF086;
	s6 =	sadd.s32 @!p0 s3, s7;
	s7 =	simm.s32 @!p0 $0x108  }
0x21: {  	s3 =	sadd.s32 s3, s9;
	s6 =	sadd.s32 @!p0 $0x88, s6;
	s7 =	simm.s32 @p2 $0x1082  }
0x22: {  	[simem:s7], [sflag:s8] =	dma.local @!p0 [hbm:s6], $0xF7A  }
0x23: {  	s9 =	sor.u32 $0xD0000000, s2;
	s6 =	simm.s32 $0x108;
	_ =	swait.ge @!p0 [sflag:s8], $0x0  }
0x24: {  	s3 =	sadd.s32 $0x88, s3;
	s6 =	simm.s32 @!p1 $0x1082;
	[sflag:s4] =	ssyncset.s32 $0xFFFFF086  }
0x25: {  	[simem:s6], [sflag:s4] =	dma.local [hbm:s3], $0xF7A  }
0x26: {  	[smem:$0x3F8F] =	sst s1;
	(tag) =	ssettag s2;
	_ =	strace s9  }
0x27: {  	s1 =	sld [smem:$0x3F9F]  }
0x28: {  	s2 =	sld [smem:$0x3FA0]  }
0x29: {  	s4 =	sld [smem:$0x3FA2]  }
0x2a: {  	p0 =	seq.s32 s5, $0x0;
	s5 =	sld [smem:$0x3FA3]  }
0x2b: {  	s6 =	sld [smem:$0x3FA4]  }
0x2c: {  	s7 =	sld [smem:$0x3FA5]  }
0x2d: {  	s3 =	simm.s32 $0x108;
	s8 =	sld [smem:$0x3FA6]  }
0x2e: {  	s3 =	simm.s32 @!p0 $0x1082;
	s9 =	sld [smem:$0x3FA7]  }
0x2f: {  	lr =	sadd.s32 s0, s3;
	s0 =	sld [smem:$0x3F9E]  }
0x30: {  	s3 =	sld [smem:$0x3FA1]  }
0x31: {  	[smem:$0x3FAA] =	sst s10  }
0x32: {  	s10 =	sld [smem:$0x3FA8];
	_ =	sdelay $0x3  }
0x33: {  	p0 =	seq.s32 s10, $0x1;
	s10 =	sld [smem:$0x3FAA];
	_ =	sdelay $0x3  }
0x34: {  	[smem:$0x3FAA] =	sst s10  }
0x35: {  	s10 =	sld [smem:$0x3FA9];
	_ =	sdelay $0x3  }
0x36: {  	p1 =	seq.s32 s10, $0x1;
	s10 =	sld [smem:$0x3FAA];
	_ =	sdelay $0x3  }
0x37: {  	[smem:$0x3FAA] =	sst s10  }
0x38: {  	s10 =	sld [smem:$0x3FAB]  }
0x39: {  	_ = 	snop;
	(pc) =	sbr.ind lr, $3  }
0x3a: {  	_ = 	snop  }
0x3b: {  	_ = 	snop  }
0x3c: {  	p2 =	seq.s32 s10, $0x1;
	s10 =	sld [smem:$0x3FAA]  }
0x3d: {  	_ =	shalt  }
0x3e: {  	_ =	shalt  }
0x3f: {  	_ =	shalt  }
0x40: {  	_ =	shalt  }
0x41: {  	_ =	shalt  }
0x42: {  	_ =	shalt  }
0x43: {  	_ =	shalt  }
0x44: {  	_ =	shalt  }
0x45: {  	_ =	shalt  }
0x46: {  	_ =	shalt  }
0x47: {  	_ =	shalt  }
0x48: {  	_ =	shalt  }
0x49: {  	_ =	shalt  }
0x4a: {  	_ =	shalt  }
0x4b: {  	_ =	shalt  }
0x4c: {  	_ =	shalt  }
0x4d: {  	_ =	shalt  }
0x4e: {  	_ =	shalt  }
0x4f: {  	_ =	shalt  }
0x50: {  	_ =	shalt  }
0x51: {  	_ =	shalt  }
0x52: {  	_ =	shalt  }
0x53: {  	_ =	shalt  }
0x54: {  	_ =	shalt  }
0x55: {  	_ =	shalt  }
0x56: {  	_ =	shalt  }
0x57: {  	_ =	shalt  }
0x58: {  	_ =	shalt  }
0x59: {  	_ =	shalt  }
0x5a: {  	_ =	shalt  }
0x5b: {  	_ =	shalt  }
0x5c: {  	_ =	shalt  }
0x5d: {  	_ =	shalt  }
0x5e: {  	_ =	shalt  }
0x5f: {  	_ =	shalt  }
0x60: {  	_ =	shalt  }
0x61: {  	_ =	shalt  }
0x62: {  	_ =	shalt  }
0x63: {  	_ =	shalt  }
0x64: {  	_ =	shalt  }
0x65: {  	_ =	shalt  }
0x66: {  	_ =	shalt  }
0x67: {  	_ =	shalt  }
0x68: {  	_ =	shalt  }
0x69: {  	_ =	shalt  }
0x6a: {  	_ =	shalt  }
0x6b: {  	_ =	shalt  }
0x6c: {  	_ =	shalt  }
0x6d: {  	_ =	shalt  }
0x6e: {  	_ =	shalt  }
0x6f: {  	_ =	shalt  }
0x70: {  	_ =	shalt  }
0x71: {  	_ =	shalt  }
0x72: {  	_ =	shalt  }
0x73: {  	_ =	shalt  }
0x74: {  	_ =	shalt  }
0x75: {  	_ =	shalt  }
0x76: {  	_ =	shalt  }
0x77: {  	_ =	shalt  }
0x78: {  	_ =	shalt  }
0x79: {  	_ =	shalt  }
0x7a: {  	_ =	shalt  }
0x7b: {  	_ =	shalt  }
0x7c: {  	_ =	shalt  }
0x7d: {  	_ =	shalt  }
0x7e: {  	_ =	shalt  }
0x7f: {  	_ =	shalt  }
0x80: {  	_ =	shalt  }
0x81: {  	_ =	shalt  }
0x82: {  	_ =	shalt  }
0x83: {  	_ =	shalt  }
0x84: {  	_ =	shalt  }
0x85: {  	_ =	shalt  }
0x86: {  	_ =	shalt  }
0x87: {  	_ =	shalt  }
.Lfunc_end0:
.L_simem_size_0:
called_computation.2_lowered:
.L_overlay_start_0:
0x88: {  	s2 =	sld [smem:$0x3FD9]  }
0x89: {  	s3 =	sld [smem:$0x3FFE];
	_ =	sdelay $0x1  }
0x8a: {  	s1 =	srdreg.scid  }
0x8b: {  	s0 =	sand.u32 $0x1, s1  }
0x8c: {  	s16 =	sshll.u32 s0, $0xA;
	s2 =	sadd.s32 s3, s2  }
0x8d: {  	s2 =	sadd.s32 s2, s16  }
0x8e: {  	[smem:$0x3FB6] =	sst s2  }
0x8f: {  	_ = 	snop  }
0x90: {  	(tm) =	ssettm $0x1  }
0x91: {  	s17 =	sld [smem:$0x3FFB];
	_ =	sdelay $0x3  }
0x92: {  	_ =	strace s17  }
0x93: {  	s2 =	sld [smem:$0x3FFC];
	_ =	sdelay $0x3  }
0x94: {  	_ =	strace s2  }
0x95: {  	s2 =	sld [smem:$0x3FFD];
	_ =	sdelay $0x3  }
0x96: {  	_ =	strace s2  }
0x97: {  	_ =	strace $0x8FFFFFFF  }
0x98: {  	s18 =	sld [smem:$0x3FDB];
	_ =	sdelay $0x1  }
0x99: {  	s19 =	simm.s32 $_scs_section_size  }
0x9a: {  	s4 =	simm.s32 $_size__tile_overlayer_lowered;
	s5 =	simm.s32 $_tile_overlayer_lowered  }
0x9b: {  	s22 =	simm.s32 $0x1BFF;
	s21 =	sshll.u32 s5, $0x1;
	s2 =	sadd.s32 s19, s18  }
0x9c: {  	s6 =	simm.s32 $0x0;
	s20 =	sshll.u32 s4, $0x1;
	s4 =	sadd.s32 s21, s2  }
0x9d: {  	[timem:s6], [sflag:s22] =	dma.local [hbm:s4], s20  }
0x9e: {  	_ =	swait.ge [sflag:s22], s20  }
0x9f: {  	s3 =	ssub.s32 $0x0, s20;
	[sflag:s22] =	ssyncset.done $0x0  }
0xa0: {  	[sflag:s22] =	ssyncadd.s32 s3;
	_ =	sdelay $0x1  }
0xa1: {  	s23 =	simm.s32 $0x1B8B  }
0xa2: {  	_ =	swait.ge [sflag:s23], $0x1  }
0xa3: {  	[sflag:s23] =	ssyncset.done $0x0  }
0xa4: {  	s25 =	simm.s32 $0x1B8E;
	s24 =	sld [smem:$0x3FFE];
	[sflag:s23] =	ssyncadd.s32 $0xFFFFFFFF  }
0xa5: {  	s26 =	simm.s32 $execute0_lowered;
	[smem:$0x3FD2] =	sst s25  }
0xa6: {  	s4 =	sshll.u32 s26, $0x1;
	_ =	strace $0x8000004C;
	[dreg:$0x1] =	wrdreg $0xFFFFFFFF  }
0xa7: {  	s28 =	simm.s32 $_size_execute0_lowered;
	s2 =	sadd.s32 s2, s4;
	[dreg:$0x0] =	wrdreg $0x0  }
0xa8: {  	s4 =	sshll.u32 s28, $0x1;
	[dreg:$0x2] =	wrdreg s2  }
0xa9: {  	[dreg:$0x3] =	wrdreg s4  }
0xaa: {  	[dreg:$0x4] =	wrdreg $0xC0  }
0xab: {  	_ =	task [dreg:s6], $0x5FFFF  }
0xac: {  	[dreg:$0x1] =	wrdreg $0xFFFFFFFF  }
0xad: {  	[dreg:$0x0] =	wrdreg $0x60  }
0xae: {  	[dreg:$0x2] =	wrdreg s24  }
0xaf: {  	[dreg:$0x3] =	wrdreg $0x0  }
0xb0: {  	[dreg:$0x4] =	wrdreg $0x9  }
0xb1: {  	_ =	task.clear_ibuf [dreg:s6], $0x5FFFF;
	_ =	strace $0x9000004C  }
0xb2: {  	s29 =	simm.s32 $0x9;
	_ =	strace $0x8000004E  }
0xb3: {  	_ =	swait.ge [sflag:s29], $0x1  }
0xb4: {  	[sflag:s29] =	ssyncadd.s32 $0xFFFFFFFF  }
0xb5: {  	_ =	strace $0x9000004E  }
0xb6: {  	_ =	sfence  }
0xb7: {  	s30 =	sld [smem:$0x0];
	_ =	sdelay $0x2  }
0xb8: {  	s31 =	sshll.u32 s1, $0xD;
	s1 =	sshrl.u32 s1, $0x2  }
0xb9: {  	s3 =	sand.u32 $0x4000, s31;
	s1 =	sadd.s32 s1, s30  }
0xba: {  	s0 =	sor.u32 s3, s0;
	s1 =	sshll.u32 s1, $0x11  }
0xbb: {  	s0 =	sor.u32 s1, s0  }
0xbc: {  	s0 =	sadd.s32 $0x8F2B, s0  }
0xbd: {  	[sflag:s0] =	ssyncadd.remote.s32 $0x1  }
0xbe: {  	_ =	sfence.sel $0xFFFF  }
0xbf: {  	[dreg:$0x0] =	wrdreg $0xFFFFFFFF;
	(pc) =	sbr.abs _section_cstart, $3  }
0xc0: {  	[dreg:$0x1] =	wrdreg $0xFFFFFFFF  }
0xc1: {  	_ =	task.clear_ibuf [dreg:s6], $0x2FFFF;
	_ =	strace $0x9FFFFFFF  }
0xc2: {  	(tm) =	ssettm $0x7FFFFFFF  }
0xc3: {  	_ =	shalt  }
tec
execute0_lowered:
.L_overlay_start_1:
0x0: {  	(tag) =	ssettag $0x1  }
0x1: {  	s0 =	rddreg [dreg:$0x0]  }
0x2: {  	s1 =	rddreg [dreg:$0x1];
	s2 =	simm.s32 $0x0  }
0x3: {  	s3 =	srdreg.scid;
	s7 =	stileid.u32;
	s15 =	simm.s32 $0x6  }
0x4: {  	s19 =	simm.s32 $0x5;
	s20 =	simm.s32 $0x80;
	s21 =	simm.s32 $0x148C0  }
0x5: {  	s22 =	simm.s32 $0x1;
	s23 =	simm.s32 $0x188C0;
	s28 =	simm.s32 $0x0  }
0x6: {  	[smem:$0x7FF] =	sst s2;
	s5 =	sand.u32 $0x1, s3;
	s8 =	smul.u32 $0x4E000, s7  }
0x7: {  	s3 =	sadd.s32 $0xCC00, s0;
	s4 =	sadd.s32 $0x2C00, s0;
	s10 =	smul.u32 $0x2700, s7  }
0x8: {  	s26 =	sshll.u32 s7, $0x6;
	s29 =	smul.u32 $0xA00, s7;
	s11 =	sadd.s32 $0x138000, s1  }
0x9: {  	s12 =	sshll.u32 s7, $0x1;
	p1 =	sne.s32 s7, $0x0;
	s6 =	smul.u32 $0x27100, s5  }
0xa: {  	_ =	strace $0x8000004D;
	s5 =	ssub.s32 $0x2, s5;
	[dreg:$0x3] =	wrdreg s12  }
0xb: {  	s16 =	sshrl.u32 @!p1 s11, $0x3;
	s24 =	sshrl.u32 s5, $0x1;
	s8 =	sshrl.u32 s8, $0x2  }
0xc: {  	[dreg:$0x4] =	wrdreg s10;
	s30 =	sadd.s32 s3, s29;
	s0 =	sadd.s32 s6, s0  }
0xd: {  	s5 =	ssub.s32 s5, s24;
	s9 =	sadd.s32 s8, s1;
	s8 =	sor.u32 $0x1C06, s26  }
0xe: {  	[dreg:$0x7] =	wrdreg s30;
	s24 =	simm.s32 $0x3;
	s13 =	sadd.s32 $0x3DC00, s0  }
0xf: {  	s6 =	sadd.s32 $0x16C00, s0;
	s31 =	smax.u32 s5, $0x1;
	[dreg:$0x6] =	wrdreg s13  }
0x10: {  	s12 =	sadd.s32 $0x64E00, s0;
	s25 =	sadd.s32 s10, s6;
	[dreg:$0x9] =	wrdreg s31  }
0x11: {  	s0 =	simm.s32 @!p1 $0x0;
	s10 =	sadd.s32 s4, s29;
	[dreg:$0x5] =	wrdreg s25  }
0x12: {  	s26 =	simm.s32 $0x4;
	s0 =	simm.s32 @p1 $0x1;
	[dreg:$0x8] =	wrdreg s10  }
0x13: {  	s14 =	sshrl.u32 s9, $0x3;
	s25 =	simm.s32 $0x2;
	[smem:$0x7FD] =	sst s0  }
.LBB2_1:
0x14: {  	s0 =	rddreg [dreg:$0x5]  }
0x15: {  	[spmem:s14], [sflag:s8] =	dma.local [hbm:s0], $0x2700  }
0x16: {  	_ =	swait.ge [sflag:s15], $0x2700  }
0x17: {  	[sflag:s15] =	ssyncset.done $0x0  }
0x18: {  	s0 =	rddreg [dreg:$0x6];
	[sflag:s15] =	ssyncadd.s32 $0xFFFFD900  }
0x19: {  	[spmem:s16], [sflag:s8] =	dma.local @!p1 [hbm:s0], $0x100  }
0x1a: {  	s0 =	simm.s32 @!p1 $0x6  }
0x1b: {  	_ =	swait.ge @!p1 [sflag:s0], $0x100  }
0x1c: {  	[sflag:s0] =	ssyncset.done @!p1 $0x0  }
0x1d: {  	[sflag:s0] =	ssyncadd.s32 @!p1 $0xFFFFFF00  }
0x1e: {  	[bflag:$0x0] =	sbarrier.arrive $0xFFFF  }
0x1f: {  	s5 =	simm.s32 $0x138C0;
	s17 =	rddreg [dreg:$0x7]  }
0x20: {  	[tilespmem:s5], [sflag:$0x5] =	stream.linear.gather [hbm4b:s17+s2], $0x400, $0x38;
	[tilespmem:$0x1C8C0] =	vst v63  }
0x21: {  	s7 =	simm.s32 $0x140C0;
	s18 =	rddreg [dreg:$0x8]  }
0x22: {  	[tilespmem:s7], [sflag:$0x5] =	stream.linear.gather [hbm4b:s18+s2], $0x400, $0x38;
	[tilespmem:$0x1C8C0] =	vst v63  }
0x23: {  	s9 =	sand.u32 $0x3, s2;
	_ =	swait.ge [sflag:s19], $0x400  }
0x24: {  	p1 =	sne.s32 s9, $0x0;
	[sflag:s19] =	ssyncset.done $0x0  }
0x25: {  	p2 =	por @!p1 $0x0, $0x0;
	[sflag:s19] =	ssyncadd.s32 $0xFFFFFC00  }
0x26: {  	p0 =	por p2, p1;
	_ =	swait.ge [sflag:s19], $0x400  }
0x27: {  	p3 =	por @!p0 $0x0, $0x0;
	[sflag:s19] =	ssyncset.done $0x0  }
0x28: {  	p2 =	por @!p1 !p3, p2;
	[sflag:s19] =	ssyncadd.s32 $0xFFFFFC00  }
0x29: {  	[tilespmem:s21], [sflag:$0x1] =	stream.indirect.gather [hbm4b:s6+s20], $0x80, s5, s20, $0xb8;
	[tilespmem:$0x1C8C0] =	vst v63  }
0x2a: {  	p1 =	por !p2, p1;
	s5 =	simm.s32 @!p0 $0x1  }
0x2b: {  	s0 =	rddreg [dreg:$0x3];
	s5 =	simm.s32 @!p1 $0x0  }
0x2c: {  	s0 =	sor.u32 @!p0 s5, s0  }
0x2d: {  	s5 =	simm.s32 @!p0 $0xFFFFFB00;
	s0 =	smul.u32 @!p0 $0x500, s0  }
0x2e: {  	s11 =	simm.s32 @!p0 $0x0;
	s7 =	simm.s32 @!p0 $0x400;
	s5 =	simm.s32 @!p1 $0x0  }
0x2f: {  	s7 =	sand.u32 @!p0 $0x400, s7;
	s5 =	sadd.s32 @!p0 $0x80, s5;
	s10 =	sadd.s32 @!p0 s3, s0  }
0x30: {  	s9 =	sor.u32 @!p0 $0x138C0, s7;
	s0 =	sadd.s32 @!p0 s4, s0;
	s10 =	sadd.s32 @!p0 s5, s10  }
0x31: {  	[tilespmem:s9], [sflag:$0x5] =	stream.linear.gather @!p0 [hbm4b:s10+s11], $0x400, $0x38;
	[tilespmem:$0x1C8C0] =	vst v63  }
0x32: {  	s7 =	sor.u32 @!p0 $0x140C0, s7;
	s0 =	sadd.s32 @!p0 s5, s0  }
0x33: {  	[tilespmem:s7], [sflag:$0x5] =	stream.linear.gather @!p0 [hbm4b:s0+s11], $0x400, $0x38;
	[tilespmem:$0x1C8C0] =	vst v63  }
0x34: {  	s10 =	simm.s32 $0x0;
	_ =	swait.ge [sflag:s22], $0x4000  }
0x35: {  	s11 =	sand.u32 $0x700, s2;
	s0 =	sand.u32 $0x1C00, s10;
	[sflag:s22] =	ssyncset.done $0x0  }
0x36: {  	s13 =	sadd.s32 $0x13940, s11;
	s0 =	sshrl.u32 s0, $0x2;
	[sflag:s22] =	ssyncadd.s32 $0xFFFFC000  }
0x37: {  	[tilespmem:s23], [sflag:$0x2] =	stream.indirect.gather [hbm4b:s6+s20], $0x80, s13, s20, $0xb8;
	[tilespmem:$0x1C8C0] =	vst v63  }
0x38: {  	s29 =	simm.s32 $0x800;
	s0 =	sor.u32 $0x140C0, s0  }
0x39: {  	[spmem:s1] =	stream.indirect.scatter.add.f32 [tilespmem:s21], [sflag:$0x3], $0x80, s0, s20, $0xb8;
	[tilespmem:$0x1C8C0] =	vst v63  }
0x3a: {  	s31 =	simm.s32 $0x100;
	s30 =	simm.s32 $0x2;
	_ =	swait.ge [sflag:s24], $0x4000  }
0x3b: {  	p3 =	por $0x0, $0x0;
	s18 =	simm.s32 $0x1;
	[sflag:s24] =	ssyncset.done $0x0  }
0x3c: {  	s17 =	sand.u32 $0x3, s18;
	s5 =	sand.u32 @!p3 $0x6, s25;
	[sflag:s24] =	ssyncadd.s32 $0xFFFFC000  }
0x3d: {  	p5 =	sne.s32 s17, $0x0;
	p0 =	sne.s32 @!p3 s5, $0x0;
	_ =	swait.ge [sflag:s25], $0x4000  }
0x3e: {  	s17 =	simm.s32 @!p3 $0x148C0;
	p4 =	por p0, p3;
	[sflag:s25] =	ssyncset.done $0x0  }
0x3f: {  	s7 =	sor.u32 $0x80, s11;
	s11 =	simm.s32 @!p4 $0x5;
	[sflag:s25] =	ssyncadd.s32 $0xFFFFC000  }
0x40: {  	p6 =	por @!p5 $0x0, $0x0;
	s9 =	simm.s32 $0x400;
	_ =	swait.ge @!p4 [sflag:s11], $0x400  }
0x41: {  	p2 =	por p6, p5;
	s9 =	sand.u32 @!p3 $0x1C00, s9;
	[sflag:s11] =	ssyncset.done @!p4 $0x0  }
0x42: {  	s5 =	sshrl.u32 @!p3 s9, $0x2;
	s10 =	simm.s32 @!p2 $0x0;
	[sflag:s11] =	ssyncadd.s32 @!p4 $0xFFFFFC00  }
0x43: {  	s5 =	sor.u32 @!p3 $0x138C0, s5;
	p0 =	por @!p2 $0x0, $0x0;
	_ =	swait.ge @!p4 [sflag:s11], $0x400  }
0x44: {  	s13 =	simm.s32 @!p3 $0x80;
	s0 =	simm.s32 $0xC00;
	[sflag:s11] =	ssyncset.done @!p4 $0x0  }
.LBB2_2:
0x45: {  	[sflag:s11] =	ssyncadd.s32 @!p4 $0xFFFFFC00  }
0x46: {  	[tilespmem:s17], [sflag:$0x1] =	stream.indirect.gather @!p3 [hbm4b:s6+s13], $0x80, s5, s13, $0xb8;
	[tilespmem:$0x1C8C0] =	vst v63  }
0x47: {  	p0 =	por @!p5 !p0, p6;
	s7 =	sadd.s32 $0x140C0, s7  }
0x48: {  	[spmem:s1] =	stream.indirect.scatter.add.f32 [tilespmem:s23], [sflag:$0x4], $0x80, s7, s20, $0xb8;
	[tilespmem:$0x1C8C0] =	vst v63  }
0x49: {  	p0 =	por !p0, p5;
	s5 =	simm.s32 @!p2 $0x1;
	_ =	swait.ge [sflag:s26], $0x4000  }
0x4a: {  	s10 =	sadd.s32 @!p2 $0x1, s10;
	s5 =	simm.s32 @!p0 $0x0;
	s7 =	rddreg [dreg:$0x3]  }
0x4b: {  	s11 =	simm.s32 @!p2 $0xFFFFFB00;
	s13 =	sshll.u32 @!p2 s10, $0xA;
	s5 =	sor.u32 @!p2 s5, s7  }
0x4c: {  	s17 =	simm.s32 @!p2 $0x0;
	[sflag:s26] =	ssyncset.done $0x0;
	s5 =	smul.u32 @!p2 $0x500, s5  }
0x4d: {  	s11 =	simm.s32 @!p0 $0x0;
	[sflag:s26] =	ssyncadd.s32 $0xFFFFC000;
	s7 =	sshll.u32 @!p2 s10, $0x7  }
0x4e: {  	s10 =	sand.u32 @!p2 $0x400, s13;
	s7 =	sadd.s32 @!p2 s11, s7;
	s13 =	sadd.s32 @!p2 s3, s5  }
0x4f: {  	s11 =	sor.u32 @!p2 $0x138C0, s10;
	s5 =	sadd.s32 @!p2 s4, s5;
	s13 =	sadd.s32 @!p2 s7, s13  }
0x50: {  	[tilespmem:s11], [sflag:$0x5] =	stream.linear.gather @!p2 [hbm4b:s13+s17], $0x400, $0x38;
	[tilespmem:$0x1C8C0] =	vst v63  }
0x51: {  	s10 =	sor.u32 @!p2 $0x140C0, s10;
	s5 =	sadd.s32 @!p2 s7, s5  }
0x52: {  	[tilespmem:s10], [sflag:$0x5] =	stream.linear.gather @!p2 [hbm4b:s5+s17], $0x400, $0x38;
	[tilespmem:$0x1C8C0] =	vst v63  }
0x53: {  	s30 =	sadd.s32 $0x2, s30;
	s13 =	sadd.s32 $0xFFFFFC00, s29;
	_ =	swait.ge [sflag:s22], $0x4000  }
0x54: {  	s11 =	sand.u32 $0x700, s31;
	s17 =	sand.u32 $0x1C00, s13;
	[sflag:s22] =	ssyncset.done $0x0  }
0x55: {  	s10 =	sadd.s32 $0x13940, s11;
	s13 =	sshrl.u32 s17, $0x2;
	[sflag:s22] =	ssyncadd.s32 $0xFFFFC000  }
0x56: {  	[tilespmem:s23], [sflag:$0x2] =	stream.indirect.gather [hbm4b:s6+s20], $0x80, s10, s20, $0xb8;
	[tilespmem:$0x1C8C0] =	vst v63  }
0x57: {  	s9 =	smov.u32 s0;
	s0 =	sadd.s32 $0x400, s0;
	s5 =	sor.u32 $0x140C0, s13  }
0x58: {  	[spmem:s1] =	stream.indirect.scatter.add.f32 [tilespmem:s21], [sflag:$0x3], $0x80, s5, s20, $0xb8;
	[tilespmem:$0x1C8C0] =	vst v63  }
0x59: {  	s18 =	sadd.s32 $0x1, s18;
	p1 =	sne.s32 s0, $0x14400;
	_ =	swait.ge [sflag:s24], $0x4000  }
0x5a: {  	p3 =	seq.s32 s29, $0x14000;
	s31 =	sadd.s32 $0x100, s31;
	[sflag:s24] =	ssyncset.done $0x0  }
0x5b: {  	s7 =	sor.u32 $0x80, s11;
	s5 =	sand.u32 @!p3 $0x6, s30;
	[sflag:s24] =	ssyncadd.s32 $0xFFFFC000  }
0x5c: {  	s17 =	sand.u32 $0x3, s18;
	p0 =	sne.s32 @!p3 s5, $0x0;
	_ =	swait.ge [sflag:s25], $0x4000  }
0x5d: {  	p5 =	sne.s32 s17, $0x0;
	p4 =	por p0, p3;
	[sflag:s25] =	ssyncset.done $0x0  }
0x5e: {  	s17 =	simm.s32 @!p3 $0x148C0;
	s11 =	simm.s32 @!p4 $0x5;
	[sflag:s25] =	ssyncadd.s32 $0xFFFFC000  }
.Ltmp0:
0x5f: {  	s13 =	simm.s32 @!p3 $0x80;
	_ =	swait.ge @!p4 [sflag:s11], $0x400;
	(pc) =	sbr.rel @p1 .LBB2_2-.Ltmp0, $4  }
0x60: {  	p6 =	sgt.u32 @!p5 s18, $0x4B;
	s10 =	sand.u32 @!p3 $0x1C00, s29;
	[sflag:s11] =	ssyncset.done @!p4 $0x0  }
0x61: {  	s29 =	smov.u32 s9;
	p2 =	por p6, p5;
	[sflag:s11] =	ssyncadd.s32 @!p4 $0xFFFFFC00  }
0x62: {  	s5 =	sshrl.u32 @!p3 s10, $0x2;
	s10 =	sshrl.u32 @!p2 s18, $0x2;
	_ =	swait.ge @!p4 [sflag:s11], $0x400  }
0x63: {  	s5 =	sor.u32 @!p3 $0x138C0, s5;
	p0 =	sgt.u32 @!p2 s18, $0x20;
	[sflag:s11] =	ssyncset.done @!p4 $0x0  }
0x64: {  	[sflag:s11] =	ssyncadd.s32 @!p4 $0xFFFFFC00  }
0x65: {  	[tilespmem:s17], [sflag:$0x1] =	stream.indirect.gather @!p3 [hbm4b:s6+s13], $0x80, s5, s13, $0xb8;
	[tilespmem:$0x1C8C0] =	vst v63  }
0x66: {  	s0 =	sadd.s32 $0x140C0, s7;
	p0 =	por @!p5 !p0, p6  }
0x67: {  	[spmem:s1] =	stream.indirect.scatter.add.f32 [tilespmem:s23], [sflag:$0x4], $0x80, s0, s20, $0xb8;
	[tilespmem:$0x1C8C0] =	vst v63  }
0x68: {  	p0 =	por !p0, p5;
	s5 =	simm.s32 @!p2 $0x1;
	_ =	swait.ge [sflag:s26], $0x4000  }
0x69: {  	s7 =	simm.s32 @!p2 $0xFFFFFB00;
	s5 =	simm.s32 @!p0 $0x0;
	s0 =	rddreg [dreg:$0x3]  }
0x6a: {  	s11 =	simm.s32 @!p2 $0x0;
	s7 =	simm.s32 @!p0 $0x0;
	s0 =	sor.u32 @!p2 s5, s0  }
0x6b: {  	[sflag:s26] =	ssyncset.done $0x0;
	s5 =	sadd.s32 @!p2 $0x1, s10;
	s0 =	smul.u32 @!p2 $0x500, s0  }
0x6c: {  	[sflag:s26] =	ssyncadd.s32 $0xFFFFC000;
	s9 =	sshll.u32 @!p2 s5, $0xA;
	s5 =	sshll.u32 @!p2 s5, $0x7  }
0x6d: {  	s5 =	sadd.s32 @!p2 s7, s5;
	s7 =	sand.u32 @!p2 $0x400, s9;
	s9 =	sadd.s32 @!p2 s3, s0  }
0x6e: {  	s10 =	sor.u32 @!p2 $0x138C0, s7;
	s0 =	sadd.s32 @!p2 s4, s0;
	s9 =	sadd.s32 @!p2 s5, s9  }
0x6f: {  	[tilespmem:s10], [sflag:$0x5] =	stream.linear.gather @!p2 [hbm4b:s9+s11], $0x400, $0x38;
	[tilespmem:$0x1C8C0] =	vst v63  }
0x70: {  	s0 =	sadd.s32 @!p2 s5, s0;
	s5 =	sor.u32 @!p2 $0x140C0, s7  }
0x71: {  	[tilespmem:s5], [sflag:$0x5] =	stream.linear.gather @!p2 [hbm4b:s0+s11], $0x400, $0x38;
	[tilespmem:$0x1C8C0] =	vst v63  }
0x72: {  	s18 =	sadd.s32 $0xFFFFFC00, s29;
	_ =	swait.ge [sflag:s22], $0x4000  }
0x73: {  	s13 =	sand.u32 $0x700, s31;
	s5 =	sand.u32 $0x1C00, s18;
	[sflag:s22] =	ssyncset.done $0x0  }
0x74: {  	s17 =	sadd.s32 $0x13940, s13;
	s5 =	sshrl.u32 s5, $0x2;
	[sflag:s22] =	ssyncadd.s32 $0xFFFFC000  }
0x75: {  	[tilespmem:s23], [sflag:$0x2] =	stream.indirect.gather [hbm4b:s6+s20], $0x80, s17, s20, $0xb8;
	[tilespmem:$0x1C8C0] =	vst v63  }
0x76: {  	s5 =	sor.u32 $0x140C0, s5  }
0x77: {  	[spmem:s1] =	stream.indirect.scatter.add.f32 [tilespmem:s21], [sflag:$0x3], $0x80, s5, s20, $0xb8;
	[tilespmem:$0x1C8C0] =	vst v63  }
0x78: {  	_ =	swait.ge [sflag:s24], $0x4000  }
0x79: {  	p0 =	seq.s32 s29, $0x14000;
	s5 =	sadd.s32 $0x2, s30;
	[sflag:s24] =	ssyncset.done $0x0  }
0x7a: {  	s5 =	sand.u32 @!p0 $0x6, s5;
	[sflag:s24] =	ssyncadd.s32 $0xFFFFC000  }
0x7b: {  	p1 =	sne.s32 @!p0 s5, $0x0;
	_ =	swait.ge [sflag:s25], $0x4000  }
0x7c: {  	p1 =	por p1, p0;
	[sflag:s25] =	ssyncset.done $0x0  }
0x7d: {  	s5 =	simm.s32 @!p1 $0x5;
	[sflag:s25] =	ssyncadd.s32 $0xFFFFC000  }
0x7e: {  	_ =	swait.ge @!p1 [sflag:s5], $0x400  }
0x7f: {  	[sflag:s5] =	ssyncset.done @!p1 $0x0  }
0x80: {  	s7 =	sand.u32 @!p0 $0x1C00, s29;
	[sflag:s5] =	ssyncadd.s32 @!p1 $0xFFFFFC00  }
0x81: {  	s7 =	sshrl.u32 @!p0 s7, $0x2;
	_ =	swait.ge @!p1 [sflag:s5], $0x400  }
0x82: {  	s9 =	simm.s32 @!p0 $0x148C0;
	s7 =	sor.u32 @!p0 $0x138C0, s7;
	[sflag:s5] =	ssyncset.done @!p1 $0x0  }
0x83: {  	s0 =	sor.u32 $0x80, s13;
	[sflag:s5] =	ssyncadd.s32 @!p1 $0xFFFFFC00;
	s5 =	simm.s32 @!p0 $0x80  }
0x84: {  	[tilespmem:s9], [sflag:$0x1] =	stream.indirect.gather @!p0 [hbm4b:s6+s5], $0x80, s7, s5, $0xb8;
	[tilespmem:$0x1C8C0] =	vst v63  }
0x85: {  	s0 =	sadd.s32 $0x140C0, s0  }
0x86: {  	[spmem:s1] =	stream.indirect.scatter.add.f32 [tilespmem:s23], [sflag:$0x4], $0x80, s0, s20, $0xb8;
	[tilespmem:$0x1C8C0] =	vst v63  }
0x87: {  	_ =	swait.ge [sflag:s26], $0x4000  }
0x88: {  	[sflag:s26] =	ssyncset.done $0x0  }
0x89: {  	[sflag:s26] =	ssyncadd.s32 $0xFFFFC000  }
0x8a: {  	[bflag:$0x0] =	sbarrier.arrive $0xFFFF  }
0x8b: {  	s29 =	rddreg [dreg:$0x4]  }
0x8c: {  	s0 =	sadd.s32 s29, s12  }
0x8d: {  	[hbm:s0], [sflag:s8] =	dma.local [spmem:s14], $0x2700  }
0x8e: {  	_ =	swait.ge [sflag:s15], $0x2700  }
0x8f: {  	s30 =	sld [smem:$0x7FD];
	_ =	sdelay $0x2  }
0x90: {  	[sflag:s15] =	ssyncset.done $0x0;
	p1 =	seq.s32 s30, $0x1  }
0x91: {  	[sflag:s15] =	ssyncadd.s32 $0xFFFFD900;
	s0 =	sadd.s32 @!p1 $0x27000, s12  }
0x92: {  	[hbm:s0], [sflag:s8] =	dma.local @!p1 [spmem:s16], $0x100  }
0x93: {  	s0 =	simm.s32 @!p1 $0x6  }
0x94: {  	_ =	swait.ge @!p1 [sflag:s0], $0x100  }
0x95: {  	s28 =	sadd.s32 $0x1, s28;
	s31 =	rddreg [dreg:$0x9]  }
0x96: {  	p0 =	sne.s32 s28, s31  }
.Ltmp1:
0x97: {  	_ = 	snop;
	(pc) =	sbr.rel @p0 .LBB2_1-.Ltmp1, $3  }
0x98: {  	_ =	sdelay $0x1  }
0x99: {  	[sflag:s0] =	ssyncset.done @!p1 $0x0  }
0x9a: {  	[sflag:s0] =	ssyncadd.s32 @!p1 $0xFFFFFF00  }
0x9b: {  	_ =	sfence.sel $0x180000  }
0x9c: {  	[bflag:$0x0] =	sbarrier.arrive $0xFFFF  }
0x9d: {  	_ =	strace $0x9000004D  }
0x9e: {  	[bflag:$0x2] =	sbarrier.arrive $0xFFFF  }
0x9f: {  	s0 =	rddreg [dreg:$0x2]  }
0xa0: {  	s0 =	sadd.s32 @!p1 $0x100000, s0  }
0xa1: {  	[sflag:s0] =	ssyncadd.tile.s32 @!p1 $0x1;
	_ =	shalt  }
.Lfunc_end2:
_tile_overlayer_lowered:
.L_overlay_start_2:
0xa2: {  	(tag) =	ssettag $0x2  }
0xa3: {  	s0 =	rddreg [dreg:$0x0];
	s2 =	stileid.u32  }
0xa4: {  	s1 =	rddreg [dreg:$0x1];
	p0 =	sne.s32 s2, $0x0  }
0xa5: {  	s3 =	rddreg [dreg:$0x2];
	[bflag:$0x3] =	sbarrier.arrive $0xFFFF;
	s2 =	simm.s32 @!p0 $0x1C06  }
0xa6: {  	[timem:s3], [sflag:s2] =	dma.local @!p0 [hbm:s0], s1  }
0xa7: {  	s0 =	simm.s32 @!p0 $0x6  }
0xa8: {  	_ =	swait.ge @!p0 [sflag:s0], s1  }
0xa9: {  	s1 =	ssub.s32 @!p0 $0x0, s1;
	[sflag:s0] =	ssyncset.done @!p0 $0x0  }
0xaa: {  	[sflag:s0] =	ssyncadd.s32 @!p0 s1  }
0xab: {  	[bflag:$0x3] =	sbarrier.arrive $0xFFFF  }
0xac: {  	_ =	shalt  }

// kernel: kernel.8.cloned.1.call-start
scs
__scs_entry_jumppad:
0x0: {  	(pc) =	sbr.rel $0x88, $3  }
0x1: {  	(tag) =	ssettag $0x0;
	lr =	simm.s32 $0x1  }
0x2: {  	[smem:$0x3F8F] =	sst lr;
	_ =	strace $0xD0000000  }
0x3: {  	_ = 	snop  }
0x4: {  	_ = 	snop  }
0x5: {  	_ = 	snop  }
0x6: {  	_ = 	snop  }
0x7: {  	_ = 	snop  }
__scs_overlays_trampoline_lowered:
0x8: {  	[smem:$0x3F9E] =	sst s0  }
0x9: {  	[smem:$0x3F9F] =	sst s1  }
0xa: {  	[smem:$0x3FA0] =	sst s2  }
0xb: {  	[smem:$0x3FA1] =	sst s3  }
0xc: {  	[smem:$0x3FA2] =	sst s4  }
0xd: {  	[smem:$0x3FA3] =	sst s5  }
0xe: {  	[smem:$0x3FA4] =	sst s6  }
0xf: {  	[smem:$0x3FA5] =	sst s7  }
0x10: {  	[smem:$0x3FA6] =	sst s8  }
0x11: {  	[smem:$0x3FA7] =	sst s9;
	s0 =	simm.s32 @!p0 $0x0  }
0x12: {  	s1 =	sld [smem:$0x3F8D];
	s0 =	simm.s32 @p0 $0x1  }
0x13: {  	[smem:$0x3FA8] =	sst s0;
	s0 =	simm.s32 @!p1 $0x0  }
0x14: {  	s2 =	sld [smem:$0x3F8C];
	s0 =	simm.s32 @p1 $0x1  }
0x15: {  	[smem:$0x3FA9] =	sst s0;
	s0 =	simm.s32 @!p2 $0x0  }
0x16: {  	s3 =	sld [smem:$0x3FDB];
	s0 =	simm.s32 @p2 $0x1  }
0x17: {  	s4 =	simm.s32 $0x1BF5;
	[smem:$0x3FAB] =	sst s0  }
0x18: {  	s0 =	sld [smem:$0x3F8E];
	_ =	swait.ge [sflag:s4], $0x0  }
0x19: {  	s7 =	sld [smem:$0x3F8F]  }
0x1a: {  	s8 =	sadd.s32 $0xFFFFE003, lr  }
0x1b: {  	s9 =	sadd.s32 $0xFFFFFEF7, lr;
	s5 =	simm.s32 $0xFFFFFFFF;
	p2 =	slt.u32 s8, $0xFFFFF086  }
0x1c: {  	p1 =	slt.u32 s9, $0xF7A;
	s5 =	simm.s32 @!p2 $0x0  }
0x1d: {  	s5 =	simm.s32 @p1 $0x1;
	p0 =	seq.s32 s7, s2  }
0x1e: {  	s7 =	smul.u32 @!p0 $0xF7A, s2;
	p2 =	seq.s32 @!p0 s5, $0x0  }
0x1f: {  	s9 =	smul.u32 $0xF7A, s1;
	s8 =	simm.s32 @!p0 $0x1BF5;
	p2 =	por !p2, p0  }
0x20: {  	[sflag:s8] =	ssyncset.s32 @!p0 $0xFFFFF086;
	s6 =	sadd.s32 @!p0 s3, s7;
	s7 =	simm.s32 @!p0 $0x108  }
0x21: {  	s3 =	sadd.s32 s3, s9;
	s6 =	sadd.s32 @!p0 $0x88, s6;
	s7 =	simm.s32 @p2 $0x1082  }
0x22: {  	[simem:s7], [sflag:s8] =	dma.local @!p0 [hbm:s6], $0xF7A  }
0x23: {  	s9 =	sor.u32 $0xD0000000, s2;
	s6 =	simm.s32 $0x108;
	_ =	swait.ge @!p0 [sflag:s8], $0x0  }
0x24: {  	s3 =	sadd.s32 $0x88, s3;
	s6 =	simm.s32 @!p1 $0x1082;
	[sflag:s4] =	ssyncset.s32 $0xFFFFF086  }
0x25: {  	[simem:s6], [sflag:s4] =	dma.local [hbm:s3], $0xF7A  }
0x26: {  	[smem:$0x3F8F] =	sst s1;
	(tag) =	ssettag s2;
	_ =	strace s9  }
0x27: {  	s1 =	sld [smem:$0x3F9F]  }
0x28: {  	s2 =	sld [smem:$0x3FA0]  }
0x29: {  	s4 =	sld [smem:$0x3FA2]  }
0x2a: {  	p0 =	seq.s32 s5, $0x0;
	s5 =	sld [smem:$0x3FA3]  }
0x2b: {  	s6 =	sld [smem:$0x3FA4]  }
0x2c: {  	s7 =	sld [smem:$0x3FA5]  }
0x2d: {  	s3 =	simm.s32 $0x108;
	s8 =	sld [smem:$0x3FA6]  }
0x2e: {  	s3 =	simm.s32 @!p0 $0x1082;
	s9 =	sld [smem:$0x3FA7]  }
0x2f: {  	lr =	sadd.s32 s0, s3;
	s0 =	sld [smem:$0x3F9E]  }
0x30: {  	s3 =	sld [smem:$0x3FA1]  }
0x31: {  	[smem:$0x3FAA] =	sst s10  }
0x32: {  	s10 =	sld [smem:$0x3FA8];
	_ =	sdelay $0x3  }
0x33: {  	p0 =	seq.s32 s10, $0x1;
	s10 =	sld [smem:$0x3FAA];
	_ =	sdelay $0x3  }
0x34: {  	[smem:$0x3FAA] =	sst s10  }
0x35: {  	s10 =	sld [smem:$0x3FA9];
	_ =	sdelay $0x3  }
0x36: {  	p1 =	seq.s32 s10, $0x1;
	s10 =	sld [smem:$0x3FAA];
	_ =	sdelay $0x3  }
0x37: {  	[smem:$0x3FAA] =	sst s10  }
0x38: {  	s10 =	sld [smem:$0x3FAB]  }
0x39: {  	_ = 	snop;
	(pc) =	sbr.ind lr, $3  }
0x3a: {  	_ = 	snop  }
0x3b: {  	_ = 	snop  }
0x3c: {  	p2 =	seq.s32 s10, $0x1;
	s10 =	sld [smem:$0x3FAA]  }
0x3d: {  	_ =	shalt  }
0x3e: {  	_ =	shalt  }
0x3f: {  	_ =	shalt  }
0x40: {  	_ =	shalt  }
0x41: {  	_ =	shalt  }
0x42: {  	_ =	shalt  }
0x43: {  	_ =	shalt  }
0x44: {  	_ =	shalt  }
0x45: {  	_ =	shalt  }
0x46: {  	_ =	shalt  }
0x47: {  	_ =	shalt  }
0x48: {  	_ =	shalt  }
0x49: {  	_ =	shalt  }
0x4a: {  	_ =	shalt  }
0x4b: {  	_ =	shalt  }
0x4c: {  	_ =	shalt  }
0x4d: {  	_ =	shalt  }
0x4e: {  	_ =	shalt  }
0x4f: {  	_ =	shalt  }
0x50: {  	_ =	shalt  }
0x51: {  	_ =	shalt  }
0x52: {  	_ =	shalt  }
0x53: {  	_ =	shalt  }
0x54: {  	_ =	shalt  }
0x55: {  	_ =	shalt  }
0x56: {  	_ =	shalt  }
0x57: {  	_ =	shalt  }
0x58: {  	_ =	shalt  }
0x59: {  	_ =	shalt  }
0x5a: {  	_ =	shalt  }
0x5b: {  	_ =	shalt  }
0x5c: {  	_ =	shalt  }
0x5d: {  	_ =	shalt  }
0x5e: {  	_ =	shalt  }
0x5f: {  	_ =	shalt  }
0x60: {  	_ =	shalt  }
0x61: {  	_ =	shalt  }
0x62: {  	_ =	shalt  }
0x63: {  	_ =	shalt  }
0x64: {  	_ =	shalt  }
0x65: {  	_ =	shalt  }
0x66: {  	_ =	shalt  }
0x67: {  	_ =	shalt  }
0x68: {  	_ =	shalt  }
0x69: {  	_ =	shalt  }
0x6a: {  	_ =	shalt  }
0x6b: {  	_ =	shalt  }
0x6c: {  	_ =	shalt  }
0x6d: {  	_ =	shalt  }
0x6e: {  	_ =	shalt  }
0x6f: {  	_ =	shalt  }
0x70: {  	_ =	shalt  }
0x71: {  	_ =	shalt  }
0x72: {  	_ =	shalt  }
0x73: {  	_ =	shalt  }
0x74: {  	_ =	shalt  }
0x75: {  	_ =	shalt  }
0x76: {  	_ =	shalt  }
0x77: {  	_ =	shalt  }
0x78: {  	_ =	shalt  }
0x79: {  	_ =	shalt  }
0x7a: {  	_ =	shalt  }
0x7b: {  	_ =	shalt  }
0x7c: {  	_ =	shalt  }
0x7d: {  	_ =	shalt  }
0x7e: {  	_ =	shalt  }
0x7f: {  	_ =	shalt  }
0x80: {  	_ =	shalt  }
0x81: {  	_ =	shalt  }
0x82: {  	_ =	shalt  }
0x83: {  	_ =	shalt  }
0x84: {  	_ =	shalt  }
0x85: {  	_ =	shalt  }
0x86: {  	_ =	shalt  }
0x87: {  	_ =	shalt  }
.Lfunc_end0:
.L_simem_size_0:
called_computation_lowered:
.L_overlay_start_0:
0x88: {  	s2 =	sld [smem:$0x3FD9]  }
0x89: {  	s3 =	sld [smem:$0x3FFE];
	_ =	sdelay $0x1  }
0x8a: {  	s1 =	srdreg.scid  }
0x8b: {  	s0 =	sand.u32 $0x1, s1  }
0x8c: {  	s17 =	sshll.u32 s0, $0xA;
	s2 =	sadd.s32 s3, s2  }
0x8d: {  	s2 =	sadd.s32 s2, s17  }
0x8e: {  	[smem:$0x3FB6] =	sst s2  }
0x8f: {  	_ = 	snop  }
0x90: {  	s2 =	sld [smem:$0x3FC9];
	(tm) =	ssettm $0x1  }
0x91: {  	s18 =	sld [smem:$0x3FFB];
	_ =	sdelay $0x3  }
0x92: {  	_ =	strace s18  }
0x93: {  	s3 =	sld [smem:$0x3FFC];
	_ =	sdelay $0x3  }
0x94: {  	_ =	strace s3  }
0x95: {  	s3 =	sld [smem:$0x3FFD];
	_ =	sdelay $0x3  }
0x96: {  	_ =	strace s3  }
0x97: {  	_ =	strace $0x8FFFFFFF  }
0x98: {  	s19 =	sld [smem:$0x3FDB];
	_ =	sdelay $0x1  }
0x99: {  	s4 =	simm.s32 $_scs_section_size  }
0x9a: {  	s5 =	simm.s32 $_size__tile_overlayer_lowered;
	s6 =	simm.s32 $_tile_overlayer_lowered  }
0x9b: {  	s22 =	simm.s32 $0x1BFF;
	s21 =	sshll.u32 s6, $0x1;
	s3 =	sadd.s32 s4, s19  }
0x9c: {  	s7 =	simm.s32 $0x0;
	s20 =	sshll.u32 s5, $0x1;
	s5 =	sadd.s32 s21, s3  }
0x9d: {  	[timem:s7], [sflag:s22] =	dma.local [hbm:s5], s20  }
0x9e: {  	_ =	swait.ge [sflag:s22], s20  }
0x9f: {  	s4 =	ssub.s32 $0x0, s20;
	[sflag:s22] =	ssyncset.done $0x0  }
0xa0: {  	[sflag:s22] =	ssyncadd.s32 s4;
	_ =	sdelay $0x1  }
0xa1: {  	s23 =	simm.s32 $0x1B8B  }
0xa2: {  	_ =	swait.ge [sflag:s23], $0x1  }
0xa3: {  	[sflag:s23] =	ssyncset.done $0x0  }
0xa4: {  	s25 =	simm.s32 $0x1B8E;
	s24 =	sld [smem:$0x3FFE];
	[sflag:s23] =	ssyncadd.s32 $0xFFFFFFFF  }
0xa5: {  	s26 =	simm.s32 $execute0_lowered;
	[smem:$0x3FD2] =	sst s25  }
0xa6: {  	s5 =	sshll.u32 s26, $0x1;
	_ =	strace $0x80000046;
	[dreg:$0x1] =	wrdreg $0xFFFFFFFF  }
0xa7: {  	s28 =	simm.s32 $_size_execute0_lowered;
	s3 =	sadd.s32 s3, s5;
	[dreg:$0x0] =	wrdreg $0x0  }
0xa8: {  	s5 =	sshll.u32 s28, $0x1;
	[dreg:$0x2] =	wrdreg s3  }
0xa9: {  	[dreg:$0x3] =	wrdreg s5  }
0xaa: {  	[dreg:$0x4] =	wrdreg $0xC0  }
0xab: {  	_ =	task [dreg:s7], $0x5FFFF  }
0xac: {  	[dreg:$0x1] =	wrdreg $0xFFFFFFFF  }
0xad: {  	[dreg:$0x0] =	wrdreg $0x60  }
0xae: {  	[dreg:$0x2] =	wrdreg s2  }
0xaf: {  	[dreg:$0x3] =	wrdreg s24  }
0xb0: {  	[dreg:$0x4] =	wrdreg $0x0  }
0xb1: {  	[dreg:$0x5] =	wrdreg $0x9  }
0xb2: {  	_ =	task.clear_ibuf [dreg:s7], $0x6FFFF;
	_ =	strace $0x90000046  }
0xb3: {  	s29 =	simm.s32 $0x9;
	_ =	strace $0x80000048  }
0xb4: {  	_ =	swait.ge [sflag:s29], $0x1  }
0xb5: {  	[sflag:s29] =	ssyncadd.s32 $0xFFFFFFFF  }
0xb6: {  	_ =	strace $0x90000048  }
0xb7: {  	_ =	sfence  }
0xb8: {  	s30 =	sld [smem:$0x0];
	_ =	sdelay $0x2  }
0xb9: {  	s31 =	sshll.u32 s1, $0xD;
	s1 =	sshrl.u32 s1, $0x2  }
0xba: {  	s3 =	sand.u32 $0x4000, s31;
	s1 =	sadd.s32 s1, s30  }
0xbb: {  	s0 =	sor.u32 s3, s0;
	s1 =	sshll.u32 s1, $0x11  }
0xbc: {  	s0 =	sor.u32 s1, s0  }
0xbd: {  	s0 =	sadd.s32 $0x8F2B, s0  }
0xbe: {  	[sflag:s0] =	ssyncadd.remote.s32 $0x1  }
0xbf: {  	_ =	sfence.sel $0xFFFF  }
0xc0: {  	[dreg:$0x0] =	wrdreg $0xFFFFFFFF;
	(pc) =	sbr.abs _section_cstart, $3  }
0xc1: {  	[dreg:$0x1] =	wrdreg $0xFFFFFFFF  }
0xc2: {  	_ =	task.clear_ibuf [dreg:s7], $0x2FFFF;
	_ =	strace $0x9FFFFFFF  }
0xc3: {  	(tm) =	ssettm $0x7FFFFFFF  }
tec
execute0_lowered:
.L_overlay_start_1:
0x0: {  	(tag) =	ssettag $0x1  }
0x1: {  	s0 =	rddreg [dreg:$0x0]  }
0x2: {  	s1 =	srdreg.scid;
	s4 =	rddreg [dreg:$0x1]  }
0x3: {  	s2 =	rddreg [dreg:$0x2];
	s7 =	stileid.u32;
	s3 =	simm.s32 $0x0  }
0x4: {  	s15 =	simm.s32 $0x6;
	s17 =	simm.s32 $0x138C0;
	s19 =	simm.s32 $0x5  }
0x5: {  	s20 =	simm.s32 $0x80;
	s21 =	simm.s32 $0x148C0;
	s22 =	simm.s32 $0x1  }
0x6: {  	s23 =	simm.s32 $0x188C0;
	s24 =	simm.s32 $0x3;
	s25 =	simm.s32 $0x2  }
0x7: {  	s1 =	sand.u32 $0x1, s1;
	[smem:$0x7FF] =	sst s3;
	s26 =	smul.u32 $0x4E000, s7  }
0x8: {  	s6 =	sadd.s32 $0x16C00, s4;
	s28 =	smul.u32 $0x2700, s7;
	s29 =	sadd.s32 $0x27000, s0  }
0x9: {  	s30 =	sshll.u32 s7, $0x6;
	p0 =	sne.s32 s7, $0x0;
	s5 =	sshll.u32 s1, $0x4  }
0xa: {  	_ =	strace $0x80000047;
	[dreg:$0x4] =	wrdreg s6;
	s9 =	smul.u32 $0x27100, s1  }
0xb: {  	s10 =	ssub.s32 $0x2, s1;
	[dreg:$0x7] =	wrdreg s29;
	p1 =	sne.s32 s1, $0x0  }
0xc: {  	s13 =	sor.u32 $0x1C06, s30;
	s5 =	sor.u32 s7, s5;
	s11 =	sshrl.u32 s10, $0x1  }
0xd: {  	s6 =	sshrl.u32 s26, $0x2;
	[dreg:$0x5] =	wrdreg s28;
	s5 =	smul.u32 $0x500, s5  }
0xe: {  	s12 =	ssub.s32 s10, s11;
	s14 =	sadd.s32 s6, s2;
	s6 =	sadd.s32 $0x138000, s2  }
0xf: {  	s26 =	simm.s32 $0x4;
	s12 =	smax.u32 s12, $0x1;
	s31 =	sshrl.u32 s6, $0x3  }
0x10: {  	s8 =	sadd.s32 s5, s4;
	s5 =	sadd.s32 s0, s28;
	[dreg:$0x8] =	wrdreg s31  }
0x11: {  	s14 =	sshrl.u32 s14, $0x3;
	s4 =	sadd.s32 s9, s4;
	[dreg:$0x6] =	wrdreg s5  }
0x12: {  	s9 =	sadd.s32 $0xCC00, s8;
	s10 =	sadd.s32 $0x2C00, s8;
	s11 =	sadd.s32 $0x19400, s4  }
.LBB2_1:
.Ltmp0:
0x13: {  	(pc) =	sbr.rel @p1 .LBB2_4-.Ltmp0, $1  }
0x14: {  	_ =	sdelay $0x3  }
.Ltmp1:
0x15: {  	s1 =	rddreg [dreg:$0x6];
	(pc) =	sbr.rel @p0 .LBB2_7-.Ltmp1, $4  }
0x16: {  	[spmem:s14], [sflag:s13] =	dma.local [hbm:s1], $0x2700  }
0x17: {  	_ =	swait.ge [sflag:s15], $0x2700  }
0x18: {  	[sflag:s15] =	ssyncset.done $0x0  }
0x19: {  	[sflag:s15] =	ssyncadd.s32 $0xFFFFD900  }
.Ltmp2:
0x1a: {  	(pc) =	sbr.rel .LBB2_6-.Ltmp2, $4  }
0x1b: {  	_ = 	snop  }
0x1c: {  	s1 =	rddreg [dreg:$0x7]  }
0x1d: {  	s4 =	rddreg [dreg:$0x8]  }
0x1e: {  	[spmem:s4], [sflag:s13] =	dma.local [hbm:s1], $0x100  }
.LBB2_4:
.Ltmp3:
0x1f: {  	s1 =	rddreg [dreg:$0x4];
	(pc) =	sbr.rel @p0 .LBB2_7-.Ltmp3, $4  }
0x20: {  	[spmem:s14], [sflag:s13] =	dma.local [hbm:s1], $0x2700  }
0x21: {  	_ =	swait.ge [sflag:s15], $0x2700  }
0x22: {  	[sflag:s15] =	ssyncset.done $0x0  }
0x23: {  	[sflag:s15] =	ssyncadd.s32 $0xFFFFD900  }
0x24: {  	s1 =	rddreg [dreg:$0x4]  }
0x25: {  	s4 =	rddreg [dreg:$0x8]  }
0x26: {  	[spmem:s4], [sflag:s13] =	dma.local [hbm:s1], $0x100  }
.LBB2_6:
0x27: {  	_ =	swait.ge [sflag:s15], $0x100  }
0x28: {  	[sflag:s15] =	ssyncset.done $0x0  }
0x29: {  	[sflag:s15] =	ssyncadd.s32 $0xFFFFFF00  }
.LBB2_7:
0x2a: {  	[bflag:$0x0] =	sbarrier.arrive $0xFFFF;
	s1 =	simm.s32 $0x0  }
0x2b: {  	[tilespmem:s17], [sflag:$0x5] =	stream.linear.gather [hbm4b:s9+s1], $0x400, $0x38;
	[tilespmem:$0x1C8C0] =	vst v63  }
0x2c: {  	s4 =	simm.s32 $0x140C0  }
0x2d: {  	[tilespmem:s4], [sflag:$0x5] =	stream.linear.gather [hbm4b:s10+s1], $0x400, $0x38;
	[tilespmem:$0x1C8C0] =	vst v63  }
0x2e: {  	s16 =	sand.u32 $0x3, s1;
	_ =	swait.ge [sflag:s19], $0x400  }
0x2f: {  	p2 =	sne.s32 s16, $0x0;
	[sflag:s19] =	ssyncset.done $0x0  }
0x30: {  	p3 =	por @!p2 $0x0, $0x0;
	[sflag:s19] =	ssyncadd.s32 $0xFFFFFC00  }
0x31: {  	p2 =	por p3, p2;
	_ =	swait.ge [sflag:s19], $0x400  }
0x32: {  	s4 =	simm.s32 @!p2 $0x400;
	[sflag:s19] =	ssyncset.done $0x0  }
0x33: {  	s4 =	sand.u32 @!p2 $0x400, s4;
	[sflag:s19] =	ssyncadd.s32 $0xFFFFFC00  }
0x34: {  	[tilespmem:s21], [sflag:$0x1] =	stream.indirect.gather [hbm4b:s0+s20], $0x80, s17, s20, $0xb8;
	[tilespmem:$0x1C8C0] =	vst v63  }
0x35: {  	s8 =	sadd.s32 @!p2 $0x80, s9;
	s16 =	simm.s32 @!p2 $0x0;
	s7 =	sor.u32 @!p2 $0x138C0, s4  }
0x36: {  	[tilespmem:s7], [sflag:$0x5] =	stream.linear.gather @!p2 [hbm4b:s8+s16], $0x400, $0x38;
	[tilespmem:$0x1C8C0] =	vst v63  }
0x37: {  	s4 =	sor.u32 @!p2 $0x140C0, s4;
	s7 =	sadd.s32 @!p2 $0x80, s10  }
0x38: {  	[tilespmem:s4], [sflag:$0x5] =	stream.linear.gather @!p2 [hbm4b:s7+s16], $0x400, $0x38;
	[tilespmem:$0x1C8C0] =	vst v63  }
0x39: {  	s18 =	simm.s32 $0x0;
	_ =	swait.ge [sflag:s22], $0x4000  }
0x3a: {  	s1 =	sand.u32 $0x700, s1;
	s4 =	sand.u32 $0x1C00, s18;
	[sflag:s22] =	ssyncset.done $0x0  }
0x3b: {  	s28 =	sadd.s32 $0x13940, s1;
	s4 =	sshrl.u32 s4, $0x2;
	[sflag:s22] =	ssyncadd.s32 $0xFFFFC000  }
0x3c: {  	[tilespmem:s23], [sflag:$0x2] =	stream.indirect.gather [hbm4b:s0+s20], $0x80, s28, s20, $0xb8;
	[tilespmem:$0x1C8C0] =	vst v63  }
0x3d: {  	s4 =	sor.u32 $0x140C0, s4  }
0x3e: {  	[spmem:s2] =	stream.indirect.scatter.add.f32 [tilespmem:s21], [sflag:$0x3], $0x80, s4, s20, $0xb8;
	[tilespmem:$0x1C8C0] =	vst v63  }
0x3f: {  	s5 =	simm.s32 $0x2;
	_ =	swait.ge [sflag:s24], $0x4000  }
0x40: {  	s8 =	sand.u32 $0x6, s5;
	[sflag:s24] =	ssyncset.done $0x0  }
0x41: {  	s31 =	simm.s32 $0x800;
	p4 =	sne.s32 s8, $0x0;
	[sflag:s24] =	ssyncadd.s32 $0xFFFFC000  }
0x42: {  	s8 =	simm.s32 $0x100;
	s18 =	simm.s32 $0x1;
	_ =	swait.ge [sflag:s25], $0x4000  }
0x43: {  	s16 =	simm.s32 $0x2;
	s7 =	sor.u32 $0x80, s1;
	[sflag:s25] =	ssyncset.done $0x0  }
0x44: {  	s30 =	simm.s32 @!p4 $0x5;
	s28 =	sand.u32 $0x3, s18;
	[sflag:s25] =	ssyncadd.s32 $0xFFFFC000  }
0x45: {  	s1 =	simm.s32 $0x4;
	p2 =	sne.s32 s28, $0x0;
	_ =	swait.ge @!p4 [sflag:s30], $0x400  }
0x46: {  	s4 =	simm.s32 $0x400;
	p3 =	por @!p2 $0x0, $0x0;
	[sflag:s30] =	ssyncset.done @!p4 $0x0  }
0x47: {  	p3 =	por p3, p2;
	s4 =	sand.u32 $0x1C00, s4;
	[sflag:s30] =	ssyncadd.s32 @!p4 $0xFFFFFC00  }
0x48: {  	s18 =	simm.s32 @!p3 $0x400;
	s29 =	simm.s32 @!p3 $0x80;
	_ =	swait.ge @!p4 [sflag:s30], $0x400  }
.LBB2_8:
0x49: {  	s5 =	sand.u32 @!p3 $0x400, s18;
	[sflag:s30] =	ssyncset.done @!p4 $0x0  }
0x4a: {  	s28 =	smov.u32 s16;
	s16 =	sadd.s32 $0x1, s16;
	s18 =	smov.u32 s31  }
0x4b: {  	s4 =	sshrl.u32 s4, $0x2;
	p2 =	sne.s32 s16, $0x27;
	[sflag:s30] =	ssyncadd.s32 @!p4 $0xFFFFFC00  }
0x4c: {  	s30 =	sor.u32 @!p3 $0x138C0, s5;
	s5 =	sor.u32 @!p3 $0x140C0, s5;
	s4 =	sor.u32 $0x138C0, s4  }
0x4d: {  	[tilespmem:s21], [sflag:$0x1] =	stream.indirect.gather [hbm4b:s0+s20], $0x80, s4, s20, $0xb8;
	[tilespmem:$0x1C8C0] =	vst v63  }
0x4e: {  	s4 =	sadd.s32 $0x140C0, s7  }
0x4f: {  	[spmem:s2] =	stream.indirect.scatter.add.f32 [tilespmem:s23], [sflag:$0x4], $0x80, s4, s20, $0xb8;
	[tilespmem:$0x1C8C0] =	vst v63  }
0x50: {  	s7 =	simm.s32 @!p3 $0x0;
	s4 =	sadd.s32 @!p3 s9, s29;
	_ =	swait.ge [sflag:s26], $0x4000  }
0x51: {  	[sflag:s26] =	ssyncset.done $0x0  }
0x52: {  	[sflag:s26] =	ssyncadd.s32 $0xFFFFC000  }
0x53: {  	[tilespmem:s30], [sflag:$0x5] =	stream.linear.gather @!p3 [hbm4b:s4+s7], $0x400, $0x38;
	[tilespmem:$0x1C8C0] =	vst v63  }
0x54: {  	s4 =	sadd.s32 @!p3 s10, s29;
	s29 =	sand.u32 $0x700, s8;
	s30 =	sadd.s32 $0xFFFFFC00, s31  }
0x55: {  	[tilespmem:s5], [sflag:$0x5] =	stream.linear.gather @!p3 [hbm4b:s4+s7], $0x400, $0x38;
	[tilespmem:$0x1C8C0] =	vst v63  }
0x56: {  	s4 =	sadd.s32 $0x13940, s29;
	s5 =	sand.u32 $0x1C00, s30;
	_ =	swait.ge [sflag:s22], $0x4000  }
0x57: {  	s7 =	sor.u32 $0x80, s29;
	s5 =	sshrl.u32 s5, $0x2;
	[sflag:s22] =	ssyncset.done $0x0  }
0x58: {  	[sflag:s22] =	ssyncadd.s32 $0xFFFFC000  }
0x59: {  	[tilespmem:s23], [sflag:$0x2] =	stream.indirect.gather [hbm4b:s0+s20], $0x80, s4, s20, $0xb8;
	[tilespmem:$0x1C8C0] =	vst v63  }
0x5a: {  	s4 =	sor.u32 $0x140C0, s5  }
0x5b: {  	[spmem:s2] =	stream.indirect.scatter.add.f32 [tilespmem:s21], [sflag:$0x3], $0x80, s4, s20, $0xb8;
	[tilespmem:$0x1C8C0] =	vst v63  }
0x5c: {  	_ =	swait.ge [sflag:s24], $0x4000  }
0x5d: {  	[sflag:s24] =	ssyncset.done $0x0  }
0x5e: {  	s8 =	sadd.s32 $0x100, s8;
	s4 =	sand.u32 $0x6, s1;
	[sflag:s24] =	ssyncadd.s32 $0xFFFFC000  }
0x5f: {  	s5 =	sand.u32 $0x3, s28;
	p4 =	sne.s32 s4, $0x0;
	_ =	swait.ge [sflag:s25], $0x4000  }
0x60: {  	p3 =	sne.s32 s5, $0x0;
	s30 =	simm.s32 @!p4 $0x5;
	[sflag:s25] =	ssyncset.done $0x0  }
.Ltmp4:
0x61: {  	p5 =	sgt.u32 @!p3 s28, $0x23;
	[sflag:s25] =	ssyncadd.s32 $0xFFFFC000;
	(pc) =	sbr.rel @p2 .LBB2_8-.Ltmp4, $4  }
0x62: {  	s1 =	sadd.s32 $0x2, s1;
	p3 =	por p5, p3;
	_ =	swait.ge @!p4 [sflag:s30], $0x400  }
0x63: {  	s31 =	sadd.s32 $0x400, s31;
	s4 =	sshrl.u32 @!p3 s28, $0x2;
	[sflag:s30] =	ssyncset.done @!p4 $0x0  }
0x64: {  	s5 =	sadd.s32 @!p3 $0x1, s4;
	s4 =	sand.u32 $0x1C00, s18;
	[sflag:s30] =	ssyncadd.s32 @!p4 $0xFFFFFC00  }
0x65: {  	s18 =	sshll.u32 @!p3 s5, $0xA;
	s29 =	sshll.u32 @!p3 s5, $0x7;
	_ =	swait.ge @!p4 [sflag:s30], $0x400  }
0x66: {  	[sflag:s30] =	ssyncset.done @!p4 $0x0;
	s4 =	sshrl.u32 s4, $0x2  }
0x67: {  	[sflag:s30] =	ssyncadd.s32 @!p4 $0xFFFFFC00;
	s4 =	sor.u32 $0x138C0, s4  }
0x68: {  	[tilespmem:s21], [sflag:$0x1] =	stream.indirect.gather [hbm4b:s0+s20], $0x80, s4, s20, $0xb8;
	[tilespmem:$0x1C8C0] =	vst v63  }
0x69: {  	s28 =	sadd.s32 $0x140C0, s7  }
0x6a: {  	[spmem:s2] =	stream.indirect.scatter.add.f32 [tilespmem:s23], [sflag:$0x4], $0x80, s28, s20, $0xb8;
	[tilespmem:$0x1C8C0] =	vst v63  }
0x6b: {  	_ =	swait.ge [sflag:s26], $0x4000  }
0x6c: {  	s7 =	sadd.s32 @!p3 s9, s29;
	s4 =	sand.u32 @!p3 $0x400, s18;
	[sflag:s26] =	ssyncset.done $0x0  }
0x6d: {  	s16 =	simm.s32 @!p3 $0x0;
	s5 =	sor.u32 @!p3 $0x138C0, s4;
	[sflag:s26] =	ssyncadd.s32 $0xFFFFC000  }
0x6e: {  	[tilespmem:s5], [sflag:$0x5] =	stream.linear.gather @!p3 [hbm4b:s7+s16], $0x400, $0x38;
	[tilespmem:$0x1C8C0] =	vst v63  }
0x6f: {  	s4 =	sor.u32 @!p3 $0x140C0, s4;
	s5 =	sadd.s32 @!p3 s10, s29  }
0x70: {  	[tilespmem:s4], [sflag:$0x5] =	stream.linear.gather @!p3 [hbm4b:s5+s16], $0x400, $0x38;
	[tilespmem:$0x1C8C0] =	vst v63  }
0x71: {  	s7 =	sadd.s32 $0xFFFFFC00, s31;
	_ =	swait.ge [sflag:s22], $0x4000  }
0x72: {  	s29 =	sand.u32 $0x700, s8;
	s5 =	sand.u32 $0x1C00, s7;
	[sflag:s22] =	ssyncset.done $0x0  }
0x73: {  	s30 =	sadd.s32 $0x13940, s29;
	s5 =	sshrl.u32 s5, $0x2;
	[sflag:s22] =	ssyncadd.s32 $0xFFFFC000  }
0x74: {  	[tilespmem:s23], [sflag:$0x2] =	stream.indirect.gather [hbm4b:s0+s20], $0x80, s30, s20, $0xb8;
	[tilespmem:$0x1C8C0] =	vst v63  }
0x75: {  	s5 =	sor.u32 $0x140C0, s5  }
0x76: {  	[spmem:s2] =	stream.indirect.scatter.add.f32 [tilespmem:s21], [sflag:$0x3], $0x80, s5, s20, $0xb8;
	[tilespmem:$0x1C8C0] =	vst v63  }
0x77: {  	_ =	swait.ge [sflag:s24], $0x4000  }
0x78: {  	[sflag:s24] =	ssyncset.done $0x0  }
0x79: {  	[sflag:s24] =	ssyncadd.s32 $0xFFFFC000  }
0x7a: {  	s1 =	sand.u32 $0x6, s1;
	_ =	swait.ge [sflag:s25], $0x4000  }
0x7b: {  	p2 =	sne.s32 s1, $0x0;
	[sflag:s25] =	ssyncset.done $0x0  }
0x7c: {  	s1 =	simm.s32 @!p2 $0x5;
	[sflag:s25] =	ssyncadd.s32 $0xFFFFC000  }
0x7d: {  	_ =	swait.ge @!p2 [sflag:s1], $0x400  }
0x7e: {  	[sflag:s1] =	ssyncset.done @!p2 $0x0  }
0x7f: {  	[sflag:s1] =	ssyncadd.s32 @!p2 $0xFFFFFC00  }
0x80: {  	s8 =	sand.u32 $0x1C00, s31;
	_ =	swait.ge @!p2 [sflag:s1], $0x400  }
0x81: {  	s5 =	sshrl.u32 s8, $0x2;
	[sflag:s1] =	ssyncset.done @!p2 $0x0  }
0x82: {  	s16 =	sor.u32 $0x80, s29;
	s18 =	sor.u32 $0x138C0, s5;
	[sflag:s1] =	ssyncadd.s32 @!p2 $0xFFFFFC00  }
0x83: {  	[tilespmem:s21], [sflag:$0x1] =	stream.indirect.gather [hbm4b:s0+s20], $0x80, s18, s20, $0xb8;
	[tilespmem:$0x1C8C0] =	vst v63  }
0x84: {  	s1 =	sadd.s32 $0x140C0, s16  }
0x85: {  	[spmem:s2] =	stream.indirect.scatter.add.f32 [tilespmem:s23], [sflag:$0x4], $0x80, s1, s20, $0xb8;
	[tilespmem:$0x1C8C0] =	vst v63  }
0x86: {  	_ =	swait.ge [sflag:s26], $0x4000  }
0x87: {  	[sflag:s26] =	ssyncset.done $0x0  }
0x88: {  	[sflag:s26] =	ssyncadd.s32 $0xFFFFC000  }
0x89: {  	_ =	swait.ge [sflag:s22], $0x4000  }
0x8a: {  	[sflag:s22] =	ssyncset.done $0x0  }
0x8b: {  	s28 =	simm.s32 $0x14040;
	[sflag:s22] =	ssyncadd.s32 $0xFFFFC000  }
0x8c: {  	[tilespmem:s23], [sflag:$0x2] =	stream.indirect.gather [hbm4b:s0+s20], $0x80, s28, s20, $0xb8;
	[tilespmem:$0x1C8C0] =	vst v63  }
0x8d: {  	s29 =	simm.s32 $0x147C0  }
0x8e: {  	[spmem:s2] =	stream.indirect.scatter.add.f32 [tilespmem:s21], [sflag:$0x3], $0x80, s29, s20, $0xb8;
	[tilespmem:$0x1C8C0] =	vst v63  }
0x8f: {  	_ =	swait.ge [sflag:s24], $0x4000  }
0x90: {  	[sflag:s24] =	ssyncset.done $0x0  }
0x91: {  	[sflag:s24] =	ssyncadd.s32 $0xFFFFC000  }
0x92: {  	_ =	swait.ge [sflag:s25], $0x4000  }
0x93: {  	[sflag:s25] =	ssyncset.done $0x0  }
0x94: {  	s30 =	simm.s32 $0x14840;
	[sflag:s25] =	ssyncadd.s32 $0xFFFFC000  }
0x95: {  	[spmem:s2] =	stream.indirect.scatter.add.f32 [tilespmem:s23], [sflag:$0x4], $0x80, s30, s20, $0xb8;
	[tilespmem:$0x1C8C0] =	vst v63  }
0x96: {  	_ =	swait.ge [sflag:s26], $0x4000  }
0x97: {  	[sflag:s26] =	ssyncset.done $0x0  }
0x98: {  	[sflag:s26] =	ssyncadd.s32 $0xFFFFC000  }
0x99: {  	[bflag:$0x0] =	sbarrier.arrive $0xFFFF  }
0x9a: {  	s31 =	rddreg [dreg:$0x5]  }
0x9b: {  	s1 =	sadd.s32 s31, s11  }
0x9c: {  	[hbm:s1], [sflag:s13] =	dma.local [spmem:s14], $0x2700  }
0x9d: {  	_ =	swait.ge [sflag:s15], $0x2700  }
0x9e: {  	s3 =	sadd.s32 $0x1, s3;
	s4 =	sshrl.u32 @!p0 s6, $0x3;
	[sflag:s15] =	ssyncset.done $0x0  }
0x9f: {  	p2 =	sne.s32 s3, s12;
	s1 =	sadd.s32 @!p0 $0x27000, s11;
	[sflag:s15] =	ssyncadd.s32 $0xFFFFD900  }
0xa0: {  	[hbm:s1], [sflag:s13] =	dma.local @!p0 [spmem:s4], $0x100  }
.Ltmp5:
0xa1: {  	_ = 	snop;
	(pc) =	sbr.rel @p2 .LBB2_1-.Ltmp5, $4  }
0xa2: {  	s1 =	simm.s32 @!p0 $0x6  }
0xa3: {  	_ =	swait.ge @!p0 [sflag:s1], $0x100  }
0xa4: {  	[sflag:s1] =	ssyncset.done @!p0 $0x0  }
0xa5: {  	[sflag:s1] =	ssyncadd.s32 @!p0 $0xFFFFFF00  }
0xa6: {  	_ =	sfence.sel $0x180000  }
0xa7: {  	[bflag:$0x0] =	sbarrier.arrive $0xFFFF  }
0xa8: {  	_ =	strace $0x90000047  }
0xa9: {  	[bflag:$0x2] =	sbarrier.arrive $0xFFFF  }
0xaa: {  	s0 =	rddreg [dreg:$0x3]  }
0xab: {  	s0 =	sadd.s32 @!p0 $0x100000, s0  }
0xac: {  	[sflag:s0] =	ssyncadd.tile.s32 @!p0 $0x1;
	_ =	shalt  }
.Lfunc_end2:
_tile_overlayer_lowered:
.L_overlay_start_2:
0xad: {  	(tag) =	ssettag $0x2  }
0xae: {  	s0 =	rddreg [dreg:$0x0];
	s2 =	stileid.u32  }
0xaf: {  	s1 =	rddreg [dreg:$0x1];
	p0 =	sne.s32 s2, $0x0  }
0xb0: {  	s3 =	rddreg [dreg:$0x2];
	[bflag:$0x3] =	sbarrier.arrive $0xFFFF;
	s2 =	simm.s32 @!p0 $0x1C06  }
0xb1: {  	[timem:s3], [sflag:s2] =	dma.local @!p0 [hbm:s0], s1  }
0xb2: {  	s0 =	simm.s32 @!p0 $0x6  }
0xb3: {  	_ =	swait.ge @!p0 [sflag:s0], s1  }
0xb4: {  	s1 =	ssub.s32 @!p0 $0x0, s1;
	[sflag:s0] =	ssyncset.done @!p0 $0x0  }
0xb5: {  	[sflag:s0] =	ssyncadd.s32 @!p0 s1  }
0xb6: {  	[bflag:$0x3] =	sbarrier.arrive $0xFFFF  }
0xb7: {  	_ =	shalt  }

</sc_bundles>
